<compile_context>
chip_gen: v7x
topology: tpu7x:2x2x1
jax: 0.10.2.dev20260603
libtpu: 0.0.44.dev20260713+nightly
codegen_flags: <defaults>
</compile_context>

<pallas_src>
import functools

import jax
import jax.numpy as jnp
from jax import lax
from jax.experimental import pallas as pl
from jax.experimental.pallas import tpu as pltpu
from jax.experimental.pallas import tpu_sc as plsc

B, L, V, D, F, U, NCLS = 4096, 200, 100000, 128, 128, 512, 5
TB = 64
RB = TB * L

NC, NS = 2, 16
NW = NC * NS
ROWS = B * L


def _sc_gather_body(rpw, nchunk, hb, ch, emb_hbm, idx_hbm, out_hbm,
                    idx_v, rows_v, gsem, osem0, osem1):
    HB = hb
    NBUF = 2 * HB
    CH = ch
    wid = lax.axis_index("s") * NC + lax.axis_index("c")
    base = pl.multiple_of(wid * rpw, rpw)
    pltpu.sync_copy(idx_hbm.at[pl.ds(base, rpw)], idx_v)
    osems = (osem0, osem1)

    @pl.loop(0, nchunk, step=NBUF)
    def _grp(g):
        for h in range(2):
            osem = osems[h]

            @pl.when(g > 0)
            def _drain():
                for b in range(HB):
                    pltpu.make_async_copy(
                        rows_v.at[h * HB + b],
                        out_hbm.at[pl.ds(base, CH)], osem).wait()

            gds = []
            for b in range(HB):
                off = pl.multiple_of((g + h * HB + b) * CH, CH)
                gd = pltpu.make_async_copy(
                    emb_hbm.at[idx_v.at[pl.ds(off, CH)]],
                    rows_v.at[h * HB + b], gsem)
                gd.start()
                gds.append((gd, off))
            for b in range(HB):
                gd, off = gds[b]
                gd.wait()
                pltpu.make_async_copy(
                    rows_v.at[h * HB + b],
                    out_hbm.at[pl.ds(base + off, CH)], osem).start()

    for h in range(2):
        for b in range(HB):
            pltpu.make_async_copy(
                rows_v.at[h * HB + b],
                out_hbm.at[pl.ds(base, CH)], osems[h]).wait()


def _sc_gather(emb, idx_flat):
    rows = idx_flat.shape[0]
    rpw = rows // NW
    ch = max(c for c in range(8, 88, 8)
             if rpw % c == 0 and (rpw // c) % 8 == 0)
    nchunk = rpw // ch
    hb = 4
    mesh = plsc.VectorSubcoreMesh(core_axis_name="c", subcore_axis_name="s")
    return pl.kernel(
        functools.partial(_sc_gather_body, rpw, nchunk, hb, ch),
        out_type=jax.ShapeDtypeStruct((rows, D), jnp.float32),
        mesh=mesh,
        scratch_types=[
            pltpu.VMEM((rpw,), jnp.int32),
            pltpu.VMEM((2 * hb, ch, D), jnp.float32),
            pltpu.SemaphoreType.DMA,
            pltpu.SemaphoreType.DMA,
            pltpu.SemaphoreType.DMA,
        ],
    )(emb, idx_flat)


def _tc_body(x_ref, wq_ref, w2c_ref, b1_ref, b2_ref, b3_ref,
             wd_ref, bd_ref, wlp_ref, blp_ref, out_ref):
    xb = x_ref[...].astype(jnp.bfloat16)
    xs = jnp.concatenate([xb[1:RB, :], xb[RB - 1:RB, :]], axis=0)
    xx = jnp.concatenate([xb, xs], axis=1)
    q2 = jnp.dot(xx, wq_ref[...], preferred_element_type=jnp.float32)
    q = q2.reshape(TB, L, 512)
    r2 = jnp.dot(xb, w2c_ref[...], preferred_element_type=jnp.float32)
    r3 = r2.reshape(TB, L, F)

    s1 = q[:, 0:199, 0:128] + b1_ref[...]
    s2 = (q[:, 0:198, 128:256] + r3[:, 2:200, :]
          + b2_ref[...])
    s3 = (q[:, 0:197, 256:384] + q[:, 2:199, 384:512]
          + b3_ref[...])
    m1 = jnp.max(jnp.maximum(s1, 0.0), axis=1)
    m2 = jnp.max(jnp.maximum(s2, 0.0), axis=1)
    m3 = jnp.max(jnp.maximum(s3, 0.0), axis=1)
    cat = jnp.concatenate([m1, m2, m3], axis=1)

    h = jnp.maximum(
        jnp.dot(cat, wd_ref[...], preferred_element_type=jnp.float32)
        + bd_ref[...], 0.0)
    logits = (jnp.dot(h, wlp_ref[...], preferred_element_type=jnp.float32)
              + blp_ref[...])
    mx = jnp.max(logits, axis=1, keepdims=True)
    e = jnp.exp(logits - mx)
    out_ref[...] = e / jnp.sum(e, axis=1, keepdims=True)


def _tc_forward(x2d, wq, w2c, b1r, b2r, b3r, wd, bdr, wlp, blp):
    nb = x2d.shape[0] // RB
    return pl.pallas_call(
        _tc_body,
        grid=(nb,),
        in_specs=[
            pl.BlockSpec((RB, D), lambda i: (i, 0)),
            pl.BlockSpec((2 * D, 512), lambda i: (0, 0)),
            pl.BlockSpec((D, F), lambda i: (0, 0)),
            pl.BlockSpec((1, 1, F), lambda i: (0, 0, 0)),
            pl.BlockSpec((1, 1, F), lambda i: (0, 0, 0)),
            pl.BlockSpec((1, 1, F), lambda i: (0, 0, 0)),
            pl.BlockSpec((3 * F, U), lambda i: (0, 0)),
            pl.BlockSpec((1, U), lambda i: (0, 0)),
            pl.BlockSpec((U, 128), lambda i: (0, 0)),
            pl.BlockSpec((1, 128), lambda i: (0, 0)),
        ],
        out_specs=pl.BlockSpec((TB, 128), lambda i: (i, 0)),
        out_shape=jax.ShapeDtypeStruct((nb * TB, 128), jnp.float32),
    )(x2d, wq, w2c, b1r, b2r, b3r, wd, bdr, wlp, blp)


SLICE_ROWS = (2048 * L, 2048 * L)


def kernel(inputs, emb, W1, b1, W2, b2, W3, b3, Wd, bd, Wl, bl, training):
    idx_flat = inputs.reshape(B * L).astype(jnp.int32)

    wq = jnp.concatenate([
        W1.reshape(2 * D, F),
        W2[0:2].reshape(2 * D, F),
        W3[0:2].reshape(2 * D, F),
        W3[2:4].reshape(2 * D, F),
    ], axis=1).astype(jnp.bfloat16)
    w2c = W2[2].astype(jnp.bfloat16)

    b1r = b1.reshape(1, 1, F)
    b2r = b2.reshape(1, 1, F)
    b3r = b3.reshape(1, 1, F)
    bdr = bd.reshape(1, U)
    wlp = jnp.pad(Wl, ((0, 0), (0, 128 - NCLS)))
    blp = jnp.concatenate(
        [bl, jnp.full((128 - NCLS,), -1e30, dtype=jnp.float32)]).reshape(1, 128)

    outs = []
    x_prev = None
    start = 0
    for srows in SLICE_ROWS:
        idx_s = lax.slice(idx_flat, (start,), (start + srows,))
        start += srows
        if x_prev is not None:
            idx_s, _ = lax.optimization_barrier((idx_s, x_prev))
        x_s = _sc_gather(emb, idx_s)
        x_prev = x_s
        outs.append(_tc_forward(x_s, wq, w2c, b1r, b2r, b3r, Wd, bdr,
                                wlp, blp))
    out = jnp.concatenate(outs, axis=0)
    return out[:, :NCLS]

# --- scband reference (transcript-rebuilt; emitter-appended) ---
"""Pipeline reference for scband-text-model-10677288698282 (READ-ONLY COPY).

The authoritative reference and input builder live on the scoring server;
editing this copy changes nothing except your own understanding.
"""

import jax, jax.numpy as jnp
import numpy as np

B, L, V, D, F, U, NCLS = 4096, 200, 100000, 128, 128, 512, 5

def conv1d_relu(x, w, b):
    # x: [B, L, D], w: [K, D, F] (WIO), valid padding, stride 1
    out = jax.lax.conv_general_dilated(
        x, w, window_strides=(1,), padding='VALID',
        dimension_numbers=('NWC', 'WIO', 'NWC'))
    return jax.nn.relu(out + b)

def setup_inputs(seed: int = 0):
    key = jax.random.key(seed)
    ks = jax.random.split(key, 12)
    inputs = jax.random.randint(ks[0], (B, L), 0, V, dtype=jnp.int32).astype(jnp.int64)
    emb = jax.random.normal(ks[1], (V, D), dtype=jnp.float32) * 0.02
    W1 = jax.random.normal(ks[2], (2, D, F), dtype=jnp.float32) * 0.05
    b1 = jnp.zeros((F,), dtype=jnp.float32)
    W2 = jax.random.normal(ks[3], (3, D, F), dtype=jnp.float32) * 0.05
    b2 = jnp.zeros((F,), dtype=jnp.float32)
    W3 = jax.random.normal(ks[4], (4, D, F), dtype=jnp.float32) * 0.05
    b3 = jnp.zeros((F,), dtype=jnp.float32)
    Wd = jax.random.normal(ks[5], (3 * F, U), dtype=jnp.float32) * 0.05
    bd = jnp.zeros((U,), dtype=jnp.float32)
    Wl = jax.random.normal(ks[6], (U, NCLS), dtype=jnp.float32) * 0.05
    bl = jnp.zeros((NCLS,), dtype=jnp.float32)
    return {"inputs": inputs, "emb": emb, "W1": W1, "b1": b1, "W2": W2, "b2": b2,
            "W3": W3, "b3": b3, "Wd": Wd, "bd": bd, "Wl": Wl, "bl": bl,
            "training": False}

def reference(inputs, emb, W1, b1, W2, b2, W3, b3, Wd, bd, Wl, bl, training):
    # Embedding lookup (gather)
    x = jnp.take(emb, inputs, axis=0)              # [B, L, D]
    l1 = jnp.max(conv1d_relu(x, W1, b1), axis=1)   # [B, F] global max pool
    l2 = jnp.max(conv1d_relu(x, W2, b2), axis=1)   # [B, F]
    l3 = jnpp_concat = None
    l3 = jnp.max(conv1d_relu(x, W3, b3), axis=1)   # [B, F]
    cat = jnp.concatenate([l1, l2, l3], axis=-1)   # [B, 3F]
    h = jax.nn.relu(cat @ Wd + bd)                 # [B, U]
    # dropout: training=False -> identity
    out = jax.nn.softmax(h @ Wl + bl, axis=-1)     # [B, 5]
    return out

if __name__ == "__main__":
    import jax
    _d = setup_inputs()
    print(jax.jit(kernel)(*tuple(_d.values())))

</pallas_src>

<mosaic_0001>
#map = affine_map<(d0, d1) -> (0, 0)>
#map1 = affine_map<(d0, d1) -> (0)>
module attributes {stable_mosaic.version = 14 : i64} {
  func.func @_sc_gather_body(%arg0: i32, %arg1: i32, %arg2: memref<100000x128xf32, #tpu.memory_space<hbm>>, %arg3: memref<409600xi32, #tpu.memory_space<hbm>>, %arg4: memref<409600x128xf32, #tpu.memory_space<hbm>>, %arg5: memref<12800xi32, #tpu.memory_space<vmem>>, %arg6: memref<8x80x128xf32, #tpu.memory_space<vmem>>, %arg7: memref<!tpu.dma_semaphore, #tpu.memory_space<semaphore_mem>>, %arg8: memref<!tpu.dma_semaphore, #tpu.memory_space<semaphore_mem>>, %arg9: memref<!tpu.dma_semaphore, #tpu.memory_space<semaphore_mem>>) attributes {dimension_semantics = [#tpu.dimension_semantics<core_parallel>, #tpu.dimension_semantics<subcore_parallel>], iteration_bounds = array<i64: 2, 16>, scalar_prefetch = 0 : i64, scratch_operands = 5 : i64, tpu.core_type = #tpu.core_type<sc_vector_subcore>, window_params = [{transform_indices = #map}, {transform_indices = #map1}, {transform_indices = #map}]} {
    %mul3A = arith.constant 2 : i32
    %mul3A_0 = arith.muli %arg1, %mul3A : i32
    %add3A = arith.addi %mul3A_0, %arg0 : i32
    %mul3A_1 = arith.constant 12800 : i32
    %mul3A_2 = arith.muli %add3A, %mul3A_1 : i32
    %multiple_of3A = tpu.assume_multiple %mul3A_2, 12800 : i32
    "tpu.region"() ({
      %run_scoped3A = tpu.sem_alloc : memref<!tpu.dma_semaphore, #tpu.memory_space<semaphore_mem>>
      %dma_start3A = tpu.memref_slice %arg3[%multiple_of3A] : memref<409600xi32, #tpu.memory_space<hbm>> -> memref<12800xi32, #tpu.memory_space<hbm>>
      %dma_start3A_110 = tpu.memref_slice %arg3[%multiple_of3A] : memref<409600xi32, #tpu.memory_space<hbm>> -> memref<12800xi32, #tpu.memory_space<hbm>>
      tpu.enqueue_dma source(%dma_start3A_110 : memref<12800xi32, #tpu.memory_space<hbm>>) target(%arg5 : memref<12800xi32, #tpu.memory_space<vmem>>) target_semaphore(%run_scoped3A : memref<!tpu.dma_semaphore, #tpu.memory_space<semaphore_mem>>)
      %dma_wait3A_111 = tpu.memref_slice %arg3[%multiple_of3A] : memref<409600xi32, #tpu.memory_space<hbm>> -> memref<12800xi32, #tpu.memory_space<hbm>>
      %dma_wait3A_112 = tpu.memref_slice %arg3[%multiple_of3A] : memref<409600xi32, #tpu.memory_space<hbm>> -> memref<12800xi32, #tpu.memory_space<hbm>>
      tpu.wait_dma2 semaphore(%run_scoped3A : memref<!tpu.dma_semaphore, #tpu.memory_space<semaphore_mem>>) src(%dma_wait3A_112 : memref<12800xi32, #tpu.memory_space<hbm>>) dst(%arg5 : memref<12800xi32, #tpu.memory_space<vmem>>)
      tpu.yield
    }) : () -> ()
    %scan3A = arith.constant 0 : i32
    %scan3A_3 = arith.constant 20 : i32
    %scan3A_4 = arith.addi %scan3A, %scan3A_3 : i32
    %scan3A_5 = arith.constant 1 : i32
    scf.for %scan3A_110 = %scan3A to %scan3A_4 step %scan3A_5  : i32 {
      %mul3A_111 = arith.constant 8 : i32
      %mul3A_112 = arith.muli %scan3A_110, %mul3A_111 : i32
      %add3A_113 = arith.constant 0 : i32
      %add3A_114 = arith.addi %add3A_113, %mul3A_112 : i32
      %gt3A = arith.constant 0 : i32
      %gt3A_115 = arith.cmpi sgt, %add3A_114, %gt3A : i32
      %convert_element_type3A = arith.extui %gt3A_115 : i1 to i32
      %cond3A = arith.constant 0 : i32
      %cond3A_116 = arith.cmpi ne, %convert_element_type3A, %cond3A : i32
      scf.if %cond3A_116 {
        %dma_wait3A_433 = arith.constant 0 : i32
        %dma_wait3A_434 = arith.constant 0 : i32
        %dma_wait3A_435 = arith.constant 0 : i32
        %dma_wait3A_436 = tpu.memref_slice %arg6[%dma_wait3A_433, %dma_wait3A_434, %dma_wait3A_435] : memref<8x80x128xf32, #tpu.memory_space<vmem>> -> memref<1x80x128xf32, #tpu.memory_space<vmem>>
        %dma_wait3A_437 = tpu.memref_squeeze %dma_wait3A_436 : memref<1x80x128xf32, #tpu.memory_space<vmem>> -> memref<80x128xf32, #tpu.memory_space<vmem>>
        %dma_wait3A_438 = arith.constant 0 : i32
        %dma_wait3A_439 = tpu.memref_slice %arg4[%multiple_of3A, %dma_wait3A_438] : memref<409600x128xf32, #tpu.memory_space<hbm>> -> memref<80x128xf32, #tpu.memory_space<hbm>>
        %dma_wait3A_440 = arith.constant 0 : i32
        %dma_wait3A_441 = tpu.memref_slice %arg4[%multiple_of3A, %dma_wait3A_440] : memref<409600x128xf32, #tpu.memory_space<hbm>> -> memref<80x128xf32, #tpu.memory_space<hbm>>
        %dma_wait3A_442 = arith.constant 0 : i32
        %dma_wait3A_443 = arith.constant 0 : i32
        %dma_wait3A_444 = tpu.memref_slice %arg6[%dma_wait3A_433, %dma_wait3A_442, %dma_wait3A_443] : memref<8x80x128xf32, #tpu.memory_space<vmem>> -> memref<1x80x128xf32, #tpu.memory_space<vmem>>
        %dma_wait3A_445 = tpu.memref_squeeze %dma_wait3A_444 : memref<1x80x128xf32, #tpu.memory_space<vmem>> -> memref<80x128xf32, #tpu.memory_space<vmem>>
        tpu.wait_dma2 semaphore(%arg8 : memref<!tpu.dma_semaphore, #tpu.memory_space<semaphore_mem>>) src(%dma_wait3A_445 : memref<80x128xf32, #tpu.memory_space<vmem>>) dst(%dma_wait3A_441 : memref<80x128xf32, #tpu.memory_space<hbm>>)
        %dma_wait3A_446 = arith.constant 1 : i32
        %dma_wait3A_447 = arith.constant 0 : i32
        %dma_wait3A_448 = arith.constant 0 : i32
        %dma_wait3A_449 = tpu.memref_slice %arg6[%dma_wait3A_446, %dma_wait3A_447, %dma_wait3A_448] : memref<8x80x128xf32, #tpu.memory_space<vmem>> -> memref<1x80x128xf32, #tpu.memory_space<vmem>>
        %dma_wait3A_450 = tpu.memref_squeeze %dma_wait3A_449 : memref<1x80x128xf32, #tpu.memory_space<vmem>> -> memref<80x128xf32, #tpu.memory_space<vmem>>
        %dma_wait3A_451 = arith.constant 0 : i32
        %dma_wait3A_452 = tpu.memref_slice %arg4[%multiple_of3A, %dma_wait3A_451] : memref<409600x128xf32, #tpu.memory_space<hbm>> -> memref<80x128xf32, #tpu.memory_space<hbm>>
        %dma_wait3A_453 = arith.constant 0 : i32
        %dma_wait3A_454 = tpu.memref_slice %arg4[%multiple_of3A, %dma_wait3A_453] : memref<409600x128xf32, #tpu.memory_space<hbm>> -> memref<80x128xf32, #tpu.memory_space<hbm>>
        %dma_wait3A_455 = arith.constant 0 : i32
        %dma_wait3A_456 = arith.constant 0 : i32
        %dma_wait3A_457 = tpu.memref_slice %arg6[%dma_wait3A_446, %dma_wait3A_455, %dma_wait3A_456] : memref<8x80x128xf32, #tpu.memory_space<vmem>> -> memref<1x80x128xf32, #tpu.memory_space<vmem>>
        %dma_wait3A_458 = tpu.memref_squeeze %dma_wait3A_457 : memref<1x80x128xf32, #tpu.memory_space<vmem>> -> memref<80x128xf32, #tpu.memory_space<vmem>>
        tpu.wait_dma2 semaphore(%arg8 : memref<!tpu.dma_semaphore, #tpu.memory_space<semaphore_mem>>) src(%dma_wait3A_458 : memref<80x128xf32, #tpu.memory_space<vmem>>) dst(%dma_wait3A_454 : memref<80x128xf32, #tpu.memory_space<hbm>>)
        %dma_wait3A_459 = arith.constant 2 : i32
        %dma_wait3A_460 = arith.constant 0 : i32
        %dma_wait3A_461 = arith.constant 0 : i32
        %dma_wait3A_462 = tpu.memref_slice %arg6[%dma_wait3A_459, %dma_wait3A_460, %dma_wait3A_461] : memref<8x80x128xf32, #tpu.memory_space<vmem>> -> memref<1x80x128xf32, #tpu.memory_space<vmem>>
        %dma_wait3A_463 = tpu.memref_squeeze %dma_wait3A_462 : memref<1x80x128xf32, #tpu.memory_space<vmem>> -> memref<80x128xf32, #tpu.memory_space<vmem>>
        %dma_wait3A_464 = arith.constant 0 : i32
        %dma_wait3A_465 = tpu.memref_slice %arg4[%multiple_of3A, %dma_wait3A_464] : memref<409600x128xf32, #tpu.memory_space<hbm>> -> memref<80x128xf32, #tpu.memory_space<hbm>>
        %dma_wait3A_466 = arith.constant 0 : i32
        %dma_wait3A_467 = tpu.memref_slice %arg4[%multiple_of3A, %dma_wait3A_466] : memref<409600x128xf32, #tpu.memory_space<hbm>> -> memref<80x128xf32, #tpu.memory_space<hbm>>
        %dma_wait3A_468 = arith.constant 0 : i32
        %dma_wait3A_469 = arith.constant 0 : i32
        %dma_wait3A_470 = tpu.memref_slice %arg6[%dma_wait3A_459, %dma_wait3A_468, %dma_wait3A_469] : memref<8x80x128xf32, #tpu.memory_space<vmem>> -> memref<1x80x128xf32, #tpu.memory_space<vmem>>
        %dma_wait3A_471 = tpu.memref_squeeze %dma_wait3A_470 : memref<1x80x128xf32, #tpu.memory_space<vmem>> -> memref<80x128xf32, #tpu.memory_space<vmem>>
        tpu.wait_dma2 semaphore(%arg8 : memref<!tpu.dma_semaphore, #tpu.memory_space<semaphore_mem>>) src(%dma_wait3A_471 : memref<80x128xf32, #tpu.memory_space<vmem>>) dst(%dma_wait3A_467 : memref<80x128xf32, #tpu.memory_space<hbm>>)
        %dma_wait3A_472 = arith.constant 3 : i32
        %dma_wait3A_473 = arith.constant 0 : i32
        %dma_wait3A_474 = arith.constant 0 : i32
        %dma_wait3A_475 = tpu.memref_slice %arg6[%dma_wait3A_472, %dma_wait3A_473, %dma_wait3A_474] : memref<8x80x128xf32, #tpu.memory_space<vmem>> -> memref<1x80x128xf32, #tpu.memory_space<vmem>>
        %dma_wait3A_476 = tpu.memref_squeeze %dma_wait3A_475 : memref<1x80x128xf32, #tpu.memory_space<vmem>> -> memref<80x128xf32, #tpu.memory_space<vmem>>
        %dma_wait3A_477 = arith.constant 0 : i32
        %dma_wait3A_478 = tpu.memref_slice %arg4[%multiple_of3A, %dma_wait3A_477] : memref<409600x128xf32, #tpu.memory_space<hbm>> -> memref<80x128xf32, #tpu.memory_space<hbm>>
        %dma_wait3A_479 = arith.constant 0 : i32
        %dma_wait3A_480 = tpu.memref_slice %arg4[%multiple_of3A, %dma_wait3A_479] : memref<409600x128xf32, #tpu.memory_space<hbm>> -> memref<80x128xf32, #tpu.memory_space<hbm>>
        %dma_wait3A_481 = arith.constant 0 : i32
        %dma_wait3A_482 = arith.constant 0 : i32
        %dma_wait3A_483 = tpu.memref_slice %arg6[%dma_wait3A_472, %dma_wait3A_481, %dma_wait3A_482] : memref<8x80x128xf32, #tpu.memory_space<vmem>> -> memref<1x80x128xf32, #tpu.memory_space<vmem>>
        %dma_wait3A_484 = tpu.memref_squeeze %dma_wait3A_483 : memref<1x80x128xf32, #tpu.memory_space<vmem>> -> memref<80x128xf32, #tpu.memory_space<vmem>>
        tpu.wait_dma2 semaphore(%arg8 : memref<!tpu.dma_semaphore, #tpu.memory_space<semaphore_mem>>) src(%dma_wait3A_484 : memref<80x128xf32, #tpu.memory_space<vmem>>) dst(%dma_wait3A_480 : memref<80x128xf32, #tpu.memory_space<hbm>>)
      } else {
      }
      %add3A_117 = arith.constant 0 : i32
      %add3A_118 = arith.addi %add3A_114, %add3A_117 : i32
      %add3A_119 = arith.constant 0 : i32
      %add3A_120 = arith.addi %add3A_118, %add3A_119 : i32
      %mul3A_121 = arith.constant 80 : i32
      %mul3A_122 = arith.muli %add3A_120, %mul3A_121 : i32
      %multiple_of3A_123 = tpu.assume_multiple %mul3A_122, 80 : i32
      %dma_start3A = arith.constant 0 : i32
      %dma_start3A_124 = arith.constant 0 : i32
      %dma_start3A_125 = arith.constant 0 : i32
      %dma_start3A_126 = tpu.memref_slice %arg6[%dma_start3A, %dma_start3A_124, %dma_start3A_125] : memref<8x80x128xf32, #tpu.memory_space<vmem>> -> memref<1x80x128xf32, #tpu.memory_space<vmem>>
      %dma_start3A_127 = tpu.memref_squeeze %dma_start3A_126 : memref<1x80x128xf32, #tpu.memory_space<vmem>> -> memref<80x128xf32, #tpu.memory_space<vmem>>
      %dma_start3A_128 = tpu.memref_slice %arg5[%multiple_of3A_123] : memref<12800xi32, #tpu.memory_space<vmem>> -> memref<80xi32, #tpu.memory_space<vmem>>
      %dma_start3A_129 = arith.constant 0 : i32
      %dma_start3A_130 = arith.constant 0 : i32
      %dma_start3A_131 = tpu.memref_slice %arg2[%dma_start3A_129, %dma_start3A_130] : memref<100000x128xf32, #tpu.memory_space<hbm>> -> memref<100000x128xf32, #tpu.memory_space<hbm>>
      tpu.enqueue_indirect_dma source(%dma_start3A_131 : memref<100000x128xf32, #tpu.memory_space<hbm>>) target(%dma_start3A_127 : memref<80x128xf32, #tpu.memory_space<vmem>>) offsets(%dma_start3A_128 : memref<80xi32, #tpu.memory_space<vmem>>) semaphore(%arg7 : memref<!tpu.dma_semaphore, #tpu.memory_space<semaphore_mem>>)
      %add3A_132 = arith.constant 0 : i32
      %add3A_133 = arith.addi %add3A_114, %add3A_132 : i32
      %add3A_134 = arith.constant 1 : i32
      %add3A_135 = arith.addi %add3A_133, %add3A_134 : i32
      %mul3A_136 = arith.constant 80 : i32
      %mul3A_137 = arith.muli %add3A_135, %mul3A_136 : i32
      %multiple_of3A_138 = tpu.assume_multiple %mul3A_137, 80 : i32
      %dma_start3A_139 = arith.constant 1 : i32
      %dma_start3A_140 = arith.constant 0 : i32
      %dma_start3A_141 = arith.constant 0 : i32
      %dma_start3A_142 = tpu.memref_slice %arg6[%dma_start3A_139, %dma_start3A_140, %dma_start3A_141] : memref<8x80x128xf32, #tpu.memory_space<vmem>> -> memref<1x80x128xf32, #tpu.memory_space<vmem>>
      %dma_start3A_143 = tpu.memref_squeeze %dma_start3A_142 : memref<1x80x128xf32, #tpu.memory_space<vmem>> -> memref<80x128xf32, #tpu.memory_space<vmem>>
      %dma_start3A_144 = tpu.memref_slice %arg5[%multiple_of3A_138] : memref<12800xi32, #tpu.memory_space<vmem>> -> memref<80xi32, #tpu.memory_space<vmem>>
      %dma_start3A_145 = arith.constant 0 : i32
      %dma_start3A_146 = arith.constant 0 : i32
      %dma_start3A_147 = tpu.memref_slice %arg2[%dma_start3A_145, %dma_start3A_146] : memref<100000x128xf32, #tpu.memory_space<hbm>> -> memref<100000x128xf32, #tpu.memory_space<hbm>>
      tpu.enqueue_indirect_dma source(%dma_start3A_147 : memref<100000x128xf32, #tpu.memory_space<hbm>>) target(%dma_start3A_143 : memref<80x128xf32, #tpu.memory_space<vmem>>) offsets(%dma_start3A_144 : memref<80xi32, #tpu.memory_space<vmem>>) semaphore(%arg7 : memref<!tpu.dma_semaphore, #tpu.memory_space<semaphore_mem>>)
      %add3A_148 = arith.constant 0 : i32
      %add3A_149 = arith.addi %add3A_114, %add3A_148 : i32
      %add3A_150 = arith.constant 2 : i32
      %add3A_151 = arith.addi %add3A_149, %add3A_150 : i32
      %mul3A_152 = arith.constant 80 : i32
      %mul3A_153 = arith.muli %add3A_151, %mul3A_152 : i32
      %multiple_of3A_154 = tpu.assume_multiple %mul3A_153, 80 : i32
      %dma_start3A_155 = arith.constant 2 : i32
      %dma_start3A_156 = arith.constant 0 : i32
      %dma_start3A_157 = arith.constant 0 : i32
      %dma_start3A_158 = tpu.memref_slice %arg6[%dma_start3A_155, %dma_start3A_156, %dma_start3A_157] : memref<8x80x128xf32, #tpu.memory_space<vmem>> -> memref<1x80x128xf32, #tpu.memory_space<vmem>>
      %dma_start3A_159 = tpu.memref_squeeze %dma_start3A_158 : memref<1x80x128xf32, #tpu.memory_space<vmem>> -> memref<80x128xf32, #tpu.memory_space<vmem>>
      %dma_start3A_160 = tpu.memref_slice %arg5[%multiple_of3A_154] : memref<12800xi32, #tpu.memory_space<vmem>> -> memref<80xi32, #tpu.memory_space<vmem>>
      %dma_start3A_161 = arith.constant 0 : i32
      %dma_start3A_162 = arith.constant 0 : i32
      %dma_start3A_163 = tpu.memref_slice %arg2[%dma_start3A_161, %dma_start3A_162] : memref<100000x128xf32, #tpu.memory_space<hbm>> -> memref<100000x128xf32, #tpu.memory_space<hbm>>
      tpu.enqueue_indirect_dma source(%dma_start3A_163 : memref<100000x128xf32, #tpu.memory_space<hbm>>) target(%dma_start3A_159 : memref<80x128xf32, #tpu.memory_space<vmem>>) offsets(%dma_start3A_160 : memref<80xi32, #tpu.memory_space<vmem>>) semaphore(%arg7 : memref<!tpu.dma_semaphore, #tpu.memory_space<semaphore_mem>>)
      %add3A_164 = arith.constant 0 : i32
      %add3A_165 = arith.addi %add3A_114, %add3A_164 : i32
      %add3A_166 = arith.constant 3 : i32
      %add3A_167 = arith.addi %add3A_165, %add3A_166 : i32
      %mul3A_168 = arith.constant 80 : i32
      %mul3A_169 = arith.muli %add3A_167, %mul3A_168 : i32
      %multiple_of3A_170 = tpu.assume_multiple %mul3A_169, 80 : i32
      %dma_start3A_171 = arith.constant 3 : i32
      %dma_start3A_172 = arith.constant 0 : i32
      %dma_start3A_173 = arith.constant 0 : i32
      %dma_start3A_174 = tpu.memref_slice %arg6[%dma_start3A_171, %dma_start3A_172, %dma_start3A_173] : memref<8x80x128xf32, #tpu.memory_space<vmem>> -> memref<1x80x128xf32, #tpu.memory_space<vmem>>
      %dma_start3A_175 = tpu.memref_squeeze %dma_start3A_174 : memref<1x80x128xf32, #tpu.memory_space<vmem>> -> memref<80x128xf32, #tpu.memory_space<vmem>>
      %dma_start3A_176 = tpu.memref_slice %arg5[%multiple_of3A_170] : memref<12800xi32, #tpu.memory_space<vmem>> -> memref<80xi32, #tpu.memory_space<vmem>>
      %dma_start3A_177 = arith.constant 0 : i32
      %dma_start3A_178 = arith.constant 0 : i32
      %dma_start3A_179 = tpu.memref_slice %arg2[%dma_start3A_177, %dma_start3A_178] : memref<100000x128xf32, #tpu.memory_space<hbm>> -> memref<100000x128xf32, #tpu.memory_space<hbm>>
      tpu.enqueue_indirect_dma source(%dma_start3A_179 : memref<100000x128xf32, #tpu.memory_space<hbm>>) target(%dma_start3A_175 : memref<80x128xf32, #tpu.memory_space<vmem>>) offsets(%dma_start3A_176 : memref<80xi32, #tpu.memory_space<vmem>>) semaphore(%arg7 : memref<!tpu.dma_semaphore, #tpu.memory_space<semaphore_mem>>)
      %dma_wait3A_180 = arith.constant 0 : i32
      %dma_wait3A_181 = arith.constant 0 : i32
      %dma_wait3A_182 = arith.constant 0 : i32
      %dma_wait3A_183 = tpu.memref_slice %arg6[%dma_wait3A_180, %dma_wait3A_181, %dma_wait3A_182] : memref<8x80x128xf32, #tpu.memory_space<vmem>> -> memref<1x80x128xf32, #tpu.memory_space<vmem>>
      %dma_wait3A_184 = tpu.memref_squeeze %dma_wait3A_183 : memref<1x80x128xf32, #tpu.memory_space<vmem>> -> memref<80x128xf32, #tpu.memory_space<vmem>>
      %dma_wait3A_185 = tpu.memref_slice %arg5[%multiple_of3A_123] : memref<12800xi32, #tpu.memory_space<vmem>> -> memref<80xi32, #tpu.memory_space<vmem>>
      %dma_wait3A_186 = arith.constant 0 : i32
      %dma_wait3A_187 = arith.constant 0 : i32
      %dma_wait3A_188 = tpu.memref_slice %arg2[%dma_wait3A_186, %dma_wait3A_187] : memref<100000x128xf32, #tpu.memory_space<hbm>> -> memref<100000x128xf32, #tpu.memory_space<hbm>>
      tpu.wait_indirect_dma semaphore(%arg7 : memref<!tpu.dma_semaphore, #tpu.memory_space<semaphore_mem>>) src(%dma_wait3A_188 : memref<100000x128xf32, #tpu.memory_space<hbm>>) dst(%dma_wait3A_184 : memref<80x128xf32, #tpu.memory_space<vmem>>)
      %add3A_189 = arith.addi %multiple_of3A, %multiple_of3A_123 : i32
      %dma_start3A_190 = arith.constant 0 : i32
      %dma_start3A_191 = arith.constant 0 : i32
      %dma_start3A_192 = arith.constant 0 : i32
      %dma_start3A_193 = tpu.memref_slice %arg6[%dma_start3A_190, %dma_start3A_191, %dma_start3A_192] : memref<8x80x128xf32, #tpu.memory_space<vmem>> -> memref<1x80x128xf32, #tpu.memory_space<vmem>>
      %dma_start3A_194 = tpu.memref_squeeze %dma_start3A_193 : memref<1x80x128xf32, #tpu.memory_space<vmem>> -> memref<80x128xf32, #tpu.memory_space<vmem>>
      %dma_start3A_195 = arith.constant 0 : i32
      %dma_start3A_196 = tpu.memref_slice %arg4[%add3A_189, %dma_start3A_195] : memref<409600x128xf32, #tpu.memory_space<hbm>> -> memref<80x128xf32, #tpu.memory_space<hbm>>
      %dma_start3A_197 = arith.constant 0 : i32
      %dma_start3A_198 = tpu.memref_slice %arg4[%add3A_189, %dma_start3A_197] : memref<409600x128xf32, #tpu.memory_space<hbm>> -> memref<80x128xf32, #tpu.memory_space<hbm>>
      %dma_start3A_199 = arith.constant 0 : i32
      %dma_start3A_200 = arith.constant 0 : i32
      %dma_start3A_201 = tpu.memref_slice %arg6[%dma_start3A_190, %dma_start3A_199, %dma_start3A_200] : memref<8x80x128xf32, #tpu.memory_space<vmem>> -> memref<1x80x128xf32, #tpu.memory_space<vmem>>
      %dma_start3A_202 = tpu.memref_squeeze %dma_start3A_201 : memref<1x80x128xf32, #tpu.memory_space<vmem>> -> memref<80x128xf32, #tpu.memory_space<vmem>>
      tpu.enqueue_dma source(%dma_start3A_202 : memref<80x128xf32, #tpu.memory_space<vmem>>) target(%dma_start3A_198 : memref<80x128xf32, #tpu.memory_space<hbm>>) target_semaphore(%arg8 : memref<!tpu.dma_semaphore, #tpu.memory_space<semaphore_mem>>)
      %dma_wait3A_203 = arith.constant 1 : i32
      %dma_wait3A_204 = arith.constant 0 : i32
      %dma_wait3A_205 = arith.constant 0 : i32
      %dma_wait3A_206 = tpu.memref_slice %arg6[%dma_wait3A_203, %dma_wait3A_204, %dma_wait3A_205] : memref<8x80x128xf32, #tpu.memory_space<vmem>> -> memref<1x80x128xf32, #tpu.memory_space<vmem>>
      %dma_wait3A_207 = tpu.memref_squeeze %dma_wait3A_206 : memref<1x80x128xf32, #tpu.memory_space<vmem>> -> memref<80x128xf32, #tpu.memory_space<vmem>>
      %dma_wait3A_208 = tpu.memref_slice %arg5[%multiple_of3A_138] : memref<12800xi32, #tpu.memory_space<vmem>> -> memref<80xi32, #tpu.memory_space<vmem>>
      %dma_wait3A_209 = arith.constant 0 : i32
      %dma_wait3A_210 = arith.constant 0 : i32
      %dma_wait3A_211 = tpu.memref_slice %arg2[%dma_wait3A_209, %dma_wait3A_210] : memref<100000x128xf32, #tpu.memory_space<hbm>> -> memref<100000x128xf32, #tpu.memory_space<hbm>>
      tpu.wait_indirect_dma semaphore(%arg7 : memref<!tpu.dma_semaphore, #tpu.memory_space<semaphore_mem>>) src(%dma_wait3A_211 : memref<100000x128xf32, #tpu.memory_space<hbm>>) dst(%dma_wait3A_207 : memref<80x128xf32, #tpu.memory_space<vmem>>)
      %add3A_212 = arith.addi %multiple_of3A, %multiple_of3A_138 : i32
      %dma_start3A_213 = arith.constant 1 : i32
      %dma_start3A_214 = arith.constant 0 : i32
      %dma_start3A_215 = arith.constant 0 : i32
      %dma_start3A_216 = tpu.memref_slice %arg6[%dma_start3A_213, %dma_start3A_214, %dma_start3A_215] : memref<8x80x128xf32, #tpu.memory_space<vmem>> -> memref<1x80x128xf32, #tpu.memory_space<vmem>>
      %dma_start3A_217 = tpu.memref_squeeze %dma_start3A_216 : memref<1x80x128xf32, #tpu.memory_space<vmem>> -> memref<80x128xf32, #tpu.memory_space<vmem>>
      %dma_start3A_218 = arith.constant 0 : i32
      %dma_start3A_219 = tpu.memref_slice %arg4[%add3A_212, %dma_start3A_218] : memref<409600x128xf32, #tpu.memory_space<hbm>> -> memref<80x128xf32, #tpu.memory_space<hbm>>
      %dma_start3A_220 = arith.constant 0 : i32
      %dma_start3A_221 = tpu.memref_slice %arg4[%add3A_212, %dma_start3A_220] : memref<409600x128xf32, #tpu.memory_space<hbm>> -> memref<80x128xf32, #tpu.memory_space<hbm>>
      %dma_start3A_222 = arith.constant 0 : i32
      %dma_start3A_223 = arith.constant 0 : i32
      %dma_start3A_224 = tpu.memref_slice %arg6[%dma_start3A_213, %dma_start3A_222, %dma_start3A_223] : memref<8x80x128xf32, #tpu.memory_space<vmem>> -> memref<1x80x128xf32, #tpu.memory_space<vmem>>
      %dma_start3A_225 = tpu.memref_squeeze %dma_start3A_224 : memref<1x80x128xf32, #tpu.memory_space<vmem>> -> memref<80x128xf32, #tpu.memory_space<vmem>>
      tpu.enqueue_dma source(%dma_start3A_225 : memref<80x128xf32, #tpu.memory_space<vmem>>) target(%dma_start3A_221 : memref<80x128xf32, #tpu.memory_space<hbm>>) target_semaphore(%arg8 : memref<!tpu.dma_semaphore, #tpu.memory_space<semaphore_mem>>)
      %dma_wait3A_226 = arith.constant 2 : i32
      %dma_wait3A_227 = arith.constant 0 : i32
      %dma_wait3A_228 = arith.constant 0 : i32
      %dma_wait3A_229 = tpu.memref_slice %arg6[%dma_wait3A_226, %dma_wait3A_227, %dma_wait3A_228] : memref<8x80x128xf32, #tpu.memory_space<vmem>> -> memref<1x80x128xf32, #tpu.memory_space<vmem>>
      %dma_wait3A_230 = tpu.memref_squeeze %dma_wait3A_229 : memref<1x80x128xf32, #tpu.memory_space<vmem>> -> memref<80x128xf32, #tpu.memory_space<vmem>>
      %dma_wait3A_231 = tpu.memref_slice %arg5[%multiple_of3A_154] : memref<12800xi32, #tpu.memory_space<vmem>> -> memref<80xi32, #tpu.memory_space<vmem>>
      %dma_wait3A_232 = arith.constant 0 : i32
      %dma_wait3A_233 = arith.constant 0 : i32
      %dma_wait3A_234 = tpu.memref_slice %arg2[%dma_wait3A_232, %dma_wait3A_233] : memref<100000x128xf32, #tpu.memory_space<hbm>> -> memref<100000x128xf32, #tpu.memory_space<hbm>>
      tpu.wait_indirect_dma semaphore(%arg7 : memref<!tpu.dma_semaphore, #tpu.memory_space<semaphore_mem>>) src(%dma_wait3A_234 : memref<100000x128xf32, #tpu.memory_space<hbm>>) dst(%dma_wait3A_230 : memref<80x128xf32, #tpu.memory_space<vmem>>)
      %add3A_235 = arith.addi %multiple_of3A, %multiple_of3A_154 : i32
      %dma_start3A_236 = arith.constant 2 : i32
      %dma_start3A_237 = arith.constant 0 : i32
      %dma_start3A_238 = arith.constant 0 : i32
      %dma_start3A_239 = tpu.memref_slice %arg6[%dma_start3A_236, %dma_start3A_237, %dma_start3A_238] : memref<8x80x128xf32, #tpu.memory_space<vmem>> -> memref<1x80x128xf32, #tpu.memory_space<vmem>>
      %dma_start3A_240 = tpu.memref_squeeze %dma_start3A_239 : memref<1x80x128xf32, #tpu.memory_space<vmem>> -> memref<80x128xf32, #tpu.memory_space<vmem>>
      %dma_start3A_241 = arith.constant 0 : i32
      %dma_start3A_242 = tpu.memref_slice %arg4[%add3A_235, %dma_start3A_241] : memref<409600x128xf32, #tpu.memory_space<hbm>> -> memref<80x128xf32, #tpu.memory_space<hbm>>
      %dma_start3A_243 = arith.constant 0 : i32
      %dma_start3A_244 = tpu.memref_slice %arg4[%add3A_235, %dma_start3A_243] : memref<409600x128xf32, #tpu.memory_space<hbm>> -> memref<80x128xf32, #tpu.memory_space<hbm>>
      %dma_start3A_245 = arith.constant 0 : i32
      %dma_start3A_246 = arith.constant 0 : i32
      %dma_start3A_247 = tpu.memref_slice %arg6[%dma_start3A_236, %dma_start3A_245, %dma_start3A_246] : memref<8x80x128xf32, #tpu.memory_space<vmem>> -> memref<1x80x128xf32, #tpu.memory_space<vmem>>
      %dma_start3A_248 = tpu.memref_squeeze %dma_start3A_247 : memref<1x80x128xf32, #tpu.memory_space<vmem>> -> memref<80x128xf32, #tpu.memory_space<vmem>>
      tpu.enqueue_dma source(%dma_start3A_248 : memref<80x128xf32, #tpu.memory_space<vmem>>) target(%dma_start3A_244 : memref<80x128xf32, #tpu.memory_space<hbm>>) target_semaphore(%arg8 : memref<!tpu.dma_semaphore, #tpu.memory_space<semaphore_mem>>)
      %dma_wait3A_249 = arith.constant 3 : i32
      %dma_wait3A_250 = arith.constant 0 : i32
      %dma_wait3A_251 = arith.constant 0 : i32
      %dma_wait3A_252 = tpu.memref_slice %arg6[%dma_wait3A_249, %dma_wait3A_250, %dma_wait3A_251] : memref<8x80x128xf32, #tpu.memory_space<vmem>> -> memref<1x80x128xf32, #tpu.memory_space<vmem>>
      %dma_wait3A_253 = tpu.memref_squeeze %dma_wait3A_252 : memref<1x80x128xf32, #tpu.memory_space<vmem>> -> memref<80x128xf32, #tpu.memory_space<vmem>>
      %dma_wait3A_254 = tpu.memref_slice %arg5[%multiple_of3A_170] : memref<12800xi32, #tpu.memory_space<vmem>> -> memref<80xi32, #tpu.memory_space<vmem>>
      %dma_wait3A_255 = arith.constant 0 : i32
      %dma_wait3A_256 = arith.constant 0 : i32
      %dma_wait3A_257 = tpu.memref_slice %arg2[%dma_wait3A_255, %dma_wait3A_256] : memref<100000x128xf32, #tpu.memory_space<hbm>> -> memref<100000x128xf32, #tpu.memory_space<hbm>>
      tpu.wait_indirect_dma semaphore(%arg7 : memref<!tpu.dma_semaphore, #tpu.memory_space<semaphore_mem>>) src(%dma_wait3A_257 : memref<100000x128xf32, #tpu.memory_space<hbm>>) dst(%dma_wait3A_253 : memref<80x128xf32, #tpu.memory_space<vmem>>)
      %add3A_258 = arith.addi %multiple_of3A, %multiple_of3A_170 : i32
      %dma_start3A_259 = arith.constant 3 : i32
      %dma_start3A_260 = arith.constant 0 : i32
      %dma_start3A_261 = arith.constant 0 : i32
      %dma_start3A_262 = tpu.memref_slice %arg6[%dma_start3A_259, %dma_start3A_260, %dma_start3A_261] : memref<8x80x128xf32, #tpu.memory_space<vmem>> -> memref<1x80x128xf32, #tpu.memory_space<vmem>>
      %dma_start3A_263 = tpu.memref_squeeze %dma_start3A_262 : memref<1x80x128xf32, #tpu.memory_space<vmem>> -> memref<80x128xf32, #tpu.memory_space<vmem>>
      %dma_start3A_264 = arith.constant 0 : i32
      %dma_start3A_265 = tpu.memref_slice %arg4[%add3A_258, %dma_start3A_264] : memref<409600x128xf32, #tpu.memory_space<hbm>> -> memref<80x128xf32, #tpu.memory_space<hbm>>
      %dma_start3A_266 = arith.constant 0 : i32
      %dma_start3A_267 = tpu.memref_slice %arg4[%add3A_258, %dma_start3A_266] : memref<409600x128xf32, #tpu.memory_space<hbm>> -> memref<80x128xf32, #tpu.memory_space<hbm>>
      %dma_start3A_268 = arith.constant 0 : i32
      %dma_start3A_269 = arith.constant 0 : i32
      %dma_start3A_270 = tpu.memref_slice %arg6[%dma_start3A_259, %dma_start3A_268, %dma_start3A_269] : memref<8x80x128xf32, #tpu.memory_space<vmem>> -> memref<1x80x128xf32, #tpu.memory_space<vmem>>
      %dma_start3A_271 = tpu.memref_squeeze %dma_start3A_270 : memref<1x80x128xf32, #tpu.memory_space<vmem>> -> memref<80x128xf32, #tpu.memory_space<vmem>>
      tpu.enqueue_dma source(%dma_start3A_271 : memref<80x128xf32, #tpu.memory_space<vmem>>) target(%dma_start3A_267 : memref<80x128xf32, #tpu.memory_space<hbm>>) target_semaphore(%arg8 : memref<!tpu.dma_semaphore, #tpu.memory_space<semaphore_mem>>)
      %gt3A_272 = arith.constant 0 : i32
      %gt3A_273 = arith.cmpi sgt, %add3A_114, %gt3A_272 : i32
      %convert_element_type3A_274 = arith.extui %gt3A_273 : i1 to i32
      %cond3A_275 = arith.constant 0 : i32
      %cond3A_276 = arith.cmpi ne, %convert_element_type3A_274, %cond3A_275 : i32
      scf.if %cond3A_276 {
        %dma_wait3A_433 = arith.constant 4 : i32
        %dma_wait3A_434 = arith.constant 0 : i32
        %dma_wait3A_435 = arith.constant 0 : i32
        %dma_wait3A_436 = tpu.memref_slice %arg6[%dma_wait3A_433, %dma_wait3A_434, %dma_wait3A_435] : memref<8x80x128xf32, #tpu.memory_space<vmem>> -> memref<1x80x128xf32, #tpu.memory_space<vmem>>
        %dma_wait3A_437 = tpu.memref_squeeze %dma_wait3A_436 : memref<1x80x128xf32, #tpu.memory_space<vmem>> -> memref<80x128xf32, #tpu.memory_space<vmem>>
        %dma_wait3A_438 = arith.constant 0 : i32
        %dma_wait3A_439 = tpu.memref_slice %arg4[%multiple_of3A, %dma_wait3A_438] : memref<409600x128xf32, #tpu.memory_space<hbm>> -> memref<80x128xf32, #tpu.memory_space<hbm>>
        %dma_wait3A_440 = arith.constant 0 : i32
        %dma_wait3A_441 = tpu.memref_slice %arg4[%multiple_of3A, %dma_wait3A_440] : memref<409600x128xf32, #tpu.memory_space<hbm>> -> memref<80x128xf32, #tpu.memory_space<hbm>>
        %dma_wait3A_442 = arith.constant 0 : i32
        %dma_wait3A_443 = arith.constant 0 : i32
        %dma_wait3A_444 = tpu.memref_slice %arg6[%dma_wait3A_433, %dma_wait3A_442, %dma_wait3A_443] : memref<8x80x128xf32, #tpu.memory_space<vmem>> -> memref<1x80x128xf32, #tpu.memory_space<vmem>>
        %dma_wait3A_445 = tpu.memref_squeeze %dma_wait3A_444 : memref<1x80x128xf32, #tpu.memory_space<vmem>> -> memref<80x128xf32, #tpu.memory_space<vmem>>
        tpu.wait_dma2 semaphore(%arg9 : memref<!tpu.dma_semaphore, #tpu.memory_space<semaphore_mem>>) src(%dma_wait3A_445 : memref<80x128xf32, #tpu.memory_space<vmem>>) dst(%dma_wait3A_441 : memref<80x128xf32, #tpu.memory_space<hbm>>)
        %dma_wait3A_446 = arith.constant 5 : i32
        %dma_wait3A_447 = arith.constant 0 : i32
        %dma_wait3A_448 = arith.constant 0 : i32
        %dma_wait3A_449 = tpu.memref_slice %arg6[%dma_wait3A_446, %dma_wait3A_447, %dma_wait3A_448] : memref<8x80x128xf32, #tpu.memory_space<vmem>> -> memref<1x80x128xf32, #tpu.memory_space<vmem>>
        %dma_wait3A_450 = tpu.memref_squeeze %dma_wait3A_449 : memref<1x80x128xf32, #tpu.memory_space<vmem>> -> memref<80x128xf32, #tpu.memory_space<vmem>>
        %dma_wait3A_451 = arith.constant 0 : i32
        %dma_wait3A_452 = tpu.memref_slice %arg4[%multiple_of3A, %dma_wait3A_451] : memref<409600x128xf32, #tpu.memory_space<hbm>> -> memref<80x128xf32, #tpu.memory_space<hbm>>
        %dma_wait3A_453 = arith.constant 0 : i32
        %dma_wait3A_454 = tpu.memref_slice %arg4[%multiple_of3A, %dma_wait3A_453] : memref<409600x128xf32, #tpu.memory_space<hbm>> -> memref<80x128xf32, #tpu.memory_space<hbm>>
        %dma_wait3A_455 = arith.constant 0 : i32
        %dma_wait3A_456 = arith.constant 0 : i32
        %dma_wait3A_457 = tpu.memref_slice %arg6[%dma_wait3A_446, %dma_wait3A_455, %dma_wait3A_456] : memref<8x80x128xf32, #tpu.memory_space<vmem>> -> memref<1x80x128xf32, #tpu.memory_space<vmem>>
        %dma_wait3A_458 = tpu.memref_squeeze %dma_wait3A_457 : memref<1x80x128xf32, #tpu.memory_space<vmem>> -> memref<80x128xf32, #tpu.memory_space<vmem>>
        tpu.wait_dma2 semaphore(%arg9 : memref<!tpu.dma_semaphore, #tpu.memory_space<semaphore_mem>>) src(%dma_wait3A_458 : memref<80x128xf32, #tpu.memory_space<vmem>>) dst(%dma_wait3A_454 : memref<80x128xf32, #tpu.memory_space<hbm>>)
        %dma_wait3A_459 = arith.constant 6 : i32
        %dma_wait3A_460 = arith.constant 0 : i32
        %dma_wait3A_461 = arith.constant 0 : i32
        %dma_wait3A_462 = tpu.memref_slice %arg6[%dma_wait3A_459, %dma_wait3A_460, %dma_wait3A_461] : memref<8x80x128xf32, #tpu.memory_space<vmem>> -> memref<1x80x128xf32, #tpu.memory_space<vmem>>
        %dma_wait3A_463 = tpu.memref_squeeze %dma_wait3A_462 : memref<1x80x128xf32, #tpu.memory_space<vmem>> -> memref<80x128xf32, #tpu.memory_space<vmem>>
        %dma_wait3A_464 = arith.constant 0 : i32
        %dma_wait3A_465 = tpu.memref_slice %arg4[%multiple_of3A, %dma_wait3A_464] : memref<409600x128xf32, #tpu.memory_space<hbm>> -> memref<80x128xf32, #tpu.memory_space<hbm>>
        %dma_wait3A_466 = arith.constant 0 : i32
        %dma_wait3A_467 = tpu.memref_slice %arg4[%multiple_of3A, %dma_wait3A_466] : memref<409600x128xf32, #tpu.memory_space<hbm>> -> memref<80x128xf32, #tpu.memory_space<hbm>>
        %dma_wait3A_468 = arith.constant 0 : i32
        %dma_wait3A_469 = arith.constant 0 : i32
        %dma_wait3A_470 = tpu.memref_slice %arg6[%dma_wait3A_459, %dma_wait3A_468, %dma_wait3A_469] : memref<8x80x128xf32, #tpu.memory_space<vmem>> -> memref<1x80x128xf32, #tpu.memory_space<vmem>>
        %dma_wait3A_471 = tpu.memref_squeeze %dma_wait3A_470 : memref<1x80x128xf32, #tpu.memory_space<vmem>> -> memref<80x128xf32, #tpu.memory_space<vmem>>
        tpu.wait_dma2 semaphore(%arg9 : memref<!tpu.dma_semaphore, #tpu.memory_space<semaphore_mem>>) src(%dma_wait3A_471 : memref<80x128xf32, #tpu.memory_space<vmem>>) dst(%dma_wait3A_467 : memref<80x128xf32, #tpu.memory_space<hbm>>)
        %dma_wait3A_472 = arith.constant 7 : i32
        %dma_wait3A_473 = arith.constant 0 : i32
        %dma_wait3A_474 = arith.constant 0 : i32
        %dma_wait3A_475 = tpu.memref_slice %arg6[%dma_wait3A_472, %dma_wait3A_473, %dma_wait3A_474] : memref<8x80x128xf32, #tpu.memory_space<vmem>> -> memref<1x80x128xf32, #tpu.memory_space<vmem>>
        %dma_wait3A_476 = tpu.memref_squeeze %dma_wait3A_475 : memref<1x80x128xf32, #tpu.memory_space<vmem>> -> memref<80x128xf32, #tpu.memory_space<vmem>>
        %dma_wait3A_477 = arith.constant 0 : i32
        %dma_wait3A_478 = tpu.memref_slice %arg4[%multiple_of3A, %dma_wait3A_477] : memref<409600x128xf32, #tpu.memory_space<hbm>> -> memref<80x128xf32, #tpu.memory_space<hbm>>
        %dma_wait3A_479 = arith.constant 0 : i32
        %dma_wait3A_480 = tpu.memref_slice %arg4[%multiple_of3A, %dma_wait3A_479] : memref<409600x128xf32, #tpu.memory_space<hbm>> -> memref<80x128xf32, #tpu.memory_space<hbm>>
        %dma_wait3A_481 = arith.constant 0 : i32
        %dma_wait3A_482 = arith.constant 0 : i32
        %dma_wait3A_483 = tpu.memref_slice %arg6[%dma_wait3A_472, %dma_wait3A_481, %dma_wait3A_482] : memref<8x80x128xf32, #tpu.memory_space<vmem>> -> memref<1x80x128xf32, #tpu.memory_space<vmem>>
        %dma_wait3A_484 = tpu.memref_squeeze %dma_wait3A_483 : memref<1x80x128xf32, #tpu.memory_space<vmem>> -> memref<80x128xf32, #tpu.memory_space<vmem>>
        tpu.wait_dma2 semaphore(%arg9 : memref<!tpu.dma_semaphore, #tpu.memory_space<semaphore_mem>>) src(%dma_wait3A_484 : memref<80x128xf32, #tpu.memory_space<vmem>>) dst(%dma_wait3A_480 : memref<80x128xf32, #tpu.memory_space<hbm>>)
      } else {
      }
      %add3A_277 = arith.constant 4 : i32
      %add3A_278 = arith.addi %add3A_114, %add3A_277 : i32
      %add3A_279 = arith.constant 0 : i32
      %add3A_280 = arith.addi %add3A_278, %add3A_279 : i32
      %mul3A_281 = arith.constant 80 : i32
      %mul3A_282 = arith.muli %add3A_280, %mul3A_281 : i32
      %multiple_of3A_283 = tpu.assume_multiple %mul3A_282, 80 : i32
      %dma_start3A_284 = arith.constant 4 : i32
      %dma_start3A_285 = arith.constant 0 : i32
      %dma_start3A_286 = arith.constant 0 : i32
      %dma_start3A_287 = tpu.memref_slice %arg6[%dma_start3A_284, %dma_start3A_285, %dma_start3A_286] : memref<8x80x128xf32, #tpu.memory_space<vmem>> -> memref<1x80x128xf32, #tpu.memory_space<vmem>>
      %dma_start3A_288 = tpu.memref_squeeze %dma_start3A_287 : memref<1x80x128xf32, #tpu.memory_space<vmem>> -> memref<80x128xf32, #tpu.memory_space<vmem>>
      %dma_start3A_289 = tpu.memref_slice %arg5[%multiple_of3A_283] : memref<12800xi32, #tpu.memory_space<vmem>> -> memref<80xi32, #tpu.memory_space<vmem>>
      %dma_start3A_290 = arith.constant 0 : i32
      %dma_start3A_291 = arith.constant 0 : i32
      %dma_start3A_292 = tpu.memref_slice %arg2[%dma_start3A_290, %dma_start3A_291] : memref<100000x128xf32, #tpu.memory_space<hbm>> -> memref<100000x128xf32, #tpu.memory_space<hbm>>
      tpu.enqueue_indirect_dma source(%dma_start3A_292 : memref<100000x128xf32, #tpu.memory_space<hbm>>) target(%dma_start3A_288 : memref<80x128xf32, #tpu.memory_space<vmem>>) offsets(%dma_start3A_289 : memref<80xi32, #tpu.memory_space<vmem>>) semaphore(%arg7 : memref<!tpu.dma_semaphore, #tpu.memory_space<semaphore_mem>>)
      %add3A_293 = arith.constant 4 : i32
      %add3A_294 = arith.addi %add3A_114, %add3A_293 : i32
      %add3A_295 = arith.constant 1 : i32
      %add3A_296 = arith.addi %add3A_294, %add3A_295 : i32
      %mul3A_297 = arith.constant 80 : i32
      %mul3A_298 = arith.muli %add3A_296, %mul3A_297 : i32
      %multiple_of3A_299 = tpu.assume_multiple %mul3A_298, 80 : i32
      %dma_start3A_300 = arith.constant 5 : i32
      %dma_start3A_301 = arith.constant 0 : i32
      %dma_start3A_302 = arith.constant 0 : i32
      %dma_start3A_303 = tpu.memref_slice %arg6[%dma_start3A_300, %dma_start3A_301, %dma_start3A_302] : memref<8x80x128xf32, #tpu.memory_space<vmem>> -> memref<1x80x128xf32, #tpu.memory_space<vmem>>
      %dma_start3A_304 = tpu.memref_squeeze %dma_start3A_303 : memref<1x80x128xf32, #tpu.memory_space<vmem>> -> memref<80x128xf32, #tpu.memory_space<vmem>>
      %dma_start3A_305 = tpu.memref_slice %arg5[%multiple_of3A_299] : memref<12800xi32, #tpu.memory_space<vmem>> -> memref<80xi32, #tpu.memory_space<vmem>>
      %dma_start3A_306 = arith.constant 0 : i32
      %dma_start3A_307 = arith.constant 0 : i32
      %dma_start3A_308 = tpu.memref_slice %arg2[%dma_start3A_306, %dma_start3A_307] : memref<100000x128xf32, #tpu.memory_space<hbm>> -> memref<100000x128xf32, #tpu.memory_space<hbm>>
      tpu.enqueue_indirect_dma source(%dma_start3A_308 : memref<100000x128xf32, #tpu.memory_space<hbm>>) target(%dma_start3A_304 : memref<80x128xf32, #tpu.memory_space<vmem>>) offsets(%dma_start3A_305 : memref<80xi32, #tpu.memory_space<vmem>>) semaphore(%arg7 : memref<!tpu.dma_semaphore, #tpu.memory_space<semaphore_mem>>)
      %add3A_309 = arith.constant 4 : i32
      %add3A_310 = arith.addi %add3A_114, %add3A_309 : i32
      %add3A_311 = arith.constant 2 : i32
      %add3A_312 = arith.addi %add3A_310, %add3A_311 : i32
      %mul3A_313 = arith.constant 80 : i32
      %mul3A_314 = arith.muli %add3A_312, %mul3A_313 : i32
      %multiple_of3A_315 = tpu.assume_multiple %mul3A_314, 80 : i32
      %dma_start3A_316 = arith.constant 6 : i32
      %dma_start3A_317 = arith.constant 0 : i32
      %dma_start3A_318 = arith.constant 0 : i32
      %dma_start3A_319 = tpu.memref_slice %arg6[%dma_start3A_316, %dma_start3A_317, %dma_start3A_318] : memref<8x80x128xf32, #tpu.memory_space<vmem>> -> memref<1x80x128xf32, #tpu.memory_space<vmem>>
      %dma_start3A_320 = tpu.memref_squeeze %dma_start3A_319 : memref<1x80x128xf32, #tpu.memory_space<vmem>> -> memref<80x128xf32, #tpu.memory_space<vmem>>
      %dma_start3A_321 = tpu.memref_slice %arg5[%multiple_of3A_315] : memref<12800xi32, #tpu.memory_space<vmem>> -> memref<80xi32, #tpu.memory_space<vmem>>
      %dma_start3A_322 = arith.constant 0 : i32
      %dma_start3A_323 = arith.constant 0 : i32
      %dma_start3A_324 = tpu.memref_slice %arg2[%dma_start3A_322, %dma_start3A_323] : memref<100000x128xf32, #tpu.memory_space<hbm>> -> memref<100000x128xf32, #tpu.memory_space<hbm>>
      tpu.enqueue_indirect_dma source(%dma_start3A_324 : memref<100000x128xf32, #tpu.memory_space<hbm>>) target(%dma_start3A_320 : memref<80x128xf32, #tpu.memory_space<vmem>>) offsets(%dma_start3A_321 : memref<80xi32, #tpu.memory_space<vmem>>) semaphore(%arg7 : memref<!tpu.dma_semaphore, #tpu.memory_space<semaphore_mem>>)
      %add3A_325 = arith.constant 4 : i32
      %add3A_326 = arith.addi %add3A_114, %add3A_325 : i32
      %add3A_327 = arith.constant 3 : i32
      %add3A_328 = arith.addi %add3A_326, %add3A_327 : i32
      %mul3A_329 = arith.constant 80 : i32
      %mul3A_330 = arith.muli %add3A_328, %mul3A_329 : i32
      %multiple_of3A_331 = tpu.assume_multiple %mul3A_330, 80 : i32
      %dma_start3A_332 = arith.constant 7 : i32
      %dma_start3A_333 = arith.constant 0 : i32
      %dma_start3A_334 = arith.constant 0 : i32
      %dma_start3A_335 = tpu.memref_slice %arg6[%dma_start3A_332, %dma_start3A_333, %dma_start3A_334] : memref<8x80x128xf32, #tpu.memory_space<vmem>> -> memref<1x80x128xf32, #tpu.memory_space<vmem>>
      %dma_start3A_336 = tpu.memref_squeeze %dma_start3A_335 : memref<1x80x128xf32, #tpu.memory_space<vmem>> -> memref<80x128xf32, #tpu.memory_space<vmem>>
      %dma_start3A_337 = tpu.memref_slice %arg5[%multiple_of3A_331] : memref<12800xi32, #tpu.memory_space<vmem>> -> memref<80xi32, #tpu.memory_space<vmem>>
      %dma_start3A_338 = arith.constant 0 : i32
      %dma_start3A_339 = arith.constant 0 : i32
      %dma_start3A_340 = tpu.memref_slice %arg2[%dma_start3A_338, %dma_start3A_339] : memref<100000x128xf32, #tpu.memory_space<hbm>> -> memref<100000x128xf32, #tpu.memory_space<hbm>>
      tpu.enqueue_indirect_dma source(%dma_start3A_340 : memref<100000x128xf32, #tpu.memory_space<hbm>>) target(%dma_start3A_336 : memref<80x128xf32, #tpu.memory_space<vmem>>) offsets(%dma_start3A_337 : memref<80xi32, #tpu.memory_space<vmem>>) semaphore(%arg7 : memref<!tpu.dma_semaphore, #tpu.memory_space<semaphore_mem>>)
      %dma_wait3A_341 = arith.constant 4 : i32
      %dma_wait3A_342 = arith.constant 0 : i32
      %dma_wait3A_343 = arith.constant 0 : i32
      %dma_wait3A_344 = tpu.memref_slice %arg6[%dma_wait3A_341, %dma_wait3A_342, %dma_wait3A_343] : memref<8x80x128xf32, #tpu.memory_space<vmem>> -> memref<1x80x128xf32, #tpu.memory_space<vmem>>
      %dma_wait3A_345 = tpu.memref_squeeze %dma_wait3A_344 : memref<1x80x128xf32, #tpu.memory_space<vmem>> -> memref<80x128xf32, #tpu.memory_space<vmem>>
      %dma_wait3A_346 = tpu.memref_slice %arg5[%multiple_of3A_283] : memref<12800xi32, #tpu.memory_space<vmem>> -> memref<80xi32, #tpu.memory_space<vmem>>
      %dma_wait3A_347 = arith.constant 0 : i32
      %dma_wait3A_348 = arith.constant 0 : i32
      %dma_wait3A_349 = tpu.memref_slice %arg2[%dma_wait3A_347, %dma_wait3A_348] : memref<100000x128xf32, #tpu.memory_space<hbm>> -> memref<100000x128xf32, #tpu.memory_space<hbm>>
      tpu.wait_indirect_dma semaphore(%arg7 : memref<!tpu.dma_semaphore, #tpu.memory_space<semaphore_mem>>) src(%dma_wait3A_349 : memref<100000x128xf32, #tpu.memory_space<hbm>>) dst(%dma_wait3A_345 : memref<80x128xf32, #tpu.memory_space<vmem>>)
      %add3A_350 = arith.addi %multiple_of3A, %multiple_of3A_283 : i32
      %dma_start3A_351 = arith.constant 4 : i32
      %dma_start3A_352 = arith.constant 0 : i32
      %dma_start3A_353 = arith.constant 0 : i32
      %dma_start3A_354 = tpu.memref_slice %arg6[%dma_start3A_351, %dma_start3A_352, %dma_start3A_353] : memref<8x80x128xf32, #tpu.memory_space<vmem>> -> memref<1x80x128xf32, #tpu.memory_space<vmem>>
      %dma_start3A_355 = tpu.memref_squeeze %dma_start3A_354 : memref<1x80x128xf32, #tpu.memory_space<vmem>> -> memref<80x128xf32, #tpu.memory_space<vmem>>
      %dma_start3A_356 = arith.constant 0 : i32
      %dma_start3A_357 = tpu.memref_slice %arg4[%add3A_350, %dma_start3A_356] : memref<409600x128xf32, #tpu.memory_space<hbm>> -> memref<80x128xf32, #tpu.memory_space<hbm>>
      %dma_start3A_358 = arith.constant 0 : i32
      %dma_start3A_359 = tpu.memref_slice %arg4[%add3A_350, %dma_start3A_358] : memref<409600x128xf32, #tpu.memory_space<hbm>> -> memref<80x128xf32, #tpu.memory_space<hbm>>
      %dma_start3A_360 = arith.constant 0 : i32
      %dma_start3A_361 = arith.constant 0 : i32
      %dma_start3A_362 = tpu.memref_slice %arg6[%dma_start3A_351, %dma_start3A_360, %dma_start3A_361] : memref<8x80x128xf32, #tpu.memory_space<vmem>> -> memref<1x80x128xf32, #tpu.memory_space<vmem>>
      %dma_start3A_363 = tpu.memref_squeeze %dma_start3A_362 : memref<1x80x128xf32, #tpu.memory_space<vmem>> -> memref<80x128xf32, #tpu.memory_space<vmem>>
      tpu.enqueue_dma source(%dma_start3A_363 : memref<80x128xf32, #tpu.memory_space<vmem>>) target(%dma_start3A_359 : memref<80x128xf32, #tpu.memory_space<hbm>>) target_semaphore(%arg9 : memref<!tpu.dma_semaphore, #tpu.memory_space<semaphore_mem>>)
      %dma_wait3A_364 = arith.constant 5 : i32
      %dma_wait3A_365 = arith.constant 0 : i32
      %dma_wait3A_366 = arith.constant 0 : i32
      %dma_wait3A_367 = tpu.memref_slice %arg6[%dma_wait3A_364, %dma_wait3A_365, %dma_wait3A_366] : memref<8x80x128xf32, #tpu.memory_space<vmem>> -> memref<1x80x128xf32, #tpu.memory_space<vmem>>
      %dma_wait3A_368 = tpu.memref_squeeze %dma_wait3A_367 : memref<1x80x128xf32, #tpu.memory_space<vmem>> -> memref<80x128xf32, #tpu.memory_space<vmem>>
      %dma_wait3A_369 = tpu.memref_slice %arg5[%multiple_of3A_299] : memref<12800xi32, #tpu.memory_space<vmem>> -> memref<80xi32, #tpu.memory_space<vmem>>
      %dma_wait3A_370 = arith.constant 0 : i32
      %dma_wait3A_371 = arith.constant 0 : i32
      %dma_wait3A_372 = tpu.memref_slice %arg2[%dma_wait3A_370, %dma_wait3A_371] : memref<100000x128xf32, #tpu.memory_space<hbm>> -> memref<100000x128xf32, #tpu.memory_space<hbm>>
      tpu.wait_indirect_dma semaphore(%arg7 : memref<!tpu.dma_semaphore, #tpu.memory_space<semaphore_mem>>) src(%dma_wait3A_372 : memref<100000x128xf32, #tpu.memory_space<hbm>>) dst(%dma_wait3A_368 : memref<80x128xf32, #tpu.memory_space<vmem>>)
      %add3A_373 = arith.addi %multiple_of3A, %multiple_of3A_299 : i32
      %dma_start3A_374 = arith.constant 5 : i32
      %dma_start3A_375 = arith.constant 0 : i32
      %dma_start3A_376 = arith.constant 0 : i32
      %dma_start3A_377 = tpu.memref_slice %arg6[%dma_start3A_374, %dma_start3A_375, %dma_start3A_376] : memref<8x80x128xf32, #tpu.memory_space<vmem>> -> memref<1x80x128xf32, #tpu.memory_space<vmem>>
      %dma_start3A_378 = tpu.memref_squeeze %dma_start3A_377 : memref<1x80x128xf32, #tpu.memory_space<vmem>> -> memref<80x128xf32, #tpu.memory_space<vmem>>
      %dma_start3A_379 = arith.constant 0 : i32
      %dma_start3A_380 = tpu.memref_slice %arg4[%add3A_373, %dma_start3A_379] : memref<409600x128xf32, #tpu.memory_space<hbm>> -> memref<80x128xf32, #tpu.memory_space<hbm>>
      %dma_start3A_381 = arith.constant 0 : i32
      %dma_start3A_382 = tpu.memref_slice %arg4[%add3A_373, %dma_start3A_381] : memref<409600x128xf32, #tpu.memory_space<hbm>> -> memref<80x128xf32, #tpu.memory_space<hbm>>
      %dma_start3A_383 = arith.constant 0 : i32
      %dma_start3A_384 = arith.constant 0 : i32
      %dma_start3A_385 = tpu.memref_slice %arg6[%dma_start3A_374, %dma_start3A_383, %dma_start3A_384] : memref<8x80x128xf32, #tpu.memory_space<vmem>> -> memref<1x80x128xf32, #tpu.memory_space<vmem>>
      %dma_start3A_386 = tpu.memref_squeeze %dma_start3A_385 : memref<1x80x128xf32, #tpu.memory_space<vmem>> -> memref<80x128xf32, #tpu.memory_space<vmem>>
      tpu.enqueue_dma source(%dma_start3A_386 : memref<80x128xf32, #tpu.memory_space<vmem>>) target(%dma_start3A_382 : memref<80x128xf32, #tpu.memory_space<hbm>>) target_semaphore(%arg9 : memref<!tpu.dma_semaphore, #tpu.memory_space<semaphore_mem>>)
      %dma_wait3A_387 = arith.constant 6 : i32
      %dma_wait3A_388 = arith.constant 0 : i32
      %dma_wait3A_389 = arith.constant 0 : i32
      %dma_wait3A_390 = tpu.memref_slice %arg6[%dma_wait3A_387, %dma_wait3A_388, %dma_wait3A_389] : memref<8x80x128xf32, #tpu.memory_space<vmem>> -> memref<1x80x128xf32, #tpu.memory_space<vmem>>
      %dma_wait3A_391 = tpu.memref_squeeze %dma_wait3A_390 : memref<1x80x128xf32, #tpu.memory_space<vmem>> -> memref<80x128xf32, #tpu.memory_space<vmem>>
      %dma_wait3A_392 = tpu.memref_slice %arg5[%multiple_of3A_315] : memref<12800xi32, #tpu.memory_space<vmem>> -> memref<80xi32, #tpu.memory_space<vmem>>
      %dma_wait3A_393 = arith.constant 0 : i32
      %dma_wait3A_394 = arith.constant 0 : i32
      %dma_wait3A_395 = tpu.memref_slice %arg2[%dma_wait3A_393, %dma_wait3A_394] : memref<100000x128xf32, #tpu.memory_space<hbm>> -> memref<100000x128xf32, #tpu.memory_space<hbm>>
      tpu.wait_indirect_dma semaphore(%arg7 : memref<!tpu.dma_semaphore, #tpu.memory_space<semaphore_mem>>) src(%dma_wait3A_395 : memref<100000x128xf32, #tpu.memory_space<hbm>>) dst(%dma_wait3A_391 : memref<80x128xf32, #tpu.memory_space<vmem>>)
      %add3A_396 = arith.addi %multiple_of3A, %multiple_of3A_315 : i32
      %dma_start3A_397 = arith.constant 6 : i32
      %dma_start3A_398 = arith.constant 0 : i32
      %dma_start3A_399 = arith.constant 0 : i32
      %dma_start3A_400 = tpu.memref_slice %arg6[%dma_start3A_397, %dma_start3A_398, %dma_start3A_399] : memref<8x80x128xf32, #tpu.memory_space<vmem>> -> memref<1x80x128xf32, #tpu.memory_space<vmem>>
      %dma_start3A_401 = tpu.memref_squeeze %dma_start3A_400 : memref<1x80x128xf32, #tpu.memory_space<vmem>> -> memref<80x128xf32, #tpu.memory_space<vmem>>
      %dma_start3A_402 = arith.constant 0 : i32
      %dma_start3A_403 = tpu.memref_slice %arg4[%add3A_396, %dma_start3A_402] : memref<409600x128xf32, #tpu.memory_space<hbm>> -> memref<80x128xf32, #tpu.memory_space<hbm>>
      %dma_start3A_404 = arith.constant 0 : i32
      %dma_start3A_405 = tpu.memref_slice %arg4[%add3A_396, %dma_start3A_404] : memref<409600x128xf32, #tpu.memory_space<hbm>> -> memref<80x128xf32, #tpu.memory_space<hbm>>
      %dma_start3A_406 = arith.constant 0 : i32
      %dma_start3A_407 = arith.constant 0 : i32
      %dma_start3A_408 = tpu.memref_slice %arg6[%dma_start3A_397, %dma_start3A_406, %dma_start3A_407] : memref<8x80x128xf32, #tpu.memory_space<vmem>> -> memref<1x80x128xf32, #tpu.memory_space<vmem>>
      %dma_start3A_409 = tpu.memref_squeeze %dma_start3A_408 : memref<1x80x128xf32, #tpu.memory_space<vmem>> -> memref<80x128xf32, #tpu.memory_space<vmem>>
      tpu.enqueue_dma source(%dma_start3A_409 : memref<80x128xf32, #tpu.memory_space<vmem>>) target(%dma_start3A_405 : memref<80x128xf32, #tpu.memory_space<hbm>>) target_semaphore(%arg9 : memref<!tpu.dma_semaphore, #tpu.memory_space<semaphore_mem>>)
      %dma_wait3A_410 = arith.constant 7 : i32
      %dma_wait3A_411 = arith.constant 0 : i32
      %dma_wait3A_412 = arith.constant 0 : i32
      %dma_wait3A_413 = tpu.memref_slice %arg6[%dma_wait3A_410, %dma_wait3A_411, %dma_wait3A_412] : memref<8x80x128xf32, #tpu.memory_space<vmem>> -> memref<1x80x128xf32, #tpu.memory_space<vmem>>
      %dma_wait3A_414 = tpu.memref_squeeze %dma_wait3A_413 : memref<1x80x128xf32, #tpu.memory_space<vmem>> -> memref<80x128xf32, #tpu.memory_space<vmem>>
      %dma_wait3A_415 = tpu.memref_slice %arg5[%multiple_of3A_331] : memref<12800xi32, #tpu.memory_space<vmem>> -> memref<80xi32, #tpu.memory_space<vmem>>
      %dma_wait3A_416 = arith.constant 0 : i32
      %dma_wait3A_417 = arith.constant 0 : i32
      %dma_wait3A_418 = tpu.memref_slice %arg2[%dma_wait3A_416, %dma_wait3A_417] : memref<100000x128xf32, #tpu.memory_space<hbm>> -> memref<100000x128xf32, #tpu.memory_space<hbm>>
      tpu.wait_indirect_dma semaphore(%arg7 : memref<!tpu.dma_semaphore, #tpu.memory_space<semaphore_mem>>) src(%dma_wait3A_418 : memref<100000x128xf32, #tpu.memory_space<hbm>>) dst(%dma_wait3A_414 : memref<80x128xf32, #tpu.memory_space<vmem>>)
      %add3A_419 = arith.addi %multiple_of3A, %multiple_of3A_331 : i32
      %dma_start3A_420 = arith.constant 7 : i32
      %dma_start3A_421 = arith.constant 0 : i32
      %dma_start3A_422 = arith.constant 0 : i32
      %dma_start3A_423 = tpu.memref_slice %arg6[%dma_start3A_420, %dma_start3A_421, %dma_start3A_422] : memref<8x80x128xf32, #tpu.memory_space<vmem>> -> memref<1x80x128xf32, #tpu.memory_space<vmem>>
      %dma_start3A_424 = tpu.memref_squeeze %dma_start3A_423 : memref<1x80x128xf32, #tpu.memory_space<vmem>> -> memref<80x128xf32, #tpu.memory_space<vmem>>
      %dma_start3A_425 = arith.constant 0 : i32
      %dma_start3A_426 = tpu.memref_slice %arg4[%add3A_419, %dma_start3A_425] : memref<409600x128xf32, #tpu.memory_space<hbm>> -> memref<80x128xf32, #tpu.memory_space<hbm>>
      %dma_start3A_427 = arith.constant 0 : i32
      %dma_start3A_428 = tpu.memref_slice %arg4[%add3A_419, %dma_start3A_427] : memref<409600x128xf32, #tpu.memory_space<hbm>> -> memref<80x128xf32, #tpu.memory_space<hbm>>
      %dma_start3A_429 = arith.constant 0 : i32
      %dma_start3A_430 = arith.constant 0 : i32
      %dma_start3A_431 = tpu.memref_slice %arg6[%dma_start3A_420, %dma_start3A_429, %dma_start3A_430] : memref<8x80x128xf32, #tpu.memory_space<vmem>> -> memref<1x80x128xf32, #tpu.memory_space<vmem>>
      %dma_start3A_432 = tpu.memref_squeeze %dma_start3A_431 : memref<1x80x128xf32, #tpu.memory_space<vmem>> -> memref<80x128xf32, #tpu.memory_space<vmem>>
      tpu.enqueue_dma source(%dma_start3A_432 : memref<80x128xf32, #tpu.memory_space<vmem>>) target(%dma_start3A_428 : memref<80x128xf32, #tpu.memory_space<hbm>>) target_semaphore(%arg9 : memref<!tpu.dma_semaphore, #tpu.memory_space<semaphore_mem>>)
    }
    %scan3A_6 = arith.constant 20 : i32
    %dma_wait3A = arith.constant 0 : i32
    %dma_wait3A_7 = arith.constant 0 : i32
    %dma_wait3A_8 = arith.constant 0 : i32
    %dma_wait3A_9 = tpu.memref_slice %arg6[%dma_wait3A, %dma_wait3A_7, %dma_wait3A_8] : memref<8x80x128xf32, #tpu.memory_space<vmem>> -> memref<1x80x128xf32, #tpu.memory_space<vmem>>
    %dma_wait3A_10 = tpu.memref_squeeze %dma_wait3A_9 : memref<1x80x128xf32, #tpu.memory_space<vmem>> -> memref<80x128xf32, #tpu.memory_space<vmem>>
    %dma_wait3A_11 = arith.constant 0 : i32
    %dma_wait3A_12 = tpu.memref_slice %arg4[%multiple_of3A, %dma_wait3A_11] : memref<409600x128xf32, #tpu.memory_space<hbm>> -> memref<80x128xf32, #tpu.memory_space<hbm>>
    %dma_wait3A_13 = arith.constant 0 : i32
    %dma_wait3A_14 = tpu.memref_slice %arg4[%multiple_of3A, %dma_wait3A_13] : memref<409600x128xf32, #tpu.memory_space<hbm>> -> memref<80x128xf32, #tpu.memory_space<hbm>>
    %dma_wait3A_15 = arith.constant 0 : i32
    %dma_wait3A_16 = arith.constant 0 : i32
    %dma_wait3A_17 = tpu.memref_slice %arg6[%dma_wait3A, %dma_wait3A_15, %dma_wait3A_16] : memref<8x80x128xf32, #tpu.memory_space<vmem>> -> memref<1x80x128xf32, #tpu.memory_space<vmem>>
    %dma_wait3A_18 = tpu.memref_squeeze %dma_wait3A_17 : memref<1x80x128xf32, #tpu.memory_space<vmem>> -> memref<80x128xf32, #tpu.memory_space<vmem>>
    tpu.wait_dma2 semaphore(%arg8 : memref<!tpu.dma_semaphore, #tpu.memory_space<semaphore_mem>>) src(%dma_wait3A_18 : memref<80x128xf32, #tpu.memory_space<vmem>>) dst(%dma_wait3A_14 : memref<80x128xf32, #tpu.memory_space<hbm>>)
    %dma_wait3A_19 = arith.constant 1 : i32
    %dma_wait3A_20 = arith.constant 0 : i32
    %dma_wait3A_21 = arith.constant 0 : i32
    %dma_wait3A_22 = tpu.memref_slice %arg6[%dma_wait3A_19, %dma_wait3A_20, %dma_wait3A_21] : memref<8x80x128xf32, #tpu.memory_space<vmem>> -> memref<1x80x128xf32, #tpu.memory_space<vmem>>
    %dma_wait3A_23 = tpu.memref_squeeze %dma_wait3A_22 : memref<1x80x128xf32, #tpu.memory_space<vmem>> -> memref<80x128xf32, #tpu.memory_space<vmem>>
    %dma_wait3A_24 = arith.constant 0 : i32
    %dma_wait3A_25 = tpu.memref_slice %arg4[%multiple_of3A, %dma_wait3A_24] : memref<409600x128xf32, #tpu.memory_space<hbm>> -> memref<80x128xf32, #tpu.memory_space<hbm>>
    %dma_wait3A_26 = arith.constant 0 : i32
    %dma_wait3A_27 = tpu.memref_slice %arg4[%multiple_of3A, %dma_wait3A_26] : memref<409600x128xf32, #tpu.memory_space<hbm>> -> memref<80x128xf32, #tpu.memory_space<hbm>>
    %dma_wait3A_28 = arith.constant 0 : i32
    %dma_wait3A_29 = arith.constant 0 : i32
    %dma_wait3A_30 = tpu.memref_slice %arg6[%dma_wait3A_19, %dma_wait3A_28, %dma_wait3A_29] : memref<8x80x128xf32, #tpu.memory_space<vmem>> -> memref<1x80x128xf32, #tpu.memory_space<vmem>>
    %dma_wait3A_31 = tpu.memref_squeeze %dma_wait3A_30 : memref<1x80x128xf32, #tpu.memory_space<vmem>> -> memref<80x128xf32, #tpu.memory_space<vmem>>
    tpu.wait_dma2 semaphore(%arg8 : memref<!tpu.dma_semaphore, #tpu.memory_space<semaphore_mem>>) src(%dma_wait3A_31 : memref<80x128xf32, #tpu.memory_space<vmem>>) dst(%dma_wait3A_27 : memref<80x128xf32, #tpu.memory_space<hbm>>)
    %dma_wait3A_32 = arith.constant 2 : i32
    %dma_wait3A_33 = arith.constant 0 : i32
    %dma_wait3A_34 = arith.constant 0 : i32
    %dma_wait3A_35 = tpu.memref_slice %arg6[%dma_wait3A_32, %dma_wait3A_33, %dma_wait3A_34] : memref<8x80x128xf32, #tpu.memory_space<vmem>> -> memref<1x80x128xf32, #tpu.memory_space<vmem>>
    %dma_wait3A_36 = tpu.memref_squeeze %dma_wait3A_35 : memref<1x80x128xf32, #tpu.memory_space<vmem>> -> memref<80x128xf32, #tpu.memory_space<vmem>>
    %dma_wait3A_37 = arith.constant 0 : i32
    %dma_wait3A_38 = tpu.memref_slice %arg4[%multiple_of3A, %dma_wait3A_37] : memref<409600x128xf32, #tpu.memory_space<hbm>> -> memref<80x128xf32, #tpu.memory_space<hbm>>
    %dma_wait3A_39 = arith.constant 0 : i32
    %dma_wait3A_40 = tpu.memref_slice %arg4[%multiple_of3A, %dma_wait3A_39] : memref<409600x128xf32, #tpu.memory_space<hbm>> -> memref<80x128xf32, #tpu.memory_space<hbm>>
    %dma_wait3A_41 = arith.constant 0 : i32
    %dma_wait3A_42 = arith.constant 0 : i32
    %dma_wait3A_43 = tpu.memref_slice %arg6[%dma_wait3A_32, %dma_wait3A_41, %dma_wait3A_42] : memref<8x80x128xf32, #tpu.memory_space<vmem>> -> memref<1x80x128xf32, #tpu.memory_space<vmem>>
    %dma_wait3A_44 = tpu.memref_squeeze %dma_wait3A_43 : memref<1x80x128xf32, #tpu.memory_space<vmem>> -> memref<80x128xf32, #tpu.memory_space<vmem>>
    tpu.wait_dma2 semaphore(%arg8 : memref<!tpu.dma_semaphore, #tpu.memory_space<semaphore_mem>>) src(%dma_wait3A_44 : memref<80x128xf32, #tpu.memory_space<vmem>>) dst(%dma_wait3A_40 : memref<80x128xf32, #tpu.memory_space<hbm>>)
    %dma_wait3A_45 = arith.constant 3 : i32
    %dma_wait3A_46 = arith.constant 0 : i32
    %dma_wait3A_47 = arith.constant 0 : i32
    %dma_wait3A_48 = tpu.memref_slice %arg6[%dma_wait3A_45, %dma_wait3A_46, %dma_wait3A_47] : memref<8x80x128xf32, #tpu.memory_space<vmem>> -> memref<1x80x128xf32, #tpu.memory_space<vmem>>
    %dma_wait3A_49 = tpu.memref_squeeze %dma_wait3A_48 : memref<1x80x128xf32, #tpu.memory_space<vmem>> -> memref<80x128xf32, #tpu.memory_space<vmem>>
    %dma_wait3A_50 = arith.constant 0 : i32
    %dma_wait3A_51 = tpu.memref_slice %arg4[%multiple_of3A, %dma_wait3A_50] : memref<409600x128xf32, #tpu.memory_space<hbm>> -> memref<80x128xf32, #tpu.memory_space<hbm>>
    %dma_wait3A_52 = arith.constant 0 : i32
    %dma_wait3A_53 = tpu.memref_slice %arg4[%multiple_of3A, %dma_wait3A_52] : memref<409600x128xf32, #tpu.memory_space<hbm>> -> memref<80x128xf32, #tpu.memory_space<hbm>>
    %dma_wait3A_54 = arith.constant 0 : i32
    %dma_wait3A_55 = arith.constant 0 : i32
    %dma_wait3A_56 = tpu.memref_slice %arg6[%dma_wait3A_45, %dma_wait3A_54, %dma_wait3A_55] : memref<8x80x128xf32, #tpu.memory_space<vmem>> -> memref<1x80x128xf32, #tpu.memory_space<vmem>>
    %dma_wait3A_57 = tpu.memref_squeeze %dma_wait3A_56 : memref<1x80x128xf32, #tpu.memory_space<vmem>> -> memref<80x128xf32, #tpu.memory_space<vmem>>
    tpu.wait_dma2 semaphore(%arg8 : memref<!tpu.dma_semaphore, #tpu.memory_space<semaphore_mem>>) src(%dma_wait3A_57 : memref<80x128xf32, #tpu.memory_space<vmem>>) dst(%dma_wait3A_53 : memref<80x128xf32, #tpu.memory_space<hbm>>)
    %dma_wait3A_58 = arith.constant 4 : i32
    %dma_wait3A_59 = arith.constant 0 : i32
    %dma_wait3A_60 = arith.constant 0 : i32
    %dma_wait3A_61 = tpu.memref_slice %arg6[%dma_wait3A_58, %dma_wait3A_59, %dma_wait3A_60] : memref<8x80x128xf32, #tpu.memory_space<vmem>> -> memref<1x80x128xf32, #tpu.memory_space<vmem>>
    %dma_wait3A_62 = tpu.memref_squeeze %dma_wait3A_61 : memref<1x80x128xf32, #tpu.memory_space<vmem>> -> memref<80x128xf32, #tpu.memory_space<vmem>>
    %dma_wait3A_63 = arith.constant 0 : i32
    %dma_wait3A_64 = tpu.memref_slice %arg4[%multiple_of3A, %dma_wait3A_63] : memref<409600x128xf32, #tpu.memory_space<hbm>> -> memref<80x128xf32, #tpu.memory_space<hbm>>
    %dma_wait3A_65 = arith.constant 0 : i32
    %dma_wait3A_66 = tpu.memref_slice %arg4[%multiple_of3A, %dma_wait3A_65] : memref<409600x128xf32, #tpu.memory_space<hbm>> -> memref<80x128xf32, #tpu.memory_space<hbm>>
    %dma_wait3A_67 = arith.constant 0 : i32
    %dma_wait3A_68 = arith.constant 0 : i32
    %dma_wait3A_69 = tpu.memref_slice %arg6[%dma_wait3A_58, %dma_wait3A_67, %dma_wait3A_68] : memref<8x80x128xf32, #tpu.memory_space<vmem>> -> memref<1x80x128xf32, #tpu.memory_space<vmem>>
    %dma_wait3A_70 = tpu.memref_squeeze %dma_wait3A_69 : memref<1x80x128xf32, #tpu.memory_space<vmem>> -> memref<80x128xf32, #tpu.memory_space<vmem>>
    tpu.wait_dma2 semaphore(%arg9 : memref<!tpu.dma_semaphore, #tpu.memory_space<semaphore_mem>>) src(%dma_wait3A_70 : memref<80x128xf32, #tpu.memory_space<vmem>>) dst(%dma_wait3A_66 : memref<80x128xf32, #tpu.memory_space<hbm>>)
    %dma_wait3A_71 = arith.constant 5 : i32
    %dma_wait3A_72 = arith.constant 0 : i32
    %dma_wait3A_73 = arith.constant 0 : i32
    %dma_wait3A_74 = tpu.memref_slice %arg6[%dma_wait3A_71, %dma_wait3A_72, %dma_wait3A_73] : memref<8x80x128xf32, #tpu.memory_space<vmem>> -> memref<1x80x128xf32, #tpu.memory_space<vmem>>
    %dma_wait3A_75 = tpu.memref_squeeze %dma_wait3A_74 : memref<1x80x128xf32, #tpu.memory_space<vmem>> -> memref<80x128xf32, #tpu.memory_space<vmem>>
    %dma_wait3A_76 = arith.constant 0 : i32
    %dma_wait3A_77 = tpu.memref_slice %arg4[%multiple_of3A, %dma_wait3A_76] : memref<409600x128xf32, #tpu.memory_space<hbm>> -> memref<80x128xf32, #tpu.memory_space<hbm>>
    %dma_wait3A_78 = arith.constant 0 : i32
    %dma_wait3A_79 = tpu.memref_slice %arg4[%multiple_of3A, %dma_wait3A_78] : memref<409600x128xf32, #tpu.memory_space<hbm>> -> memref<80x128xf32, #tpu.memory_space<hbm>>
    %dma_wait3A_80 = arith.constant 0 : i32
    %dma_wait3A_81 = arith.constant 0 : i32
    %dma_wait3A_82 = tpu.memref_slice %arg6[%dma_wait3A_71, %dma_wait3A_80, %dma_wait3A_81] : memref<8x80x128xf32, #tpu.memory_space<vmem>> -> memref<1x80x128xf32, #tpu.memory_space<vmem>>
    %dma_wait3A_83 = tpu.memref_squeeze %dma_wait3A_82 : memref<1x80x128xf32, #tpu.memory_space<vmem>> -> memref<80x128xf32, #tpu.memory_space<vmem>>
    tpu.wait_dma2 semaphore(%arg9 : memref<!tpu.dma_semaphore, #tpu.memory_space<semaphore_mem>>) src(%dma_wait3A_83 : memref<80x128xf32, #tpu.memory_space<vmem>>) dst(%dma_wait3A_79 : memref<80x128xf32, #tpu.memory_space<hbm>>)
    %dma_wait3A_84 = arith.constant 6 : i32
    %dma_wait3A_85 = arith.constant 0 : i32
    %dma_wait3A_86 = arith.constant 0 : i32
    %dma_wait3A_87 = tpu.memref_slice %arg6[%dma_wait3A_84, %dma_wait3A_85, %dma_wait3A_86] : memref<8x80x128xf32, #tpu.memory_space<vmem>> -> memref<1x80x128xf32, #tpu.memory_space<vmem>>
    %dma_wait3A_88 = tpu.memref_squeeze %dma_wait3A_87 : memref<1x80x128xf32, #tpu.memory_space<vmem>> -> memref<80x128xf32, #tpu.memory_space<vmem>>
    %dma_wait3A_89 = arith.constant 0 : i32
    %dma_wait3A_90 = tpu.memref_slice %arg4[%multiple_of3A, %dma_wait3A_89] : memref<409600x128xf32, #tpu.memory_space<hbm>> -> memref<80x128xf32, #tpu.memory_space<hbm>>
    %dma_wait3A_91 = arith.constant 0 : i32
    %dma_wait3A_92 = tpu.memref_slice %arg4[%multiple_of3A, %dma_wait3A_91] : memref<409600x128xf32, #tpu.memory_space<hbm>> -> memref<80x128xf32, #tpu.memory_space<hbm>>
    %dma_wait3A_93 = arith.constant 0 : i32
    %dma_wait3A_94 = arith.constant 0 : i32
    %dma_wait3A_95 = tpu.memref_slice %arg6[%dma_wait3A_84, %dma_wait3A_93, %dma_wait3A_94] : memref<8x80x128xf32, #tpu.memory_space<vmem>> -> memref<1x80x128xf32, #tpu.memory_space<vmem>>
    %dma_wait3A_96 = tpu.memref_squeeze %dma_wait3A_95 : memref<1x80x128xf32, #tpu.memory_space<vmem>> -> memref<80x128xf32, #tpu.memory_space<vmem>>
    tpu.wait_dma2 semaphore(%arg9 : memref<!tpu.dma_semaphore, #tpu.memory_space<semaphore_mem>>) src(%dma_wait3A_96 : memref<80x128xf32, #tpu.memory_space<vmem>>) dst(%dma_wait3A_92 : memref<80x128xf32, #tpu.memory_space<hbm>>)
    %dma_wait3A_97 = arith.constant 7 : i32
    %dma_wait3A_98 = arith.constant 0 : i32
    %dma_wait3A_99 = arith.constant 0 : i32
    %dma_wait3A_100 = tpu.memref_slice %arg6[%dma_wait3A_97, %dma_wait3A_98, %dma_wait3A_99] : memref<8x80x128xf32, #tpu.memory_space<vmem>> -> memref<1x80x128xf32, #tpu.memory_space<vmem>>
    %dma_wait3A_101 = tpu.memref_squeeze %dma_wait3A_100 : memref<1x80x128xf32, #tpu.memory_space<vmem>> -> memref<80x128xf32, #tpu.memory_space<vmem>>
    %dma_wait3A_102 = arith.constant 0 : i32
    %dma_wait3A_103 = tpu.memref_slice %arg4[%multiple_of3A, %dma_wait3A_102] : memref<409600x128xf32, #tpu.memory_space<hbm>> -> memref<80x128xf32, #tpu.memory_space<hbm>>
    %dma_wait3A_104 = arith.constant 0 : i32
    %dma_wait3A_105 = tpu.memref_slice %arg4[%multiple_of3A, %dma_wait3A_104] : memref<409600x128xf32, #tpu.memory_space<hbm>> -> memref<80x128xf32, #tpu.memory_space<hbm>>
    %dma_wait3A_106 = arith.constant 0 : i32
    %dma_wait3A_107 = arith.constant 0 : i32
    %dma_wait3A_108 = tpu.memref_slice %arg6[%dma_wait3A_97, %dma_wait3A_106, %dma_wait3A_107] : memref<8x80x128xf32, #tpu.memory_space<vmem>> -> memref<1x80x128xf32, #tpu.memory_space<vmem>>
    %dma_wait3A_109 = tpu.memref_squeeze %dma_wait3A_108 : memref<1x80x128xf32, #tpu.memory_space<vmem>> -> memref<80x128xf32, #tpu.memory_space<vmem>>
    tpu.wait_dma2 semaphore(%arg9 : memref<!tpu.dma_semaphore, #tpu.memory_space<semaphore_mem>>) src(%dma_wait3A_109 : memref<80x128xf32, #tpu.memory_space<vmem>>) dst(%dma_wait3A_105 : memref<80x128xf32, #tpu.memory_space<hbm>>)
    return
  }
}

#map = affine_map<(d0, d1) -> (0, 0)>
#map1 = affine_map<(d0, d1) -> (0)>
module attributes {stable_mosaic.version = 14 : i64} {
  func.func @_sc_gather_body(%arg0: i32, %arg1: i32, %arg2: memref<100000x128xf32, #tpu.memory_space<hbm>>, %arg3: memref<409600xi32, #tpu.memory_space<hbm>>, %arg4: memref<409600x128xf32, #tpu.memory_space<hbm>>, %arg5: memref<12800xi32, #tpu.memory_space<vmem>>, %arg6: memref<8x80x128xf32, #tpu.memory_space<vmem>>, %arg7: memref<!tpu.dma_semaphore, #tpu.memory_space<semaphore_mem>>, %arg8: memref<!tpu.dma_semaphore, #tpu.memory_space<semaphore_mem>>, %arg9: memref<!tpu.dma_semaphore, #tpu.memory_space<semaphore_mem>>) attributes {dimension_semantics = [#tpu.dimension_semantics<core_parallel>, #tpu.dimension_semantics<subcore_parallel>], iteration_bounds = array<i64: 2, 16>, scalar_prefetch = 0 : i64, scratch_operands = 5 : i64, tpu.core_type = #tpu.core_type<sc_vector_subcore>, window_params = [{transform_indices = #map}, {transform_indices = #map1}, {transform_indices = #map}]} {
    %mul3A = arith.constant 2 : i32
    %mul3A_0 = arith.muli %arg1, %mul3A : i32
    %add3A = arith.addi %mul3A_0, %arg0 : i32
    %mul3A_1 = arith.constant 12800 : i32
    %mul3A_2 = arith.muli %add3A, %mul3A_1 : i32
    %multiple_of3A = tpu.assume_multiple %mul3A_2, 12800 : i32
    "tpu.region"() ({
      %run_scoped3A = tpu.sem_alloc : memref<!tpu.dma_semaphore, #tpu.memory_space<semaphore_mem>>
      %dma_start3A = tpu.memref_slice %arg3[%multiple_of3A] : memref<409600xi32, #tpu.memory_space<hbm>> -> memref<12800xi32, #tpu.memory_space<hbm>>
      %dma_start3A_110 = tpu.memref_slice %arg3[%multiple_of3A] : memref<409600xi32, #tpu.memory_space<hbm>> -> memref<12800xi32, #tpu.memory_space<hbm>>
      tpu.enqueue_dma source(%dma_start3A_110 : memref<12800xi32, #tpu.memory_space<hbm>>) target(%arg5 : memref<12800xi32, #tpu.memory_space<vmem>>) target_semaphore(%run_scoped3A : memref<!tpu.dma_semaphore, #tpu.memory_space<semaphore_mem>>)
      %dma_wait3A_111 = tpu.memref_slice %arg3[%multiple_of3A] : memref<409600xi32, #tpu.memory_space<hbm>> -> memref<12800xi32, #tpu.memory_space<hbm>>
      %dma_wait3A_112 = tpu.memref_slice %arg3[%multiple_of3A] : memref<409600xi32, #tpu.memory_space<hbm>> -> memref<12800xi32, #tpu.memory_space<hbm>>
      tpu.wait_dma2 semaphore(%run_scoped3A : memref<!tpu.dma_semaphore, #tpu.memory_space<semaphore_mem>>) src(%dma_wait3A_112 : memref<12800xi32, #tpu.memory_space<hbm>>) dst(%arg5 : memref<12800xi32, #tpu.memory_space<vmem>>)
      tpu.yield
    }) : () -> ()
    %scan3A = arith.constant 0 : i32
    %scan3A_3 = arith.constant 20 : i32
    %scan3A_4 = arith.addi %scan3A, %scan3A_3 : i32
    %scan3A_5 = arith.constant 1 : i32
    scf.for %scan3A_110 = %scan3A to %scan3A_4 step %scan3A_5  : i32 {
      %mul3A_111 = arith.constant 8 : i32
      %mul3A_112 = arith.muli %scan3A_110, %mul3A_111 : i32
      %add3A_113 = arith.constant 0 : i32
      %add3A_114 = arith.addi %add3A_113, %mul3A_112 : i32
      %gt3A = arith.constant 0 : i32
      %gt3A_115 = arith.cmpi sgt, %add3A_114, %gt3A : i32
      %convert_element_type3A = arith.extui %gt3A_115 : i1 to i32
      %cond3A = arith.constant 0 : i32
      %cond3A_116 = arith.cmpi ne, %convert_element_type3A, %cond3A : i32
      scf.if %cond3A_116 {
        %dma_wait3A_433 = arith.constant 0 : i32
        %dma_wait3A_434 = arith.constant 0 : i32
        %dma_wait3A_435 = arith.constant 0 : i32
        %dma_wait3A_436 = tpu.memref_slice %arg6[%dma_wait3A_433, %dma_wait3A_434, %dma_wait3A_435] : memref<8x80x128xf32, #tpu.memory_space<vmem>> -> memref<1x80x128xf32, #tpu.memory_space<vmem>>
        %dma_wait3A_437 = tpu.memref_squeeze %dma_wait3A_436 : memref<1x80x128xf32, #tpu.memory_space<vmem>> -> memref<80x128xf32, #tpu.memory_space<vmem>>
        %dma_wait3A_438 = arith.constant 0 : i32
        %dma_wait3A_439 = tpu.memref_slice %arg4[%multiple_of3A, %dma_wait3A_438] : memref<409600x128xf32, #tpu.memory_space<hbm>> -> memref<80x128xf32, #tpu.memory_space<hbm>>
        %dma_wait3A_440 = arith.constant 0 : i32
        %dma_wait3A_441 = tpu.memref_slice %arg4[%multiple_of3A, %dma_wait3A_440] : memref<409600x128xf32, #tpu.memory_space<hbm>> -> memref<80x128xf32, #tpu.memory_space<hbm>>
        %dma_wait3A_442 = arith.constant 0 : i32
        %dma_wait3A_443 = arith.constant 0 : i32
        %dma_wait3A_444 = tpu.memref_slice %arg6[%dma_wait3A_433, %dma_wait3A_442, %dma_wait3A_443] : memref<8x80x128xf32, #tpu.memory_space<vmem>> -> memref<1x80x128xf32, #tpu.memory_space<vmem>>
        %dma_wait3A_445 = tpu.memref_squeeze %dma_wait3A_444 : memref<1x80x128xf32, #tpu.memory_space<vmem>> -> memref<80x128xf32, #tpu.memory_space<vmem>>
        tpu.wait_dma2 semaphore(%arg8 : memref<!tpu.dma_semaphore, #tpu.memory_space<semaphore_mem>>) src(%dma_wait3A_445 : memref<80x128xf32, #tpu.memory_space<vmem>>) dst(%dma_wait3A_441 : memref<80x128xf32, #tpu.memory_space<hbm>>)
        %dma_wait3A_446 = arith.constant 1 : i32
        %dma_wait3A_447 = arith.constant 0 : i32
        %dma_wait3A_448 = arith.constant 0 : i32
        %dma_wait3A_449 = tpu.memref_slice %arg6[%dma_wait3A_446, %dma_wait3A_447, %dma_wait3A_448] : memref<8x80x128xf32, #tpu.memory_space<vmem>> -> memref<1x80x128xf32, #tpu.memory_space<vmem>>
        %dma_wait3A_450 = tpu.memref_squeeze %dma_wait3A_449 : memref<1x80x128xf32, #tpu.memory_space<vmem>> -> memref<80x128xf32, #tpu.memory_space<vmem>>
        %dma_wait3A_451 = arith.constant 0 : i32
        %dma_wait3A_452 = tpu.memref_slice %arg4[%multiple_of3A, %dma_wait3A_451] : memref<409600x128xf32, #tpu.memory_space<hbm>> -> memref<80x128xf32, #tpu.memory_space<hbm>>
        %dma_wait3A_453 = arith.constant 0 : i32
        %dma_wait3A_454 = tpu.memref_slice %arg4[%multiple_of3A, %dma_wait3A_453] : memref<409600x128xf32, #tpu.memory_space<hbm>> -> memref<80x128xf32, #tpu.memory_space<hbm>>
        %dma_wait3A_455 = arith.constant 0 : i32
        %dma_wait3A_456 = arith.constant 0 : i32
        %dma_wait3A_457 = tpu.memref_slice %arg6[%dma_wait3A_446, %dma_wait3A_455, %dma_wait3A_456] : memref<8x80x128xf32, #tpu.memory_space<vmem>> -> memref<1x80x128xf32, #tpu.memory_space<vmem>>
        %dma_wait3A_458 = tpu.memref_squeeze %dma_wait3A_457 : memref<1x80x128xf32, #tpu.memory_space<vmem>> -> memref<80x128xf32, #tpu.memory_space<vmem>>
        tpu.wait_dma2 semaphore(%arg8 : memref<!tpu.dma_semaphore, #tpu.memory_space<semaphore_mem>>) src(%dma_wait3A_458 : memref<80x128xf32, #tpu.memory_space<vmem>>) dst(%dma_wait3A_454 : memref<80x128xf32, #tpu.memory_space<hbm>>)
        %dma_wait3A_459 = arith.constant 2 : i32
        %dma_wait3A_460 = arith.constant 0 : i32
        %dma_wait3A_461 = arith.constant 0 : i32
        %dma_wait3A_462 = tpu.memref_slice %arg6[%dma_wait3A_459, %dma_wait3A_460, %dma_wait3A_461] : memref<8x80x128xf32, #tpu.memory_space<vmem>> -> memref<1x80x128xf32, #tpu.memory_space<vmem>>
        %dma_wait3A_463 = tpu.memref_squeeze %dma_wait3A_462 : memref<1x80x128xf32, #tpu.memory_space<vmem>> -> memref<80x128xf32, #tpu.memory_space<vmem>>
        %dma_wait3A_464 = arith.constant 0 : i32
        %dma_wait3A_465 = tpu.memref_slice %arg4[%multiple_of3A, %dma_wait3A_464] : memref<409600x128xf32, #tpu.memory_space<hbm>> -> memref<80x128xf32, #tpu.memory_space<hbm>>
        %dma_wait3A_466 = arith.constant 0 : i32
        %dma_wait3A_467 = tpu.memref_slice %arg4[%multiple_of3A, %dma_wait3A_466] : memref<409600x128xf32, #tpu.memory_space<hbm>> -> memref<80x128xf32, #tpu.memory_space<hbm>>
        %dma_wait3A_468 = arith.constant 0 : i32
        %dma_wait3A_469 = arith.constant 0 : i32
        %dma_wait3A_470 = tpu.memref_slice %arg6[%dma_wait3A_459, %dma_wait3A_468, %dma_wait3A_469] : memref<8x80x128xf32, #tpu.memory_space<vmem>> -> memref<1x80x128xf32, #tpu.memory_space<vmem>>
        %dma_wait3A_471 = tpu.memref_squeeze %dma_wait3A_470 : memref<1x80x128xf32, #tpu.memory_space<vmem>> -> memref<80x128xf32, #tpu.memory_space<vmem>>
        tpu.wait_dma2 semaphore(%arg8 : memref<!tpu.dma_semaphore, #tpu.memory_space<semaphore_mem>>) src(%dma_wait3A_471 : memref<80x128xf32, #tpu.memory_space<vmem>>) dst(%dma_wait3A_467 : memref<80x128xf32, #tpu.memory_space<hbm>>)
        %dma_wait3A_472 = arith.constant 3 : i32
        %dma_wait3A_473 = arith.constant 0 : i32
        %dma_wait3A_474 = arith.constant 0 : i32
        %dma_wait3A_475 = tpu.memref_slice %arg6[%dma_wait3A_472, %dma_wait3A_473, %dma_wait3A_474] : memref<8x80x128xf32, #tpu.memory_space<vmem>> -> memref<1x80x128xf32, #tpu.memory_space<vmem>>
        %dma_wait3A_476 = tpu.memref_squeeze %dma_wait3A_475 : memref<1x80x128xf32, #tpu.memory_space<vmem>> -> memref<80x128xf32, #tpu.memory_space<vmem>>
        %dma_wait3A_477 = arith.constant 0 : i32
        %dma_wait3A_478 = tpu.memref_slice %arg4[%multiple_of3A, %dma_wait3A_477] : memref<409600x128xf32, #tpu.memory_space<hbm>> -> memref<80x128xf32, #tpu.memory_space<hbm>>
        %dma_wait3A_479 = arith.constant 0 : i32
        %dma_wait3A_480 = tpu.memref_slice %arg4[%multiple_of3A, %dma_wait3A_479] : memref<409600x128xf32, #tpu.memory_space<hbm>> -> memref<80x128xf32, #tpu.memory_space<hbm>>
        %dma_wait3A_481 = arith.constant 0 : i32
        %dma_wait3A_482 = arith.constant 0 : i32
        %dma_wait3A_483 = tpu.memref_slice %arg6[%dma_wait3A_472, %dma_wait3A_481, %dma_wait3A_482] : memref<8x80x128xf32, #tpu.memory_space<vmem>> -> memref<1x80x128xf32, #tpu.memory_space<vmem>>
        %dma_wait3A_484 = tpu.memref_squeeze %dma_wait3A_483 : memref<1x80x128xf32, #tpu.memory_space<vmem>> -> memref<80x128xf32, #tpu.memory_space<vmem>>
        tpu.wait_dma2 semaphore(%arg8 : memref<!tpu.dma_semaphore, #tpu.memory_space<semaphore_mem>>) src(%dma_wait3A_484 : memref<80x128xf32, #tpu.memory_space<vmem>>) dst(%dma_wait3A_480 : memref<80x128xf32, #tpu.memory_space<hbm>>)
      } else {
      }
      %add3A_117 = arith.constant 0 : i32
      %add3A_118 = arith.addi %add3A_114, %add3A_117 : i32
      %add3A_119 = arith.constant 0 : i32
      %add3A_120 = arith.addi %add3A_118, %add3A_119 : i32
      %mul3A_121 = arith.constant 80 : i32
      %mul3A_122 = arith.muli %add3A_120, %mul3A_121 : i32
      %multiple_of3A_123 = tpu.assume_multiple %mul3A_122, 80 : i32
      %dma_start3A = arith.constant 0 : i32
      %dma_start3A_124 = arith.constant 0 : i32
      %dma_start3A_125 = arith.constant 0 : i32
      %dma_start3A_126 = tpu.memref_slice %arg6[%dma_start3A, %dma_start3A_124, %dma_start3A_125] : memref<8x80x128xf32, #tpu.memory_space<vmem>> -> memref<1x80x128xf32, #tpu.memory_space<vmem>>
      %dma_start3A_127 = tpu.memref_squeeze %dma_start3A_126 : memref<1x80x128xf32, #tpu.memory_space<vmem>> -> memref<80x128xf32, #tpu.memory_space<vmem>>
      %dma_start3A_128 = tpu.memref_slice %arg5[%multiple_of3A_123] : memref<12800xi32, #tpu.memory_space<vmem>> -> memref<80xi32, #tpu.memory_space<vmem>>
      %dma_start3A_129 = arith.constant 0 : i32
      %dma_start3A_130 = arith.constant 0 : i32
      %dma_start3A_131 = tpu.memref_slice %arg2[%dma_start3A_129, %dma_start3A_130] : memref<100000x128xf32, #tpu.memory_space<hbm>> -> memref<100000x128xf32, #tpu.memory_space<hbm>>
      tpu.enqueue_indirect_dma source(%dma_start3A_131 : memref<100000x128xf32, #tpu.memory_space<hbm>>) target(%dma_start3A_127 : memref<80x128xf32, #tpu.memory_space<vmem>>) offsets(%dma_start3A_128 : memref<80xi32, #tpu.memory_space<vmem>>) semaphore(%arg7 : memref<!tpu.dma_semaphore, #tpu.memory_space<semaphore_mem>>)
      %add3A_132 = arith.constant 0 : i32
      %add3A_133 = arith.addi %add3A_114, %add3A_132 : i32
      %add3A_134 = arith.constant 1 : i32
      %add3A_135 = arith.addi %add3A_133, %add3A_134 : i32
      %mul3A_136 = arith.constant 80 : i32
      %mul3A_137 = arith.muli %add3A_135, %mul3A_136 : i32
      %multiple_of3A_138 = tpu.assume_multiple %mul3A_137, 80 : i32
      %dma_start3A_139 = arith.constant 1 : i32
      %dma_start3A_140 = arith.constant 0 : i32
      %dma_start3A_141 = arith.constant 0 : i32
      %dma_start3A_142 = tpu.memref_slice %arg6[%dma_start3A_139, %dma_start3A_140, %dma_start3A_141] : memref<8x80x128xf32, #tpu.memory_space<vmem>> -> memref<1x80x128xf32, #tpu.memory_space<vmem>>
      %dma_start3A_143 = tpu.memref_squeeze %dma_start3A_142 : memref<1x80x128xf32, #tpu.memory_space<vmem>> -> memref<80x128xf32, #tpu.memory_space<vmem>>
      %dma_start3A_144 = tpu.memref_slice %arg5[%multiple_of3A_138] : memref<12800xi32, #tpu.memory_space<vmem>> -> memref<80xi32, #tpu.memory_space<vmem>>
      %dma_start3A_145 = arith.constant 0 : i32
      %dma_start3A_146 = arith.constant 0 : i32
      %dma_start3A_147 = tpu.memref_slice %arg2[%dma_start3A_145, %dma_start3A_146] : memref<100000x128xf32, #tpu.memory_space<hbm>> -> memref<100000x128xf32, #tpu.memory_space<hbm>>
      tpu.enqueue_indirect_dma source(%dma_start3A_147 : memref<100000x128xf32, #tpu.memory_space<hbm>>) target(%dma_start3A_143 : memref<80x128xf32, #tpu.memory_space<vmem>>) offsets(%dma_start3A_144 : memref<80xi32, #tpu.memory_space<vmem>>) semaphore(%arg7 : memref<!tpu.dma_semaphore, #tpu.memory_space<semaphore_mem>>)
      %add3A_148 = arith.constant 0 : i32
      %add3A_149 = arith.addi %add3A_114, %add3A_148 : i32
      %add3A_150 = arith.constant 2 : i32
      %add3A_151 = arith.addi %add3A_149, %add3A_150 : i32
      %mul3A_152 = arith.constant 80 : i32
      %mul3A_153 = arith.muli %add3A_151, %mul3A_152 : i32
      %multiple_of3A_154 = tpu.assume_multiple %mul3A_153, 80 : i32
      %dma_start3A_155 = arith.constant 2 : i32
      %dma_start3A_156 = arith.constant 0 : i32
      %dma_start3A_157 = arith.constant 0 : i32
      %dma_start3A_158 = tpu.memref_slice %arg6[%dma_start3A_155, %dma_start3A_156, %dma_start3A_157] : memref<8x80x128xf32, #tpu.memory_space<vmem>> -> memref<1x80x128xf32, #tpu.memory_space<vmem>>
      %dma_start3A_159 = tpu.memref_squeeze %dma_start3A_158 : memref<1x80x128xf32, #tpu.memory_space<vmem>> -> memref<80x128xf32, #tpu.memory_space<vmem>>
      %dma_start3A_160 = tpu.memref_slice %arg5[%multiple_of3A_154] : memref<12800xi32, #tpu.memory_space<vmem>> -> memref<80xi32, #tpu.memory_space<vmem>>
      %dma_start3A_161 = arith.constant 0 : i32
      %dma_start3A_162 = arith.constant 0 : i32
      %dma_start3A_163 = tpu.memref_slice %arg2[%dma_start3A_161, %dma_start3A_162] : memref<100000x128xf32, #tpu.memory_space<hbm>> -> memref<100000x128xf32, #tpu.memory_space<hbm>>
      tpu.enqueue_indirect_dma source(%dma_start3A_163 : memref<100000x128xf32, #tpu.memory_space<hbm>>) target(%dma_start3A_159 : memref<80x128xf32, #tpu.memory_space<vmem>>) offsets(%dma_start3A_160 : memref<80xi32, #tpu.memory_space<vmem>>) semaphore(%arg7 : memref<!tpu.dma_semaphore, #tpu.memory_space<semaphore_mem>>)
      %add3A_164 = arith.constant 0 : i32
      %add3A_165 = arith.addi %add3A_114, %add3A_164 : i32
      %add3A_166 = arith.constant 3 : i32
      %add3A_167 = arith.addi %add3A_165, %add3A_166 : i32
      %mul3A_168 = arith.constant 80 : i32
      %mul3A_169 = arith.muli %add3A_167, %mul3A_168 : i32
      %multiple_of3A_170 = tpu.assume_multiple %mul3A_169, 80 : i32
      %dma_start3A_171 = arith.constant 3 : i32
      %dma_start3A_172 = arith.constant 0 : i32
      %dma_start3A_173 = arith.constant 0 : i32
      %dma_start3A_174 = tpu.memref_slice %arg6[%dma_start3A_171, %dma_start3A_172, %dma_start3A_173] : memref<8x80x128xf32, #tpu.memory_space<vmem>> -> memref<1x80x128xf32, #tpu.memory_space<vmem>>
      %dma_start3A_175 = tpu.memref_squeeze %dma_start3A_174 : memref<1x80x128xf32, #tpu.memory_space<vmem>> -> memref<80x128xf32, #tpu.memory_space<vmem>>
      %dma_start3A_176 = tpu.memref_slice %arg5[%multiple_of3A_170] : memref<12800xi32, #tpu.memory_space<vmem>> -> memref<80xi32, #tpu.memory_space<vmem>>
      %dma_start3A_177 = arith.constant 0 : i32
      %dma_start3A_178 = arith.constant 0 : i32
      %dma_start3A_179 = tpu.memref_slice %arg2[%dma_start3A_177, %dma_start3A_178] : memref<100000x128xf32, #tpu.memory_space<hbm>> -> memref<100000x128xf32, #tpu.memory_space<hbm>>
      tpu.enqueue_indirect_dma source(%dma_start3A_179 : memref<100000x128xf32, #tpu.memory_space<hbm>>) target(%dma_start3A_175 : memref<80x128xf32, #tpu.memory_space<vmem>>) offsets(%dma_start3A_176 : memref<80xi32, #tpu.memory_space<vmem>>) semaphore(%arg7 : memref<!tpu.dma_semaphore, #tpu.memory_space<semaphore_mem>>)
      %dma_wait3A_180 = arith.constant 0 : i32
      %dma_wait3A_181 = arith.constant 0 : i32
      %dma_wait3A_182 = arith.constant 0 : i32
      %dma_wait3A_183 = tpu.memref_slice %arg6[%dma_wait3A_180, %dma_wait3A_181, %dma_wait3A_182] : memref<8x80x128xf32, #tpu.memory_space<vmem>> -> memref<1x80x128xf32, #tpu.memory_space<vmem>>
      %dma_wait3A_184 = tpu.memref_squeeze %dma_wait3A_183 : memref<1x80x128xf32, #tpu.memory_space<vmem>> -> memref<80x128xf32, #tpu.memory_space<vmem>>
      %dma_wait3A_185 = tpu.memref_slice %arg5[%multiple_of3A_123] : memref<12800xi32, #tpu.memory_space<vmem>> -> memref<80xi32, #tpu.memory_space<vmem>>
      %dma_wait3A_186 = arith.constant 0 : i32
      %dma_wait3A_187 = arith.constant 0 : i32
      %dma_wait3A_188 = tpu.memref_slice %arg2[%dma_wait3A_186, %dma_wait3A_187] : memref<100000x128xf32, #tpu.memory_space<hbm>> -> memref<100000x128xf32, #tpu.memory_space<hbm>>
      tpu.wait_indirect_dma semaphore(%arg7 : memref<!tpu.dma_semaphore, #tpu.memory_space<semaphore_mem>>) src(%dma_wait3A_188 : memref<100000x128xf32, #tpu.memory_space<hbm>>) dst(%dma_wait3A_184 : memref<80x128xf32, #tpu.memory_space<vmem>>)
      %add3A_189 = arith.addi %multiple_of3A, %multiple_of3A_123 : i32
      %dma_start3A_190 = arith.constant 0 : i32
      %dma_start3A_191 = arith.constant 0 : i32
      %dma_start3A_192 = arith.constant 0 : i32
      %dma_start3A_193 = tpu.memref_slice %arg6[%dma_start3A_190, %dma_start3A_191, %dma_start3A_192] : memref<8x80x128xf32, #tpu.memory_space<vmem>> -> memref<1x80x128xf32, #tpu.memory_space<vmem>>
      %dma_start3A_194 = tpu.memref_squeeze %dma_start3A_193 : memref<1x80x128xf32, #tpu.memory_space<vmem>> -> memref<80x128xf32, #tpu.memory_space<vmem>>
      %dma_start3A_195 = arith.constant 0 : i32
      %dma_start3A_196 = tpu.memref_slice %arg4[%add3A_189, %dma_start3A_195] : memref<409600x128xf32, #tpu.memory_space<hbm>> -> memref<80x128xf32, #tpu.memory_space<hbm>>
      %dma_start3A_197 = arith.constant 0 : i32
      %dma_start3A_198 = tpu.memref_slice %arg4[%add3A_189, %dma_start3A_197] : memref<409600x128xf32, #tpu.memory_space<hbm>> -> memref<80x128xf32, #tpu.memory_space<hbm>>
      %dma_start3A_199 = arith.constant 0 : i32
      %dma_start3A_200 = arith.constant 0 : i32
      %dma_start3A_201 = tpu.memref_slice %arg6[%dma_start3A_190, %dma_start3A_199, %dma_start3A_200] : memref<8x80x128xf32, #tpu.memory_space<vmem>> -> memref<1x80x128xf32, #tpu.memory_space<vmem>>
      %dma_start3A_202 = tpu.memref_squeeze %dma_start3A_201 : memref<1x80x128xf32, #tpu.memory_space<vmem>> -> memref<80x128xf32, #tpu.memory_space<vmem>>
      tpu.enqueue_dma source(%dma_start3A_202 : memref<80x128xf32, #tpu.memory_space<vmem>>) target(%dma_start3A_198 : memref<80x128xf32, #tpu.memory_space<hbm>>) target_semaphore(%arg8 : memref<!tpu.dma_semaphore, #tpu.memory_space<semaphore_mem>>)
      %dma_wait3A_203 = arith.constant 1 : i32
      %dma_wait3A_204 = arith.constant 0 : i32
      %dma_wait3A_205 = arith.constant 0 : i32
      %dma_wait3A_206 = tpu.memref_slice %arg6[%dma_wait3A_203, %dma_wait3A_204, %dma_wait3A_205] : memref<8x80x128xf32, #tpu.memory_space<vmem>> -> memref<1x80x128xf32, #tpu.memory_space<vmem>>
      %dma_wait3A_207 = tpu.memref_squeeze %dma_wait3A_206 : memref<1x80x128xf32, #tpu.memory_space<vmem>> -> memref<80x128xf32, #tpu.memory_space<vmem>>
      %dma_wait3A_208 = tpu.memref_slice %arg5[%multiple_of3A_138] : memref<12800xi32, #tpu.memory_space<vmem>> -> memref<80xi32, #tpu.memory_space<vmem>>
      %dma_wait3A_209 = arith.constant 0 : i32
      %dma_wait3A_210 = arith.constant 0 : i32
      %dma_wait3A_211 = tpu.memref_slice %arg2[%dma_wait3A_209, %dma_wait3A_210] : memref<100000x128xf32, #tpu.memory_space<hbm>> -> memref<100000x128xf32, #tpu.memory_space<hbm>>
      tpu.wait_indirect_dma semaphore(%arg7 : memref<!tpu.dma_semaphore, #tpu.memory_space<semaphore_mem>>) src(%dma_wait3A_211 : memref<100000x128xf32, #tpu.memory_space<hbm>>) dst(%dma_wait3A_207 : memref<80x128xf32, #tpu.memory_space<vmem>>)
      %add3A_212 = arith.addi %multiple_of3A, %multiple_of3A_138 : i32
      %dma_start3A_213 = arith.constant 1 : i32
      %dma_start3A_214 = arith.constant 0 : i32
      %dma_start3A_215 = arith.constant 0 : i32
      %dma_start3A_216 = tpu.memref_slice %arg6[%dma_start3A_213, %dma_start3A_214, %dma_start3A_215] : memref<8x80x128xf32, #tpu.memory_space<vmem>> -> memref<1x80x128xf32, #tpu.memory_space<vmem>>
      %dma_start3A_217 = tpu.memref_squeeze %dma_start3A_216 : memref<1x80x128xf32, #tpu.memory_space<vmem>> -> memref<80x128xf32, #tpu.memory_space<vmem>>
      %dma_start3A_218 = arith.constant 0 : i32
      %dma_start3A_219 = tpu.memref_slice %arg4[%add3A_212, %dma_start3A_218] : memref<409600x128xf32, #tpu.memory_space<hbm>> -> memref<80x128xf32, #tpu.memory_space<hbm>>
      %dma_start3A_220 = arith.constant 0 : i32
      %dma_start3A_221 = tpu.memref_slice %arg4[%add3A_212, %dma_start3A_220] : memref<409600x128xf32, #tpu.memory_space<hbm>> -> memref<80x128xf32, #tpu.memory_space<hbm>>
      %dma_start3A_222 = arith.constant 0 : i32
      %dma_start3A_223 = arith.constant 0 : i32
      %dma_start3A_224 = tpu.memref_slice %arg6[%dma_start3A_213, %dma_start3A_222, %dma_start3A_223] : memref<8x80x128xf32, #tpu.memory_space<vmem>> -> memref<1x80x128xf32, #tpu.memory_space<vmem>>
      %dma_start3A_225 = tpu.memref_squeeze %dma_start3A_224 : memref<1x80x128xf32, #tpu.memory_space<vmem>> -> memref<80x128xf32, #tpu.memory_space<vmem>>
      tpu.enqueue_dma source(%dma_start3A_225 : memref<80x128xf32, #tpu.memory_space<vmem>>) target(%dma_start3A_221 : memref<80x128xf32, #tpu.memory_space<hbm>>) target_semaphore(%arg8 : memref<!tpu.dma_semaphore, #tpu.memory_space<semaphore_mem>>)
      %dma_wait3A_226 = arith.constant 2 : i32
      %dma_wait3A_227 = arith.constant 0 : i32
      %dma_wait3A_228 = arith.constant 0 : i32
      %dma_wait3A_229 = tpu.memref_slice %arg6[%dma_wait3A_226, %dma_wait3A_227, %dma_wait3A_228] : memref<8x80x128xf32, #tpu.memory_space<vmem>> -> memref<1x80x128xf32, #tpu.memory_space<vmem>>
      %dma_wait3A_230 = tpu.memref_squeeze %dma_wait3A_229 : memref<1x80x128xf32, #tpu.memory_space<vmem>> -> memref<80x128xf32, #tpu.memory_space<vmem>>
      %dma_wait3A_231 = tpu.memref_slice %arg5[%multiple_of3A_154] : memref<12800xi32, #tpu.memory_space<vmem>> -> memref<80xi32, #tpu.memory_space<vmem>>
      %dma_wait3A_232 = arith.constant 0 : i32
      %dma_wait3A_233 = arith.constant 0 : i32
      %dma_wait3A_234 = tpu.memref_slice %arg2[%dma_wait3A_232, %dma_wait3A_233] : memref<100000x128xf32, #tpu.memory_space<hbm>> -> memref<100000x128xf32, #tpu.memory_space<hbm>>
      tpu.wait_indirect_dma semaphore(%arg7 : memref<!tpu.dma_semaphore, #tpu.memory_space<semaphore_mem>>) src(%dma_wait3A_234 : memref<100000x128xf32, #tpu.memory_space<hbm>>) dst(%dma_wait3A_230 : memref<80x128xf32, #tpu.memory_space<vmem>>)
      %add3A_235 = arith.addi %multiple_of3A, %multiple_of3A_154 : i32
      %dma_start3A_236 = arith.constant 2 : i32
      %dma_start3A_237 = arith.constant 0 : i32
      %dma_start3A_238 = arith.constant 0 : i32
      %dma_start3A_239 = tpu.memref_slice %arg6[%dma_start3A_236, %dma_start3A_237, %dma_start3A_238] : memref<8x80x128xf32, #tpu.memory_space<vmem>> -> memref<1x80x128xf32, #tpu.memory_space<vmem>>
      %dma_start3A_240 = tpu.memref_squeeze %dma_start3A_239 : memref<1x80x128xf32, #tpu.memory_space<vmem>> -> memref<80x128xf32, #tpu.memory_space<vmem>>
      %dma_start3A_241 = arith.constant 0 : i32
      %dma_start3A_242 = tpu.memref_slice %arg4[%add3A_235, %dma_start3A_241] : memref<409600x128xf32, #tpu.memory_space<hbm>> -> memref<80x128xf32, #tpu.memory_space<hbm>>
      %dma_start3A_243 = arith.constant 0 : i32
      %dma_start3A_244 = tpu.memref_slice %arg4[%add3A_235, %dma_start3A_243] : memref<409600x128xf32, #tpu.memory_space<hbm>> -> memref<80x128xf32, #tpu.memory_space<hbm>>
      %dma_start3A_245 = arith.constant 0 : i32
      %dma_start3A_246 = arith.constant 0 : i32
      %dma_start3A_247 = tpu.memref_slice %arg6[%dma_start3A_236, %dma_start3A_245, %dma_start3A_246] : memref<8x80x128xf32, #tpu.memory_space<vmem>> -> memref<1x80x128xf32, #tpu.memory_space<vmem>>
      %dma_start3A_248 = tpu.memref_squeeze %dma_start3A_247 : memref<1x80x128xf32, #tpu.memory_space<vmem>> -> memref<80x128xf32, #tpu.memory_space<vmem>>
      tpu.enqueue_dma source(%dma_start3A_248 : memref<80x128xf32, #tpu.memory_space<vmem>>) target(%dma_start3A_244 : memref<80x128xf32, #tpu.memory_space<hbm>>) target_semaphore(%arg8 : memref<!tpu.dma_semaphore, #tpu.memory_space<semaphore_mem>>)
      %dma_wait3A_249 = arith.constant 3 : i32
      %dma_wait3A_250 = arith.constant 0 : i32
      %dma_wait3A_251 = arith.constant 0 : i32
      %dma_wait3A_252 = tpu.memref_slice %arg6[%dma_wait3A_249, %dma_wait3A_250, %dma_wait3A_251] : memref<8x80x128xf32, #tpu.memory_space<vmem>> -> memref<1x80x128xf32, #tpu.memory_space<vmem>>
      %dma_wait3A_253 = tpu.memref_squeeze %dma_wait3A_252 : memref<1x80x128xf32, #tpu.memory_space<vmem>> -> memref<80x128xf32, #tpu.memory_space<vmem>>
      %dma_wait3A_254 = tpu.memref_slice %arg5[%multiple_of3A_170] : memref<12800xi32, #tpu.memory_space<vmem>> -> memref<80xi32, #tpu.memory_space<vmem>>
      %dma_wait3A_255 = arith.constant 0 : i32
      %dma_wait3A_256 = arith.constant 0 : i32
      %dma_wait3A_257 = tpu.memref_slice %arg2[%dma_wait3A_255, %dma_wait3A_256] : memref<100000x128xf32, #tpu.memory_space<hbm>> -> memref<100000x128xf32, #tpu.memory_space<hbm>>
      tpu.wait_indirect_dma semaphore(%arg7 : memref<!tpu.dma_semaphore, #tpu.memory_space<semaphore_mem>>) src(%dma_wait3A_257 : memref<100000x128xf32, #tpu.memory_space<hbm>>) dst(%dma_wait3A_253 : memref<80x128xf32, #tpu.memory_space<vmem>>)
      %add3A_258 = arith.addi %multiple_of3A, %multiple_of3A_170 : i32
      %dma_start3A_259 = arith.constant 3 : i32
      %dma_start3A_260 = arith.constant 0 : i32
      %dma_start3A_261 = arith.constant 0 : i32
      %dma_start3A_262 = tpu.memref_slice %arg6[%dma_start3A_259, %dma_start3A_260, %dma_start3A_261] : memref<8x80x128xf32, #tpu.memory_space<vmem>> -> memref<1x80x128xf32, #tpu.memory_space<vmem>>
      %dma_start3A_263 = tpu.memref_squeeze %dma_start3A_262 : memref<1x80x128xf32, #tpu.memory_space<vmem>> -> memref<80x128xf32, #tpu.memory_space<vmem>>
      %dma_start3A_264 = arith.constant 0 : i32
      %dma_start3A_265 = tpu.memref_slice %arg4[%add3A_258, %dma_start3A_264] : memref<409600x128xf32, #tpu.memory_space<hbm>> -> memref<80x128xf32, #tpu.memory_space<hbm>>
      %dma_start3A_266 = arith.constant 0 : i32
      %dma_start3A_267 = tpu.memref_slice %arg4[%add3A_258, %dma_start3A_266] : memref<409600x128xf32, #tpu.memory_space<hbm>> -> memref<80x128xf32, #tpu.memory_space<hbm>>
      %dma_start3A_268 = arith.constant 0 : i32
      %dma_start3A_269 = arith.constant 0 : i32
      %dma_start3A_270 = tpu.memref_slice %arg6[%dma_start3A_259, %dma_start3A_268, %dma_start3A_269] : memref<8x80x128xf32, #tpu.memory_space<vmem>> -> memref<1x80x128xf32, #tpu.memory_space<vmem>>
      %dma_start3A_271 = tpu.memref_squeeze %dma_start3A_270 : memref<1x80x128xf32, #tpu.memory_space<vmem>> -> memref<80x128xf32, #tpu.memory_space<vmem>>
      tpu.enqueue_dma source(%dma_start3A_271 : memref<80x128xf32, #tpu.memory_space<vmem>>) target(%dma_start3A_267 : memref<80x128xf32, #tpu.memory_space<hbm>>) target_semaphore(%arg8 : memref<!tpu.dma_semaphore, #tpu.memory_space<semaphore_mem>>)
      %gt3A_272 = arith.constant 0 : i32
      %gt3A_273 = arith.cmpi sgt, %add3A_114, %gt3A_272 : i32
      %convert_element_type3A_274 = arith.extui %gt3A_273 : i1 to i32
      %cond3A_275 = arith.constant 0 : i32
      %cond3A_276 = arith.cmpi ne, %convert_element_type3A_274, %cond3A_275 : i32
      scf.if %cond3A_276 {
        %dma_wait3A_433 = arith.constant 4 : i32
        %dma_wait3A_434 = arith.constant 0 : i32
        %dma_wait3A_435 = arith.constant 0 : i32
        %dma_wait3A_436 = tpu.memref_slice %arg6[%dma_wait3A_433, %dma_wait3A_434, %dma_wait3A_435] : memref<8x80x128xf32, #tpu.memory_space<vmem>> -> memref<1x80x128xf32, #tpu.memory_space<vmem>>
        %dma_wait3A_437 = tpu.memref_squeeze %dma_wait3A_436 : memref<1x80x128xf32, #tpu.memory_space<vmem>> -> memref<80x128xf32, #tpu.memory_space<vmem>>
        %dma_wait3A_438 = arith.constant 0 : i32
        %dma_wait3A_439 = tpu.memref_slice %arg4[%multiple_of3A, %dma_wait3A_438] : memref<409600x128xf32, #tpu.memory_space<hbm>> -> memref<80x128xf32, #tpu.memory_space<hbm>>
        %dma_wait3A_440 = arith.constant 0 : i32
        %dma_wait3A_441 = tpu.memref_slice %arg4[%multiple_of3A, %dma_wait3A_440] : memref<409600x128xf32, #tpu.memory_space<hbm>> -> memref<80x128xf32, #tpu.memory_space<hbm>>
        %dma_wait3A_442 = arith.constant 0 : i32
        %dma_wait3A_443 = arith.constant 0 : i32
        %dma_wait3A_444 = tpu.memref_slice %arg6[%dma_wait3A_433, %dma_wait3A_442, %dma_wait3A_443] : memref<8x80x128xf32, #tpu.memory_space<vmem>> -> memref<1x80x128xf32, #tpu.memory_space<vmem>>
        %dma_wait3A_445 = tpu.memref_squeeze %dma_wait3A_444 : memref<1x80x128xf32, #tpu.memory_space<vmem>> -> memref<80x128xf32, #tpu.memory_space<vmem>>
        tpu.wait_dma2 semaphore(%arg9 : memref<!tpu.dma_semaphore, #tpu.memory_space<semaphore_mem>>) src(%dma_wait3A_445 : memref<80x128xf32, #tpu.memory_space<vmem>>) dst(%dma_wait3A_441 : memref<80x128xf32, #tpu.memory_space<hbm>>)
        %dma_wait3A_446 = arith.constant 5 : i32
        %dma_wait3A_447 = arith.constant 0 : i32
        %dma_wait3A_448 = arith.constant 0 : i32
        %dma_wait3A_449 = tpu.memref_slice %arg6[%dma_wait3A_446, %dma_wait3A_447, %dma_wait3A_448] : memref<8x80x128xf32, #tpu.memory_space<vmem>> -> memref<1x80x128xf32, #tpu.memory_space<vmem>>
        %dma_wait3A_450 = tpu.memref_squeeze %dma_wait3A_449 : memref<1x80x128xf32, #tpu.memory_space<vmem>> -> memref<80x128xf32, #tpu.memory_space<vmem>>
        %dma_wait3A_451 = arith.constant 0 : i32
        %dma_wait3A_452 = tpu.memref_slice %arg4[%multiple_of3A, %dma_wait3A_451] : memref<409600x128xf32, #tpu.memory_space<hbm>> -> memref<80x128xf32, #tpu.memory_space<hbm>>
        %dma_wait3A_453 = arith.constant 0 : i32
        %dma_wait3A_454 = tpu.memref_slice %arg4[%multiple_of3A, %dma_wait3A_453] : memref<409600x128xf32, #tpu.memory_space<hbm>> -> memref<80x128xf32, #tpu.memory_space<hbm>>
        %dma_wait3A_455 = arith.constant 0 : i32
        %dma_wait3A_456 = arith.constant 0 : i32
        %dma_wait3A_457 = tpu.memref_slice %arg6[%dma_wait3A_446, %dma_wait3A_455, %dma_wait3A_456] : memref<8x80x128xf32, #tpu.memory_space<vmem>> -> memref<1x80x128xf32, #tpu.memory_space<vmem>>
        %dma_wait3A_458 = tpu.memref_squeeze %dma_wait3A_457 : memref<1x80x128xf32, #tpu.memory_space<vmem>> -> memref<80x128xf32, #tpu.memory_space<vmem>>
        tpu.wait_dma2 semaphore(%arg9 : memref<!tpu.dma_semaphore, #tpu.memory_space<semaphore_mem>>) src(%dma_wait3A_458 : memref<80x128xf32, #tpu.memory_space<vmem>>) dst(%dma_wait3A_454 : memref<80x128xf32, #tpu.memory_space<hbm>>)
        %dma_wait3A_459 = arith.constant 6 : i32
        %dma_wait3A_460 = arith.constant 0 : i32
        %dma_wait3A_461 = arith.constant 0 : i32
        %dma_wait3A_462 = tpu.memref_slice %arg6[%dma_wait3A_459, %dma_wait3A_460, %dma_wait3A_461] : memref<8x80x128xf32, #tpu.memory_space<vmem>> -> memref<1x80x128xf32, #tpu.memory_space<vmem>>
        %dma_wait3A_463 = tpu.memref_squeeze %dma_wait3A_462 : memref<1x80x128xf32, #tpu.memory_space<vmem>> -> memref<80x128xf32, #tpu.memory_space<vmem>>
        %dma_wait3A_464 = arith.constant 0 : i32
        %dma_wait3A_465 = tpu.memref_slice %arg4[%multiple_of3A, %dma_wait3A_464] : memref<409600x128xf32, #tpu.memory_space<hbm>> -> memref<80x128xf32, #tpu.memory_space<hbm>>
        %dma_wait3A_466 = arith.constant 0 : i32
        %dma_wait3A_467 = tpu.memref_slice %arg4[%multiple_of3A, %dma_wait3A_466] : memref<409600x128xf32, #tpu.memory_space<hbm>> -> memref<80x128xf32, #tpu.memory_space<hbm>>
        %dma_wait3A_468 = arith.constant 0 : i32
        %dma_wait3A_469 = arith.constant 0 : i32
        %dma_wait3A_470 = tpu.memref_slice %arg6[%dma_wait3A_459, %dma_wait3A_468, %dma_wait3A_469] : memref<8x80x128xf32, #tpu.memory_space<vmem>> -> memref<1x80x128xf32, #tpu.memory_space<vmem>>
        %dma_wait3A_471 = tpu.memref_squeeze %dma_wait3A_470 : memref<1x80x128xf32, #tpu.memory_space<vmem>> -> memref<80x128xf32, #tpu.memory_space<vmem>>
        tpu.wait_dma2 semaphore(%arg9 : memref<!tpu.dma_semaphore, #tpu.memory_space<semaphore_mem>>) src(%dma_wait3A_471 : memref<80x128xf32, #tpu.memory_space<vmem>>) dst(%dma_wait3A_467 : memref<80x128xf32, #tpu.memory_space<hbm>>)
        %dma_wait3A_472 = arith.constant 7 : i32
        %dma_wait3A_473 = arith.constant 0 : i32
        %dma_wait3A_474 = arith.constant 0 : i32
        %dma_wait3A_475 = tpu.memref_slice %arg6[%dma_wait3A_472, %dma_wait3A_473, %dma_wait3A_474] : memref<8x80x128xf32, #tpu.memory_space<vmem>> -> memref<1x80x128xf32, #tpu.memory_space<vmem>>
        %dma_wait3A_476 = tpu.memref_squeeze %dma_wait3A_475 : memref<1x80x128xf32, #tpu.memory_space<vmem>> -> memref<80x128xf32, #tpu.memory_space<vmem>>
        %dma_wait3A_477 = arith.constant 0 : i32
        %dma_wait3A_478 = tpu.memref_slice %arg4[%multiple_of3A, %dma_wait3A_477] : memref<409600x128xf32, #tpu.memory_space<hbm>> -> memref<80x128xf32, #tpu.memory_space<hbm>>
        %dma_wait3A_479 = arith.constant 0 : i32
        %dma_wait3A_480 = tpu.memref_slice %arg4[%multiple_of3A, %dma_wait3A_479] : memref<409600x128xf32, #tpu.memory_space<hbm>> -> memref<80x128xf32, #tpu.memory_space<hbm>>
        %dma_wait3A_481 = arith.constant 0 : i32
        %dma_wait3A_482 = arith.constant 0 : i32
        %dma_wait3A_483 = tpu.memref_slice %arg6[%dma_wait3A_472, %dma_wait3A_481, %dma_wait3A_482] : memref<8x80x128xf32, #tpu.memory_space<vmem>> -> memref<1x80x128xf32, #tpu.memory_space<vmem>>
        %dma_wait3A_484 = tpu.memref_squeeze %dma_wait3A_483 : memref<1x80x128xf32, #tpu.memory_space<vmem>> -> memref<80x128xf32, #tpu.memory_space<vmem>>
        tpu.wait_dma2 semaphore(%arg9 : memref<!tpu.dma_semaphore, #tpu.memory_space<semaphore_mem>>) src(%dma_wait3A_484 : memref<80x128xf32, #tpu.memory_space<vmem>>) dst(%dma_wait3A_480 : memref<80x128xf32, #tpu.memory_space<hbm>>)
      } else {
      }
      %add3A_277 = arith.constant 4 : i32
      %add3A_278 = arith.addi %add3A_114, %add3A_277 : i32
      %add3A_279 = arith.constant 0 : i32
      %add3A_280 = arith.addi %add3A_278, %add3A_279 : i32
      %mul3A_281 = arith.constant 80 : i32
      %mul3A_282 = arith.muli %add3A_280, %mul3A_281 : i32
      %multiple_of3A_283 = tpu.assume_multiple %mul3A_282, 80 : i32
      %dma_start3A_284 = arith.constant 4 : i32
      %dma_start3A_285 = arith.constant 0 : i32
      %dma_start3A_286 = arith.constant 0 : i32
      %dma_start3A_287 = tpu.memref_slice %arg6[%dma_start3A_284, %dma_start3A_285, %dma_start3A_286] : memref<8x80x128xf32, #tpu.memory_space<vmem>> -> memref<1x80x128xf32, #tpu.memory_space<vmem>>
      %dma_start3A_288 = tpu.memref_squeeze %dma_start3A_287 : memref<1x80x128xf32, #tpu.memory_space<vmem>> -> memref<80x128xf32, #tpu.memory_space<vmem>>
      %dma_start3A_289 = tpu.memref_slice %arg5[%multiple_of3A_283] : memref<12800xi32, #tpu.memory_space<vmem>> -> memref<80xi32, #tpu.memory_space<vmem>>
      %dma_start3A_290 = arith.constant 0 : i32
      %dma_start3A_291 = arith.constant 0 : i32
      %dma_start3A_292 = tpu.memref_slice %arg2[%dma_start3A_290, %dma_start3A_291] : memref<100000x128xf32, #tpu.memory_space<hbm>> -> memref<100000x128xf32, #tpu.memory_space<hbm>>
      tpu.enqueue_indirect_dma source(%dma_start3A_292 : memref<100000x128xf32, #tpu.memory_space<hbm>>) target(%dma_start3A_288 : memref<80x128xf32, #tpu.memory_space<vmem>>) offsets(%dma_start3A_289 : memref<80xi32, #tpu.memory_space<vmem>>) semaphore(%arg7 : memref<!tpu.dma_semaphore, #tpu.memory_space<semaphore_mem>>)
      %add3A_293 = arith.constant 4 : i32
      %add3A_294 = arith.addi %add3A_114, %add3A_293 : i32
      %add3A_295 = arith.constant 1 : i32
      %add3A_296 = arith.addi %add3A_294, %add3A_295 : i32
      %mul3A_297 = arith.constant 80 : i32
      %mul3A_298 = arith.muli %add3A_296, %mul3A_297 : i32
      %multiple_of3A_299 = tpu.assume_multiple %mul3A_298, 80 : i32
      %dma_start3A_300 = arith.constant 5 : i32
      %dma_start3A_301 = arith.constant 0 : i32
      %dma_start3A_302 = arith.constant 0 : i32
      %dma_start3A_303 = tpu.memref_slice %arg6[%dma_start3A_300, %dma_start3A_301, %dma_start3A_302] : memref<8x80x128xf32, #tpu.memory_space<vmem>> -> memref<1x80x128xf32, #tpu.memory_space<vmem>>
      %dma_start3A_304 = tpu.memref_squeeze %dma_start3A_303 : memref<1x80x128xf32, #tpu.memory_space<vmem>> -> memref<80x128xf32, #tpu.memory_space<vmem>>
      %dma_start3A_305 = tpu.memref_slice %arg5[%multiple_of3A_299] : memref<12800xi32, #tpu.memory_space<vmem>> -> memref<80xi32, #tpu.memory_space<vmem>>
      %dma_start3A_306 = arith.constant 0 : i32
      %dma_start3A_307 = arith.constant 0 : i32
      %dma_start3A_308 = tpu.memref_slice %arg2[%dma_start3A_306, %dma_start3A_307] : memref<100000x128xf32, #tpu.memory_space<hbm>> -> memref<100000x128xf32, #tpu.memory_space<hbm>>
      tpu.enqueue_indirect_dma source(%dma_start3A_308 : memref<100000x128xf32, #tpu.memory_space<hbm>>) target(%dma_start3A_304 : memref<80x128xf32, #tpu.memory_space<vmem>>) offsets(%dma_start3A_305 : memref<80xi32, #tpu.memory_space<vmem>>) semaphore(%arg7 : memref<!tpu.dma_semaphore, #tpu.memory_space<semaphore_mem>>)
      %add3A_309 = arith.constant 4 : i32
      %add3A_310 = arith.addi %add3A_114, %add3A_309 : i32
      %add3A_311 = arith.constant 2 : i32
      %add3A_312 = arith.addi %add3A_310, %add3A_311 : i32
      %mul3A_313 = arith.constant 80 : i32
      %mul3A_314 = arith.muli %add3A_312, %mul3A_313 : i32
      %multiple_of3A_315 = tpu.assume_multiple %mul3A_314, 80 : i32
      %dma_start3A_316 = arith.constant 6 : i32
      %dma_start3A_317 = arith.constant 0 : i32
      %dma_start3A_318 = arith.constant 0 : i32
      %dma_start3A_319 = tpu.memref_slice %arg6[%dma_start3A_316, %dma_start3A_317, %dma_start3A_318] : memref<8x80x128xf32, #tpu.memory_space<vmem>> -> memref<1x80x128xf32, #tpu.memory_space<vmem>>
      %dma_start3A_320 = tpu.memref_squeeze %dma_start3A_319 : memref<1x80x128xf32, #tpu.memory_space<vmem>> -> memref<80x128xf32, #tpu.memory_space<vmem>>
      %dma_start3A_321 = tpu.memref_slice %arg5[%multiple_of3A_315] : memref<12800xi32, #tpu.memory_space<vmem>> -> memref<80xi32, #tpu.memory_space<vmem>>
      %dma_start3A_322 = arith.constant 0 : i32
      %dma_start3A_323 = arith.constant 0 : i32
      %dma_start3A_324 = tpu.memref_slice %arg2[%dma_start3A_322, %dma_start3A_323] : memref<100000x128xf32, #tpu.memory_space<hbm>> -> memref<100000x128xf32, #tpu.memory_space<hbm>>
      tpu.enqueue_indirect_dma source(%dma_start3A_324 : memref<100000x128xf32, #tpu.memory_space<hbm>>) target(%dma_start3A_320 : memref<80x128xf32, #tpu.memory_space<vmem>>) offsets(%dma_start3A_321 : memref<80xi32, #tpu.memory_space<vmem>>) semaphore(%arg7 : memref<!tpu.dma_semaphore, #tpu.memory_space<semaphore_mem>>)
      %add3A_325 = arith.constant 4 : i32
      %add3A_326 = arith.addi %add3A_114, %add3A_325 : i32
      %add3A_327 = arith.constant 3 : i32
      %add3A_328 = arith.addi %add3A_326, %add3A_327 : i32
      %mul3A_329 = arith.constant 80 : i32
      %mul3A_330 = arith.muli %add3A_328, %mul3A_329 : i32
      %multiple_of3A_331 = tpu.assume_multiple %mul3A_330, 80 : i32
      %dma_start3A_332 = arith.constant 7 : i32
      %dma_start3A_333 = arith.constant 0 : i32
      %dma_start3A_334 = arith.constant 0 : i32
      %dma_start3A_335 = tpu.memref_slice %arg6[%dma_start3A_332, %dma_start3A_333, %dma_start3A_334] : memref<8x80x128xf32, #tpu.memory_space<vmem>> -> memref<1x80x128xf32, #tpu.memory_space<vmem>>
      %dma_start3A_336 = tpu.memref_squeeze %dma_start3A_335 : memref<1x80x128xf32, #tpu.memory_space<vmem>> -> memref<80x128xf32, #tpu.memory_space<vmem>>
      %dma_start3A_337 = tpu.memref_slice %arg5[%multiple_of3A_331] : memref<12800xi32, #tpu.memory_space<vmem>> -> memref<80xi32, #tpu.memory_space<vmem>>
      %dma_start3A_338 = arith.constant 0 : i32
      %dma_start3A_339 = arith.constant 0 : i32
      %dma_start3A_340 = tpu.memref_slice %arg2[%dma_start3A_338, %dma_start3A_339] : memref<100000x128xf32, #tpu.memory_space<hbm>> -> memref<100000x128xf32, #tpu.memory_space<hbm>>
      tpu.enqueue_indirect_dma source(%dma_start3A_340 : memref<100000x128xf32, #tpu.memory_space<hbm>>) target(%dma_start3A_336 : memref<80x128xf32, #tpu.memory_space<vmem>>) offsets(%dma_start3A_337 : memref<80xi32, #tpu.memory_space<vmem>>) semaphore(%arg7 : memref<!tpu.dma_semaphore, #tpu.memory_space<semaphore_mem>>)
      %dma_wait3A_341 = arith.constant 4 : i32
      %dma_wait3A_342 = arith.constant 0 : i32
      %dma_wait3A_343 = arith.constant 0 : i32
      %dma_wait3A_344 = tpu.memref_slice %arg6[%dma_wait3A_341, %dma_wait3A_342, %dma_wait3A_343] : memref<8x80x128xf32, #tpu.memory_space<vmem>> -> memref<1x80x128xf32, #tpu.memory_space<vmem>>
      %dma_wait3A_345 = tpu.memref_squeeze %dma_wait3A_344 : memref<1x80x128xf32, #tpu.memory_space<vmem>> -> memref<80x128xf32, #tpu.memory_space<vmem>>
      %dma_wait3A_346 = tpu.memref_slice %arg5[%multiple_of3A_283] : memref<12800xi32, #tpu.memory_space<vmem>> -> memref<80xi32, #tpu.memory_space<vmem>>
      %dma_wait3A_347 = arith.constant 0 : i32
      %dma_wait3A_348 = arith.constant 0 : i32
      %dma_wait3A_349 = tpu.memref_slice %arg2[%dma_wait3A_347, %dma_wait3A_348] : memref<100000x128xf32, #tpu.memory_space<hbm>> -> memref<100000x128xf32, #tpu.memory_space<hbm>>
      tpu.wait_indirect_dma semaphore(%arg7 : memref<!tpu.dma_semaphore, #tpu.memory_space<semaphore_mem>>) src(%dma_wait3A_349 : memref<100000x128xf32, #tpu.memory_space<hbm>>) dst(%dma_wait3A_345 : memref<80x128xf32, #tpu.memory_space<vmem>>)
      %add3A_350 = arith.addi %multiple_of3A, %multiple_of3A_283 : i32
      %dma_start3A_351 = arith.constant 4 : i32
      %dma_start3A_352 = arith.constant 0 : i32
      %dma_start3A_353 = arith.constant 0 : i32
      %dma_start3A_354 = tpu.memref_slice %arg6[%dma_start3A_351, %dma_start3A_352, %dma_start3A_353] : memref<8x80x128xf32, #tpu.memory_space<vmem>> -> memref<1x80x128xf32, #tpu.memory_space<vmem>>
      %dma_start3A_355 = tpu.memref_squeeze %dma_start3A_354 : memref<1x80x128xf32, #tpu.memory_space<vmem>> -> memref<80x128xf32, #tpu.memory_space<vmem>>
      %dma_start3A_356 = arith.constant 0 : i32
      %dma_start3A_357 = tpu.memref_slice %arg4[%add3A_350, %dma_start3A_356] : memref<409600x128xf32, #tpu.memory_space<hbm>> -> memref<80x128xf32, #tpu.memory_space<hbm>>
      %dma_start3A_358 = arith.constant 0 : i32
      %dma_start3A_359 = tpu.memref_slice %arg4[%add3A_350, %dma_start3A_358] : memref<409600x128xf32, #tpu.memory_space<hbm>> -> memref<80x128xf32, #tpu.memory_space<hbm>>
      %dma_start3A_360 = arith.constant 0 : i32
      %dma_start3A_361 = arith.constant 0 : i32
      %dma_start3A_362 = tpu.memref_slice %arg6[%dma_start3A_351, %dma_start3A_360, %dma_start3A_361] : memref<8x80x128xf32, #tpu.memory_space<vmem>> -> memref<1x80x128xf32, #tpu.memory_space<vmem>>
      %dma_start3A_363 = tpu.memref_squeeze %dma_start3A_362 : memref<1x80x128xf32, #tpu.memory_space<vmem>> -> memref<80x128xf32, #tpu.memory_space<vmem>>
      tpu.enqueue_dma source(%dma_start3A_363 : memref<80x128xf32, #tpu.memory_space<vmem>>) target(%dma_start3A_359 : memref<80x128xf32, #tpu.memory_space<hbm>>) target_semaphore(%arg9 : memref<!tpu.dma_semaphore, #tpu.memory_space<semaphore_mem>>)
      %dma_wait3A_364 = arith.constant 5 : i32
      %dma_wait3A_365 = arith.constant 0 : i32
      %dma_wait3A_366 = arith.constant 0 : i32
      %dma_wait3A_367 = tpu.memref_slice %arg6[%dma_wait3A_364, %dma_wait3A_365, %dma_wait3A_366] : memref<8x80x128xf32, #tpu.memory_space<vmem>> -> memref<1x80x128xf32, #tpu.memory_space<vmem>>
      %dma_wait3A_368 = tpu.memref_squeeze %dma_wait3A_367 : memref<1x80x128xf32, #tpu.memory_space<vmem>> -> memref<80x128xf32, #tpu.memory_space<vmem>>
      %dma_wait3A_369 = tpu.memref_slice %arg5[%multiple_of3A_299] : memref<12800xi32, #tpu.memory_space<vmem>> -> memref<80xi32, #tpu.memory_space<vmem>>
      %dma_wait3A_370 = arith.constant 0 : i32
      %dma_wait3A_371 = arith.constant 0 : i32
      %dma_wait3A_372 = tpu.memref_slice %arg2[%dma_wait3A_370, %dma_wait3A_371] : memref<100000x128xf32, #tpu.memory_space<hbm>> -> memref<100000x128xf32, #tpu.memory_space<hbm>>
      tpu.wait_indirect_dma semaphore(%arg7 : memref<!tpu.dma_semaphore, #tpu.memory_space<semaphore_mem>>) src(%dma_wait3A_372 : memref<100000x128xf32, #tpu.memory_space<hbm>>) dst(%dma_wait3A_368 : memref<80x128xf32, #tpu.memory_space<vmem>>)
      %add3A_373 = arith.addi %multiple_of3A, %multiple_of3A_299 : i32
      %dma_start3A_374 = arith.constant 5 : i32
      %dma_start3A_375 = arith.constant 0 : i32
      %dma_start3A_376 = arith.constant 0 : i32
      %dma_start3A_377 = tpu.memref_slice %arg6[%dma_start3A_374, %dma_start3A_375, %dma_start3A_376] : memref<8x80x128xf32, #tpu.memory_space<vmem>> -> memref<1x80x128xf32, #tpu.memory_space<vmem>>
      %dma_start3A_378 = tpu.memref_squeeze %dma_start3A_377 : memref<1x80x128xf32, #tpu.memory_space<vmem>> -> memref<80x128xf32, #tpu.memory_space<vmem>>
      %dma_start3A_379 = arith.constant 0 : i32
      %dma_start3A_380 = tpu.memref_slice %arg4[%add3A_373, %dma_start3A_379] : memref<409600x128xf32, #tpu.memory_space<hbm>> -> memref<80x128xf32, #tpu.memory_space<hbm>>
      %dma_start3A_381 = arith.constant 0 : i32
      %dma_start3A_382 = tpu.memref_slice %arg4[%add3A_373, %dma_start3A_381] : memref<409600x128xf32, #tpu.memory_space<hbm>> -> memref<80x128xf32, #tpu.memory_space<hbm>>
      %dma_start3A_383 = arith.constant 0 : i32
      %dma_start3A_384 = arith.constant 0 : i32
      %dma_start3A_385 = tpu.memref_slice %arg6[%dma_start3A_374, %dma_start3A_383, %dma_start3A_384] : memref<8x80x128xf32, #tpu.memory_space<vmem>> -> memref<1x80x128xf32, #tpu.memory_space<vmem>>
      %dma_start3A_386 = tpu.memref_squeeze %dma_start3A_385 : memref<1x80x128xf32, #tpu.memory_space<vmem>> -> memref<80x128xf32, #tpu.memory_space<vmem>>
      tpu.enqueue_dma source(%dma_start3A_386 : memref<80x128xf32, #tpu.memory_space<vmem>>) target(%dma_start3A_382 : memref<80x128xf32, #tpu.memory_space<hbm>>) target_semaphore(%arg9 : memref<!tpu.dma_semaphore, #tpu.memory_space<semaphore_mem>>)
      %dma_wait3A_387 = arith.constant 6 : i32
      %dma_wait3A_388 = arith.constant 0 : i32
      %dma_wait3A_389 = arith.constant 0 : i32
      %dma_wait3A_390 = tpu.memref_slice %arg6[%dma_wait3A_387, %dma_wait3A_388, %dma_wait3A_389] : memref<8x80x128xf32, #tpu.memory_space<vmem>> -> memref<1x80x128xf32, #tpu.memory_space<vmem>>
      %dma_wait3A_391 = tpu.memref_squeeze %dma_wait3A_390 : memref<1x80x128xf32, #tpu.memory_space<vmem>> -> memref<80x128xf32, #tpu.memory_space<vmem>>
      %dma_wait3A_392 = tpu.memref_slice %arg5[%multiple_of3A_315] : memref<12800xi32, #tpu.memory_space<vmem>> -> memref<80xi32, #tpu.memory_space<vmem>>
      %dma_wait3A_393 = arith.constant 0 : i32
      %dma_wait3A_394 = arith.constant 0 : i32
      %dma_wait3A_395 = tpu.memref_slice %arg2[%dma_wait3A_393, %dma_wait3A_394] : memref<100000x128xf32, #tpu.memory_space<hbm>> -> memref<100000x128xf32, #tpu.memory_space<hbm>>
      tpu.wait_indirect_dma semaphore(%arg7 : memref<!tpu.dma_semaphore, #tpu.memory_space<semaphore_mem>>) src(%dma_wait3A_395 : memref<100000x128xf32, #tpu.memory_space<hbm>>) dst(%dma_wait3A_391 : memref<80x128xf32, #tpu.memory_space<vmem>>)
      %add3A_396 = arith.addi %multiple_of3A, %multiple_of3A_315 : i32
      %dma_start3A_397 = arith.constant 6 : i32
      %dma_start3A_398 = arith.constant 0 : i32
      %dma_start3A_399 = arith.constant 0 : i32
      %dma_start3A_400 = tpu.memref_slice %arg6[%dma_start3A_397, %dma_start3A_398, %dma_start3A_399] : memref<8x80x128xf32, #tpu.memory_space<vmem>> -> memref<1x80x128xf32, #tpu.memory_space<vmem>>
      %dma_start3A_401 = tpu.memref_squeeze %dma_start3A_400 : memref<1x80x128xf32, #tpu.memory_space<vmem>> -> memref<80x128xf32, #tpu.memory_space<vmem>>
      %dma_start3A_402 = arith.constant 0 : i32
      %dma_start3A_403 = tpu.memref_slice %arg4[%add3A_396, %dma_start3A_402] : memref<409600x128xf32, #tpu.memory_space<hbm>> -> memref<80x128xf32, #tpu.memory_space<hbm>>
      %dma_start3A_404 = arith.constant 0 : i32
      %dma_start3A_405 = tpu.memref_slice %arg4[%add3A_396, %dma_start3A_404] : memref<409600x128xf32, #tpu.memory_space<hbm>> -> memref<80x128xf32, #tpu.memory_space<hbm>>
      %dma_start3A_406 = arith.constant 0 : i32
      %dma_start3A_407 = arith.constant 0 : i32
      %dma_start3A_408 = tpu.memref_slice %arg6[%dma_start3A_397, %dma_start3A_406, %dma_start3A_407] : memref<8x80x128xf32, #tpu.memory_space<vmem>> -> memref<1x80x128xf32, #tpu.memory_space<vmem>>
      %dma_start3A_409 = tpu.memref_squeeze %dma_start3A_408 : memref<1x80x128xf32, #tpu.memory_space<vmem>> -> memref<80x128xf32, #tpu.memory_space<vmem>>
      tpu.enqueue_dma source(%dma_start3A_409 : memref<80x128xf32, #tpu.memory_space<vmem>>) target(%dma_start3A_405 : memref<80x128xf32, #tpu.memory_space<hbm>>) target_semaphore(%arg9 : memref<!tpu.dma_semaphore, #tpu.memory_space<semaphore_mem>>)
      %dma_wait3A_410 = arith.constant 7 : i32
      %dma_wait3A_411 = arith.constant 0 : i32
      %dma_wait3A_412 = arith.constant 0 : i32
      %dma_wait3A_413 = tpu.memref_slice %arg6[%dma_wait3A_410, %dma_wait3A_411, %dma_wait3A_412] : memref<8x80x128xf32, #tpu.memory_space<vmem>> -> memref<1x80x128xf32, #tpu.memory_space<vmem>>
      %dma_wait3A_414 = tpu.memref_squeeze %dma_wait3A_413 : memref<1x80x128xf32, #tpu.memory_space<vmem>> -> memref<80x128xf32, #tpu.memory_space<vmem>>
      %dma_wait3A_415 = tpu.memref_slice %arg5[%multiple_of3A_331] : memref<12800xi32, #tpu.memory_space<vmem>> -> memref<80xi32, #tpu.memory_space<vmem>>
      %dma_wait3A_416 = arith.constant 0 : i32
      %dma_wait3A_417 = arith.constant 0 : i32
      %dma_wait3A_418 = tpu.memref_slice %arg2[%dma_wait3A_416, %dma_wait3A_417] : memref<100000x128xf32, #tpu.memory_space<hbm>> -> memref<100000x128xf32, #tpu.memory_space<hbm>>
      tpu.wait_indirect_dma semaphore(%arg7 : memref<!tpu.dma_semaphore, #tpu.memory_space<semaphore_mem>>) src(%dma_wait3A_418 : memref<100000x128xf32, #tpu.memory_space<hbm>>) dst(%dma_wait3A_414 : memref<80x128xf32, #tpu.memory_space<vmem>>)
      %add3A_419 = arith.addi %multiple_of3A, %multiple_of3A_331 : i32
      %dma_start3A_420 = arith.constant 7 : i32
      %dma_start3A_421 = arith.constant 0 : i32
      %dma_start3A_422 = arith.constant 0 : i32
      %dma_start3A_423 = tpu.memref_slice %arg6[%dma_start3A_420, %dma_start3A_421, %dma_start3A_422] : memref<8x80x128xf32, #tpu.memory_space<vmem>> -> memref<1x80x128xf32, #tpu.memory_space<vmem>>
      %dma_start3A_424 = tpu.memref_squeeze %dma_start3A_423 : memref<1x80x128xf32, #tpu.memory_space<vmem>> -> memref<80x128xf32, #tpu.memory_space<vmem>>
      %dma_start3A_425 = arith.constant 0 : i32
      %dma_start3A_426 = tpu.memref_slice %arg4[%add3A_419, %dma_start3A_425] : memref<409600x128xf32, #tpu.memory_space<hbm>> -> memref<80x128xf32, #tpu.memory_space<hbm>>
      %dma_start3A_427 = arith.constant 0 : i32
      %dma_start3A_428 = tpu.memref_slice %arg4[%add3A_419, %dma_start3A_427] : memref<409600x128xf32, #tpu.memory_space<hbm>> -> memref<80x128xf32, #tpu.memory_space<hbm>>
      %dma_start3A_429 = arith.constant 0 : i32
      %dma_start3A_430 = arith.constant 0 : i32
      %dma_start3A_431 = tpu.memref_slice %arg6[%dma_start3A_420, %dma_start3A_429, %dma_start3A_430] : memref<8x80x128xf32, #tpu.memory_space<vmem>> -> memref<1x80x128xf32, #tpu.memory_space<vmem>>
      %dma_start3A_432 = tpu.memref_squeeze %dma_start3A_431 : memref<1x80x128xf32, #tpu.memory_space<vmem>> -> memref<80x128xf32, #tpu.memory_space<vmem>>
      tpu.enqueue_dma source(%dma_start3A_432 : memref<80x128xf32, #tpu.memory_space<vmem>>) target(%dma_start3A_428 : memref<80x128xf32, #tpu.memory_space<hbm>>) target_semaphore(%arg9 : memref<!tpu.dma_semaphore, #tpu.memory_space<semaphore_mem>>)
    }
    %scan3A_6 = arith.constant 20 : i32
    %dma_wait3A = arith.constant 0 : i32
    %dma_wait3A_7 = arith.constant 0 : i32
    %dma_wait3A_8 = arith.constant 0 : i32
    %dma_wait3A_9 = tpu.memref_slice %arg6[%dma_wait3A, %dma_wait3A_7, %dma_wait3A_8] : memref<8x80x128xf32, #tpu.memory_space<vmem>> -> memref<1x80x128xf32, #tpu.memory_space<vmem>>
    %dma_wait3A_10 = tpu.memref_squeeze %dma_wait3A_9 : memref<1x80x128xf32, #tpu.memory_space<vmem>> -> memref<80x128xf32, #tpu.memory_space<vmem>>
    %dma_wait3A_11 = arith.constant 0 : i32
    %dma_wait3A_12 = tpu.memref_slice %arg4[%multiple_of3A, %dma_wait3A_11] : memref<409600x128xf32, #tpu.memory_space<hbm>> -> memref<80x128xf32, #tpu.memory_space<hbm>>
    %dma_wait3A_13 = arith.constant 0 : i32
    %dma_wait3A_14 = tpu.memref_slice %arg4[%multiple_of3A, %dma_wait3A_13] : memref<409600x128xf32, #tpu.memory_space<hbm>> -> memref<80x128xf32, #tpu.memory_space<hbm>>
    %dma_wait3A_15 = arith.constant 0 : i32
    %dma_wait3A_16 = arith.constant 0 : i32
    %dma_wait3A_17 = tpu.memref_slice %arg6[%dma_wait3A, %dma_wait3A_15, %dma_wait3A_16] : memref<8x80x128xf32, #tpu.memory_space<vmem>> -> memref<1x80x128xf32, #tpu.memory_space<vmem>>
    %dma_wait3A_18 = tpu.memref_squeeze %dma_wait3A_17 : memref<1x80x128xf32, #tpu.memory_space<vmem>> -> memref<80x128xf32, #tpu.memory_space<vmem>>
    tpu.wait_dma2 semaphore(%arg8 : memref<!tpu.dma_semaphore, #tpu.memory_space<semaphore_mem>>) src(%dma_wait3A_18 : memref<80x128xf32, #tpu.memory_space<vmem>>) dst(%dma_wait3A_14 : memref<80x128xf32, #tpu.memory_space<hbm>>)
    %dma_wait3A_19 = arith.constant 1 : i32
    %dma_wait3A_20 = arith.constant 0 : i32
    %dma_wait3A_21 = arith.constant 0 : i32
    %dma_wait3A_22 = tpu.memref_slice %arg6[%dma_wait3A_19, %dma_wait3A_20, %dma_wait3A_21] : memref<8x80x128xf32, #tpu.memory_space<vmem>> -> memref<1x80x128xf32, #tpu.memory_space<vmem>>
    %dma_wait3A_23 = tpu.memref_squeeze %dma_wait3A_22 : memref<1x80x128xf32, #tpu.memory_space<vmem>> -> memref<80x128xf32, #tpu.memory_space<vmem>>
    %dma_wait3A_24 = arith.constant 0 : i32
    %dma_wait3A_25 = tpu.memref_slice %arg4[%multiple_of3A, %dma_wait3A_24] : memref<409600x128xf32, #tpu.memory_space<hbm>> -> memref<80x128xf32, #tpu.memory_space<hbm>>
    %dma_wait3A_26 = arith.constant 0 : i32
    %dma_wait3A_27 = tpu.memref_slice %arg4[%multiple_of3A, %dma_wait3A_26] : memref<409600x128xf32, #tpu.memory_space<hbm>> -> memref<80x128xf32, #tpu.memory_space<hbm>>
    %dma_wait3A_28 = arith.constant 0 : i32
    %dma_wait3A_29 = arith.constant 0 : i32
    %dma_wait3A_30 = tpu.memref_slice %arg6[%dma_wait3A_19, %dma_wait3A_28, %dma_wait3A_29] : memref<8x80x128xf32, #tpu.memory_space<vmem>> -> memref<1x80x128xf32, #tpu.memory_space<vmem>>
    %dma_wait3A_31 = tpu.memref_squeeze %dma_wait3A_30 : memref<1x80x128xf32, #tpu.memory_space<vmem>> -> memref<80x128xf32, #tpu.memory_space<vmem>>
    tpu.wait_dma2 semaphore(%arg8 : memref<!tpu.dma_semaphore, #tpu.memory_space<semaphore_mem>>) src(%dma_wait3A_31 : memref<80x128xf32, #tpu.memory_space<vmem>>) dst(%dma_wait3A_27 : memref<80x128xf32, #tpu.memory_space<hbm>>)
    %dma_wait3A_32 = arith.constant 2 : i32
    %dma_wait3A_33 = arith.constant 0 : i32
    %dma_wait3A_34 = arith.constant 0 : i32
    %dma_wait3A_35 = tpu.memref_slice %arg6[%dma_wait3A_32, %dma_wait3A_33, %dma_wait3A_34] : memref<8x80x128xf32, #tpu.memory_space<vmem>> -> memref<1x80x128xf32, #tpu.memory_space<vmem>>
    %dma_wait3A_36 = tpu.memref_squeeze %dma_wait3A_35 : memref<1x80x128xf32, #tpu.memory_space<vmem>> -> memref<80x128xf32, #tpu.memory_space<vmem>>
    %dma_wait3A_37 = arith.constant 0 : i32
    %dma_wait3A_38 = tpu.memref_slice %arg4[%multiple_of3A, %dma_wait3A_37] : memref<409600x128xf32, #tpu.memory_space<hbm>> -> memref<80x128xf32, #tpu.memory_space<hbm>>
    %dma_wait3A_39 = arith.constant 0 : i32
    %dma_wait3A_40 = tpu.memref_slice %arg4[%multiple_of3A, %dma_wait3A_39] : memref<409600x128xf32, #tpu.memory_space<hbm>> -> memref<80x128xf32, #tpu.memory_space<hbm>>
    %dma_wait3A_41 = arith.constant 0 : i32
    %dma_wait3A_42 = arith.constant 0 : i32
    %dma_wait3A_43 = tpu.memref_slice %arg6[%dma_wait3A_32, %dma_wait3A_41, %dma_wait3A_42] : memref<8x80x128xf32, #tpu.memory_space<vmem>> -> memref<1x80x128xf32, #tpu.memory_space<vmem>>
    %dma_wait3A_44 = tpu.memref_squeeze %dma_wait3A_43 : memref<1x80x128xf32, #tpu.memory_space<vmem>> -> memref<80x128xf32, #tpu.memory_space<vmem>>
    tpu.wait_dma2 semaphore(%arg8 : memref<!tpu.dma_semaphore, #tpu.memory_space<semaphore_mem>>) src(%dma_wait3A_44 : memref<80x128xf32, #tpu.memory_space<vmem>>) dst(%dma_wait3A_40 : memref<80x128xf32, #tpu.memory_space<hbm>>)
    %dma_wait3A_45 = arith.constant 3 : i32
    %dma_wait3A_46 = arith.constant 0 : i32
    %dma_wait3A_47 = arith.constant 0 : i32
    %dma_wait3A_48 = tpu.memref_slice %arg6[%dma_wait3A_45, %dma_wait3A_46, %dma_wait3A_47] : memref<8x80x128xf32, #tpu.memory_space<vmem>> -> memref<1x80x128xf32, #tpu.memory_space<vmem>>
    %dma_wait3A_49 = tpu.memref_squeeze %dma_wait3A_48 : memref<1x80x128xf32, #tpu.memory_space<vmem>> -> memref<80x128xf32, #tpu.memory_space<vmem>>
    %dma_wait3A_50 = arith.constant 0 : i32
    %dma_wait3A_51 = tpu.memref_slice %arg4[%multiple_of3A, %dma_wait3A_50] : memref<409600x128xf32, #tpu.memory_space<hbm>> -> memref<80x128xf32, #tpu.memory_space<hbm>>
    %dma_wait3A_52 = arith.constant 0 : i32
    %dma_wait3A_53 = tpu.memref_slice %arg4[%multiple_of3A, %dma_wait3A_52] : memref<409600x128xf32, #tpu.memory_space<hbm>> -> memref<80x128xf32, #tpu.memory_space<hbm>>
    %dma_wait3A_54 = arith.constant 0 : i32
    %dma_wait3A_55 = arith.constant 0 : i32
    %dma_wait3A_56 = tpu.memref_slice %arg6[%dma_wait3A_45, %dma_wait3A_54, %dma_wait3A_55] : memref<8x80x128xf32, #tpu.memory_space<vmem>> -> memref<1x80x128xf32, #tpu.memory_space<vmem>>
    %dma_wait3A_57 = tpu.memref_squeeze %dma_wait3A_56 : memref<1x80x128xf32, #tpu.memory_space<vmem>> -> memref<80x128xf32, #tpu.memory_space<vmem>>
    tpu.wait_dma2 semaphore(%arg8 : memref<!tpu.dma_semaphore, #tpu.memory_space<semaphore_mem>>) src(%dma_wait3A_57 : memref<80x128xf32, #tpu.memory_space<vmem>>) dst(%dma_wait3A_53 : memref<80x128xf32, #tpu.memory_space<hbm>>)
    %dma_wait3A_58 = arith.constant 4 : i32
    %dma_wait3A_59 = arith.constant 0 : i32
    %dma_wait3A_60 = arith.constant 0 : i32
    %dma_wait3A_61 = tpu.memref_slice %arg6[%dma_wait3A_58, %dma_wait3A_59, %dma_wait3A_60] : memref<8x80x128xf32, #tpu.memory_space<vmem>> -> memref<1x80x128xf32, #tpu.memory_space<vmem>>
    %dma_wait3A_62 = tpu.memref_squeeze %dma_wait3A_61 : memref<1x80x128xf32, #tpu.memory_space<vmem>> -> memref<80x128xf32, #tpu.memory_space<vmem>>
    %dma_wait3A_63 = arith.constant 0 : i32
    %dma_wait3A_64 = tpu.memref_slice %arg4[%multiple_of3A, %dma_wait3A_63] : memref<409600x128xf32, #tpu.memory_space<hbm>> -> memref<80x128xf32, #tpu.memory_space<hbm>>
    %dma_wait3A_65 = arith.constant 0 : i32
    %dma_wait3A_66 = tpu.memref_slice %arg4[%multiple_of3A, %dma_wait3A_65] : memref<409600x128xf32, #tpu.memory_space<hbm>> -> memref<80x128xf32, #tpu.memory_space<hbm>>
    %dma_wait3A_67 = arith.constant 0 : i32
    %dma_wait3A_68 = arith.constant 0 : i32
    %dma_wait3A_69 = tpu.memref_slice %arg6[%dma_wait3A_58, %dma_wait3A_67, %dma_wait3A_68] : memref<8x80x128xf32, #tpu.memory_space<vmem>> -> memref<1x80x128xf32, #tpu.memory_space<vmem>>
    %dma_wait3A_70 = tpu.memref_squeeze %dma_wait3A_69 : memref<1x80x128xf32, #tpu.memory_space<vmem>> -> memref<80x128xf32, #tpu.memory_space<vmem>>
    tpu.wait_dma2 semaphore(%arg9 : memref<!tpu.dma_semaphore, #tpu.memory_space<semaphore_mem>>) src(%dma_wait3A_70 : memref<80x128xf32, #tpu.memory_space<vmem>>) dst(%dma_wait3A_66 : memref<80x128xf32, #tpu.memory_space<hbm>>)
    %dma_wait3A_71 = arith.constant 5 : i32
    %dma_wait3A_72 = arith.constant 0 : i32
    %dma_wait3A_73 = arith.constant 0 : i32
    %dma_wait3A_74 = tpu.memref_slice %arg6[%dma_wait3A_71, %dma_wait3A_72, %dma_wait3A_73] : memref<8x80x128xf32, #tpu.memory_space<vmem>> -> memref<1x80x128xf32, #tpu.memory_space<vmem>>
    %dma_wait3A_75 = tpu.memref_squeeze %dma_wait3A_74 : memref<1x80x128xf32, #tpu.memory_space<vmem>> -> memref<80x128xf32, #tpu.memory_space<vmem>>
    %dma_wait3A_76 = arith.constant 0 : i32
    %dma_wait3A_77 = tpu.memref_slice %arg4[%multiple_of3A, %dma_wait3A_76] : memref<409600x128xf32, #tpu.memory_space<hbm>> -> memref<80x128xf32, #tpu.memory_space<hbm>>
    %dma_wait3A_78 = arith.constant 0 : i32
    %dma_wait3A_79 = tpu.memref_slice %arg4[%multiple_of3A, %dma_wait3A_78] : memref<409600x128xf32, #tpu.memory_space<hbm>> -> memref<80x128xf32, #tpu.memory_space<hbm>>
    %dma_wait3A_80 = arith.constant 0 : i32
    %dma_wait3A_81 = arith.constant 0 : i32
    %dma_wait3A_82 = tpu.memref_slice %arg6[%dma_wait3A_71, %dma_wait3A_80, %dma_wait3A_81] : memref<8x80x128xf32, #tpu.memory_space<vmem>> -> memref<1x80x128xf32, #tpu.memory_space<vmem>>
    %dma_wait3A_83 = tpu.memref_squeeze %dma_wait3A_82 : memref<1x80x128xf32, #tpu.memory_space<vmem>> -> memref<80x128xf32, #tpu.memory_space<vmem>>
    tpu.wait_dma2 semaphore(%arg9 : memref<!tpu.dma_semaphore, #tpu.memory_space<semaphore_mem>>) src(%dma_wait3A_83 : memref<80x128xf32, #tpu.memory_space<vmem>>) dst(%dma_wait3A_79 : memref<80x128xf32, #tpu.memory_space<hbm>>)
    %dma_wait3A_84 = arith.constant 6 : i32
    %dma_wait3A_85 = arith.constant 0 : i32
    %dma_wait3A_86 = arith.constant 0 : i32
    %dma_wait3A_87 = tpu.memref_slice %arg6[%dma_wait3A_84, %dma_wait3A_85, %dma_wait3A_86] : memref<8x80x128xf32, #tpu.memory_space<vmem>> -> memref<1x80x128xf32, #tpu.memory_space<vmem>>
    %dma_wait3A_88 = tpu.memref_squeeze %dma_wait3A_87 : memref<1x80x128xf32, #tpu.memory_space<vmem>> -> memref<80x128xf32, #tpu.memory_space<vmem>>
    %dma_wait3A_89 = arith.constant 0 : i32
    %dma_wait3A_90 = tpu.memref_slice %arg4[%multiple_of3A, %dma_wait3A_89] : memref<409600x128xf32, #tpu.memory_space<hbm>> -> memref<80x128xf32, #tpu.memory_space<hbm>>
    %dma_wait3A_91 = arith.constant 0 : i32
    %dma_wait3A_92 = tpu.memref_slice %arg4[%multiple_of3A, %dma_wait3A_91] : memref<409600x128xf32, #tpu.memory_space<hbm>> -> memref<80x128xf32, #tpu.memory_space<hbm>>
    %dma_wait3A_93 = arith.constant 0 : i32
    %dma_wait3A_94 = arith.constant 0 : i32
    %dma_wait3A_95 = tpu.memref_slice %arg6[%dma_wait3A_84, %dma_wait3A_93, %dma_wait3A_94] : memref<8x80x128xf32, #tpu.memory_space<vmem>> -> memref<1x80x128xf32, #tpu.memory_space<vmem>>
    %dma_wait3A_96 = tpu.memref_squeeze %dma_wait3A_95 : memref<1x80x128xf32, #tpu.memory_space<vmem>> -> memref<80x128xf32, #tpu.memory_space<vmem>>
    tpu.wait_dma2 semaphore(%arg9 : memref<!tpu.dma_semaphore, #tpu.memory_space<semaphore_mem>>) src(%dma_wait3A_96 : memref<80x128xf32, #tpu.memory_space<vmem>>) dst(%dma_wait3A_92 : memref<80x128xf32, #tpu.memory_space<hbm>>)
    %dma_wait3A_97 = arith.constant 7 : i32
    %dma_wait3A_98 = arith.constant 0 : i32
    %dma_wait3A_99 = arith.constant 0 : i32
    %dma_wait3A_100 = tpu.memref_slice %arg6[%dma_wait3A_97, %dma_wait3A_98, %dma_wait3A_99] : memref<8x80x128xf32, #tpu.memory_space<vmem>> -> memref<1x80x128xf32, #tpu.memory_space<vmem>>
    %dma_wait3A_101 = tpu.memref_squeeze %dma_wait3A_100 : memref<1x80x128xf32, #tpu.memory_space<vmem>> -> memref<80x128xf32, #tpu.memory_space<vmem>>
    %dma_wait3A_102 = arith.constant 0 : i32
    %dma_wait3A_103 = tpu.memref_slice %arg4[%multiple_of3A, %dma_wait3A_102] : memref<409600x128xf32, #tpu.memory_space<hbm>> -> memref<80x128xf32, #tpu.memory_space<hbm>>
    %dma_wait3A_104 = arith.constant 0 : i32
    %dma_wait3A_105 = tpu.memref_slice %arg4[%multiple_of3A, %dma_wait3A_104] : memref<409600x128xf32, #tpu.memory_space<hbm>> -> memref<80x128xf32, #tpu.memory_space<hbm>>
    %dma_wait3A_106 = arith.constant 0 : i32
    %dma_wait3A_107 = arith.constant 0 : i32
    %dma_wait3A_108 = tpu.memref_slice %arg6[%dma_wait3A_97, %dma_wait3A_106, %dma_wait3A_107] : memref<8x80x128xf32, #tpu.memory_space<vmem>> -> memref<1x80x128xf32, #tpu.memory_space<vmem>>
    %dma_wait3A_109 = tpu.memref_squeeze %dma_wait3A_108 : memref<1x80x128xf32, #tpu.memory_space<vmem>> -> memref<80x128xf32, #tpu.memory_space<vmem>>
    tpu.wait_dma2 semaphore(%arg9 : memref<!tpu.dma_semaphore, #tpu.memory_space<semaphore_mem>>) src(%dma_wait3A_109 : memref<80x128xf32, #tpu.memory_space<vmem>>) dst(%dma_wait3A_105 : memref<80x128xf32, #tpu.memory_space<hbm>>)
    return
  }
}

module attributes {stable_mosaic.version = 14 : i64} {
  func.func @_tc_body(%arg0: i32, %arg1: memref<12800x128xf32, #tpu.memory_space<vmem>>, %arg2: memref<256x512xbf16, #tpu.memory_space<vmem>>, %arg3: memref<128x128xbf16, #tpu.memory_space<vmem>>, %arg4: memref<1x1x128xf32, #tpu.memory_space<vmem>>, %arg5: memref<1x1x128xf32, #tpu.memory_space<vmem>>, %arg6: memref<1x1x128xf32, #tpu.memory_space<vmem>>, %arg7: memref<384x512xf32, #tpu.memory_space<vmem>>, %arg8: memref<1x512xf32, #tpu.memory_space<vmem>>, %arg9: memref<512x128xf32, #tpu.memory_space<vmem>>, %arg10: memref<1x128xf32, #tpu.memory_space<vmem>>, %arg11: memref<64x128xf32, #tpu.memory_space<vmem>>) attributes {dimension_semantics = [#tpu.dimension_semantics<arbitrary>], iteration_bounds = array<i64: 32>, scalar_prefetch = 0 : i64, scratch_operands = 0 : i64, tpu.core_type = #tpu.core_type<tc>, window_params = [{transform_indices = @transform_0, window_bounds = array<i64: 12800, 128>}, {pipeline_mode = #tpu.pipeline_mode<synchronous>, transform_indices = @transform_1, window_bounds = array<i64: 256, 512>}, {pipeline_mode = #tpu.pipeline_mode<synchronous>, transform_indices = @transform_2, window_bounds = array<i64: 128, 128>}, {pipeline_mode = #tpu.pipeline_mode<synchronous>, transform_indices = @transform_3, window_bounds = array<i64: 1, 1, 128>}, {pipeline_mode = #tpu.pipeline_mode<synchronous>, transform_indices = @transform_4, window_bounds = array<i64: 1, 1, 128>}, {pipeline_mode = #tpu.pipeline_mode<synchronous>, transform_indices = @transform_5, window_bounds = array<i64: 1, 1, 128>}, {pipeline_mode = #tpu.pipeline_mode<synchronous>, transform_indices = @transform_6, window_bounds = array<i64: 384, 512>}, {pipeline_mode = #tpu.pipeline_mode<synchronous>, transform_indices = @transform_7, window_bounds = array<i64: 1, 512>}, {pipeline_mode = #tpu.pipeline_mode<synchronous>, transform_indices = @transform_8, window_bounds = array<i64: 512, 128>}, {pipeline_mode = #tpu.pipeline_mode<synchronous>, transform_indices = @transform_9, window_bounds = array<i64: 1, 128>}, {transform_indices = @transform_10, window_bounds = array<i64: 64, 128>}]} {
    %get3A = arith.constant 0 : index
    %get3A_0 = arith.constant 0 : index
    %get3A_1 = vector.load %arg1[%get3A, %get3A_0] : memref<12800x128xf32, #tpu.memory_space<vmem>>, vector<12800x128xf32>
    %convert_element_type3A = arith.truncf %get3A_1 : vector<12800x128xf32> to vector<12800x128xbf16>
    %slice3A = vector.extract_strided_slice %convert_element_type3A {offsets = [1, 0], sizes = [12799, 128], strides = [1, 1]} : vector<12800x128xbf16> to vector<12799x128xbf16>
    %slice3A_2 = vector.extract_strided_slice %convert_element_type3A {offsets = [12799, 0], sizes = [1, 128], strides = [1, 1]} : vector<12800x128xbf16> to vector<1x128xbf16>
    %concatenate3A = tpu.concatenate %slice3A, %slice3A_2 in 0 : vector<12799x128xbf16>, vector<1x128xbf16> -> vector<12800x128xbf16>
    %concatenate3A_3 = tpu.concatenate %convert_element_type3A, %concatenate3A in 1 : vector<12800x128xbf16>, vector<12800x128xbf16> -> vector<12800x256xbf16>
    %get3A_4 = arith.constant 0 : index
    %get3A_5 = arith.constant 0 : index
    %get3A_6 = vector.load %arg2[%get3A_4, %get3A_5] : memref<256x512xbf16, #tpu.memory_space<vmem>>, vector<256x512xbf16>
    %dot_general3A = arith.constant dense<0.000000e+00> : vector<12800x512xf32>
    %dot_general3A_7 = tpu.matmul %concatenate3A_3, %get3A_6, %dot_general3A {dimension_numbers = #tpu.dot_dimension_numbers<[1], [0], [0], [1], [0, 0, 1, 1], [], []>, transpose_lhs_hint = false} : vector<12800x256xbf16>, vector<256x512xbf16>, vector<12800x512xf32> -> vector<12800x512xf32>
    %reshape3A = vector.shape_cast %dot_general3A_7 : vector<12800x512xf32> to vector<64x200x512xf32>
    %get3A_8 = arith.constant 0 : index
    %get3A_9 = arith.constant 0 : index
    %get3A_10 = vector.load %arg3[%get3A_8, %get3A_9] : memref<128x128xbf16, #tpu.memory_space<vmem>>, vector<128x128xbf16>
    %dot_general3A_11 = arith.constant dense<0.000000e+00> : vector<12800x128xf32>
    %dot_general3A_12 = tpu.matmul %convert_element_type3A, %get3A_10, %dot_general3A_11 {dimension_numbers = #tpu.dot_dimension_numbers<[1], [0], [0], [1], [0, 0, 1, 1], [], []>, transpose_lhs_hint = false} : vector<12800x128xbf16>, vector<128x128xbf16>, vector<12800x128xf32> -> vector<12800x128xf32>
    %reshape3A_13 = vector.shape_cast %dot_general3A_12 : vector<12800x128xf32> to vector<64x200x128xf32>
    %slice3A_14 = vector.extract_strided_slice %reshape3A {offsets = [0, 0, 0], sizes = [64, 199, 128], strides = [1, 1, 1]} : vector<64x200x512xf32> to vector<64x199x128xf32>
    %get3A_15 = arith.constant 0 : index
    %get3A_16 = arith.constant 0 : index
    %get3A_17 = arith.constant 0 : index
    %get3A_18 = vector.load %arg4[%get3A_15, %get3A_16, %get3A_17] : memref<1x1x128xf32, #tpu.memory_space<vmem>>, vector<1x1x128xf32>
    %add3A = vector.broadcast %get3A_18 : vector<1x1x128xf32> to vector<64x199x128xf32>
    %add3A_19 = arith.addf %slice3A_14, %add3A : vector<64x199x128xf32>
    %slice3A_20 = vector.extract_strided_slice %reshape3A {offsets = [0, 0, 128], sizes = [64, 198, 128], strides = [1, 1, 1]} : vector<64x200x512xf32> to vector<64x198x128xf32>
    %slice3A_21 = vector.extract_strided_slice %reshape3A_13 {offsets = [0, 2, 0], sizes = [64, 198, 128], strides = [1, 1, 1]} : vector<64x200x128xf32> to vector<64x198x128xf32>
    %add3A_22 = arith.addf %slice3A_20, %slice3A_21 : vector<64x198x128xf32>
    %get3A_23 = arith.constant 0 : index
    %get3A_24 = arith.constant 0 : index
    %get3A_25 = arith.constant 0 : index
    %get3A_26 = vector.load %arg5[%get3A_23, %get3A_24, %get3A_25] : memref<1x1x128xf32, #tpu.memory_space<vmem>>, vector<1x1x128xf32>
    %add3A_27 = vector.broadcast %get3A_26 : vector<1x1x128xf32> to vector<64x198x128xf32>
    %add3A_28 = arith.addf %add3A_22, %add3A_27 : vector<64x198x128xf32>
    %slice3A_29 = vector.extract_strided_slice %reshape3A {offsets = [0, 0, 256], sizes = [64, 197, 128], strides = [1, 1, 1]} : vector<64x200x512xf32> to vector<64x197x128xf32>
    %slice3A_30 = vector.extract_strided_slice %reshape3A {offsets = [0, 2, 384], sizes = [64, 197, 128], strides = [1, 1, 1]} : vector<64x200x512xf32> to vector<64x197x128xf32>
    %add3A_31 = arith.addf %slice3A_29, %slice3A_30 : vector<64x197x128xf32>
    %get3A_32 = arith.constant 0 : index
    %get3A_33 = arith.constant 0 : index
    %get3A_34 = arith.constant 0 : index
    %get3A_35 = vector.load %arg6[%get3A_32, %get3A_33, %get3A_34] : memref<1x1x128xf32, #tpu.memory_space<vmem>>, vector<1x1x128xf32>
    %add3A_36 = vector.broadcast %get3A_35 : vector<1x1x128xf32> to vector<64x197x128xf32>
    %add3A_37 = arith.addf %add3A_31, %add3A_36 : vector<64x197x128xf32>
    %max3A = arith.constant 0.000000e+00 : f32
    %max3A_38 = vector.broadcast %max3A : f32 to vector<64x199x128xf32>
    %max3A_39 = arith.maximumf %add3A_19, %max3A_38 : vector<64x199x128xf32>
    %reduce_max3A = arith.constant dense<0xFF800000> : vector<64x128xf32>
    %reduce_max3A_40 = vector.multi_reduction <maximumf>, %max3A_39, %reduce_max3A [1] : vector<64x199x128xf32> to vector<64x128xf32>
    %max3A_41 = arith.constant 0.000000e+00 : f32
    %max3A_42 = vector.broadcast %max3A_41 : f32 to vector<64x198x128xf32>
    %max3A_43 = arith.maximumf %add3A_28, %max3A_42 : vector<64x198x128xf32>
    %reduce_max3A_44 = arith.constant dense<0xFF800000> : vector<64x128xf32>
    %reduce_max3A_45 = vector.multi_reduction <maximumf>, %max3A_43, %reduce_max3A_44 [1] : vector<64x198x128xf32> to vector<64x128xf32>
    %max3A_46 = arith.constant 0.000000e+00 : f32
    %max3A_47 = vector.broadcast %max3A_46 : f32 to vector<64x197x128xf32>
    %max3A_48 = arith.maximumf %add3A_37, %max3A_47 : vector<64x197x128xf32>
    %reduce_max3A_49 = arith.constant dense<0xFF800000> : vector<64x128xf32>
    %reduce_max3A_50 = vector.multi_reduction <maximumf>, %max3A_48, %reduce_max3A_49 [1] : vector<64x197x128xf32> to vector<64x128xf32>
    %concatenate3A_51 = tpu.concatenate %reduce_max3A_40, %reduce_max3A_45, %reduce_max3A_50 in 1 : vector<64x128xf32>, vector<64x128xf32>, vector<64x128xf32> -> vector<64x384xf32>
    %get3A_52 = arith.constant 0 : index
    %get3A_53 = arith.constant 0 : index
    %get3A_54 = vector.load %arg7[%get3A_52, %get3A_53] : memref<384x512xf32, #tpu.memory_space<vmem>>, vector<384x512xf32>
    %dot_general3A_55 = arith.constant dense<0.000000e+00> : vector<64x512xf32>
    %dot_general3A_56 = tpu.matmul %concatenate3A_51, %get3A_54, %dot_general3A_55 {dimension_numbers = #tpu.dot_dimension_numbers<[1], [0], [0], [1], [0, 0, 1, 1], [], []>, transpose_lhs_hint = false} : vector<64x384xf32>, vector<384x512xf32>, vector<64x512xf32> -> vector<64x512xf32>
    %get3A_57 = arith.constant 0 : index
    %get3A_58 = arith.constant 0 : index
    %get3A_59 = vector.load %arg8[%get3A_57, %get3A_58] : memref<1x512xf32, #tpu.memory_space<vmem>>, vector<1x512xf32>
    %add3A_60 = vector.broadcast %get3A_59 : vector<1x512xf32> to vector<64x512xf32>
    %add3A_61 = arith.addf %dot_general3A_56, %add3A_60 : vector<64x512xf32>
    %max3A_62 = arith.constant 0.000000e+00 : f32
    %max3A_63 = vector.broadcast %max3A_62 : f32 to vector<64x512xf32>
    %max3A_64 = arith.maximumf %add3A_61, %max3A_63 : vector<64x512xf32>
    %get3A_65 = arith.constant 0 : index
    %get3A_66 = arith.constant 0 : index
    %get3A_67 = vector.load %arg9[%get3A_65, %get3A_66] : memref<512x128xf32, #tpu.memory_space<vmem>>, vector<512x128xf32>
    %dot_general3A_68 = arith.constant dense<0.000000e+00> : vector<64x128xf32>
    %dot_general3A_69 = tpu.matmul %max3A_64, %get3A_67, %dot_general3A_68 {dimension_numbers = #tpu.dot_dimension_numbers<[1], [0], [0], [1], [0, 0, 1, 1], [], []>, transpose_lhs_hint = false} : vector<64x512xf32>, vector<512x128xf32>, vector<64x128xf32> -> vector<64x128xf32>
    %get3A_70 = arith.constant 0 : index
    %get3A_71 = arith.constant 0 : index
    %get3A_72 = vector.load %arg10[%get3A_70, %get3A_71] : memref<1x128xf32, #tpu.memory_space<vmem>>, vector<1x128xf32>
    %add3A_73 = vector.broadcast %get3A_72 : vector<1x128xf32> to vector<64x128xf32>
    %add3A_74 = arith.addf %dot_general3A_69, %add3A_73 : vector<64x128xf32>
    %reduce_max3A_75 = arith.constant dense<0xFF800000> : vector<64xf32>
    %reduce_max3A_76 = vector.multi_reduction <maximumf>, %add3A_74, %reduce_max3A_75 [1] : vector<64x128xf32> to vector<64xf32>
    %broadcast_in_dim3A = vector.shape_cast %reduce_max3A_76 : vector<64xf32> to vector<64x1xf32>
    %sub3A = vector.broadcast %broadcast_in_dim3A : vector<64x1xf32> to vector<64x128xf32>
    %sub3A_77 = arith.subf %add3A_74, %sub3A : vector<64x128xf32>
    %exp3A = math.exp %sub3A_77 : vector<64x128xf32>
    %reduce_sum3A = arith.constant dense<0.000000e+00> : vector<64xf32>
    %reduce_sum3A_78 = vector.multi_reduction <add>, %exp3A, %reduce_sum3A [1] : vector<64x128xf32> to vector<64xf32>
    %broadcast_in_dim3A_79 = vector.shape_cast %reduce_sum3A_78 : vector<64xf32> to vector<64x1xf32>
    %div3A = vector.broadcast %broadcast_in_dim3A_79 : vector<64x1xf32> to vector<64x128xf32>
    %div3A_80 = arith.divf %exp3A, %div3A : vector<64x128xf32>
    %swap3A = arith.constant 0 : index
    %swap3A_81 = arith.constant 0 : index
    %swap3A_82 = vector.load %arg11[%swap3A, %swap3A_81] : memref<64x128xf32, #tpu.memory_space<vmem>>, vector<64x128xf32>
    tpu.vector_store %arg11[%swap3A, %swap3A_81], %div3A_80 {strides = array<i32>} : memref<64x128xf32, #tpu.memory_space<vmem>>, vector<64x128xf32>,
    return
  }
  func.func @transform_0(%arg0: i32) -> (i32, i32) {
    %c0_i32 = arith.constant 0 : i32
    %c0_i32_0 = arith.constant 0 : i32
    return %arg0, %c0_i32 : i32, i32
  }
  func.func @transform_1(%arg0: i32) -> (i32, i32) {
    %c0_i32 = arith.constant 0 : i32
    %c0_i32_0 = arith.constant 0 : i32
    %c0_i32_1 = arith.constant 0 : i32
    return %c0_i32, %c0_i32_0 : i32, i32
  }
  func.func @transform_2(%arg0: i32) -> (i32, i32) {
    %c0_i32 = arith.constant 0 : i32
    %c0_i32_0 = arith.constant 0 : i32
    %c0_i32_1 = arith.constant 0 : i32
    return %c0_i32, %c0_i32_0 : i32, i32
  }
  func.func @transform_3(%arg0: i32) -> (i32, i32, i32) {
    %c0_i32 = arith.constant 0 : i32
    %c0_i32_0 = arith.constant 0 : i32
    %c0_i32_1 = arith.constant 0 : i32
    %c0_i32_2 = arith.constant 0 : i32
    return %c0_i32, %c0_i32_0, %c0_i32_1 : i32, i32, i32
  }
  func.func @transform_4(%arg0: i32) -> (i32, i32, i32) {
    %c0_i32 = arith.constant 0 : i32
    %c0_i32_0 = arith.constant 0 : i32
    %c0_i32_1 = arith.constant 0 : i32
    %c0_i32_2 = arith.constant 0 : i32
    return %c0_i32, %c0_i32_0, %c0_i32_1 : i32, i32, i32
  }
  func.func @transform_5(%arg0: i32) -> (i32, i32, i32) {
    %c0_i32 = arith.constant 0 : i32
    %c0_i32_0 = arith.constant 0 : i32
    %c0_i32_1 = arith.constant 0 : i32
    %c0_i32_2 = arith.constant 0 : i32
    return %c0_i32, %c0_i32_0, %c0_i32_1 : i32, i32, i32
  }
  func.func @transform_6(%arg0: i32) -> (i32, i32) {
    %c0_i32 = arith.constant 0 : i32
    %c0_i32_0 = arith.constant 0 : i32
    %c0_i32_1 = arith.constant 0 : i32
    return %c0_i32, %c0_i32_0 : i32, i32
  }
  func.func @transform_7(%arg0: i32) -> (i32, i32) {
    %c0_i32 = arith.constant 0 : i32
    %c0_i32_0 = arith.constant 0 : i32
    %c0_i32_1 = arith.constant 0 : i32
    return %c0_i32, %c0_i32_0 : i32, i32
  }
  func.func @transform_8(%arg0: i32) -> (i32, i32) {
    %c0_i32 = arith.constant 0 : i32
    %c0_i32_0 = arith.constant 0 : i32
    %c0_i32_1 = arith.constant 0 : i32
    return %c0_i32, %c0_i32_0 : i32, i32
  }
  func.func @transform_9(%arg0: i32) -> (i32, i32) {
    %c0_i32 = arith.constant 0 : i32
    %c0_i32_0 = arith.constant 0 : i32
    %c0_i32_1 = arith.constant 0 : i32
    return %c0_i32, %c0_i32_0 : i32, i32
  }
  func.func @transform_10(%arg0: i32) -> (i32, i32) {
    %c0_i32 = arith.constant 0 : i32
    %c0_i32_0 = arith.constant 0 : i32
    return %arg0, %c0_i32 : i32, i32
  }
}

</mosaic_0001>

<sc_bundles>
// kernel: kernel.6.cloned.1.call-start
scs
__scs_entry_jumppad:
0x0: {  	(pc) =	sbr.rel $0x88, $3  }
0x1: {  	(tag) =	ssettag $0x0;
	lr =	simm.s32 $0x1  }
0x2: {  	[smem:$0x3F95] =	sst lr;
	_ =	strace $0xD0000000  }
0x3: {  	_ = 	snop  }
0x4: {  	_ = 	snop  }
0x5: {  	_ = 	snop  }
0x6: {  	_ = 	snop  }
0x7: {  	_ = 	snop  }
__scs_overlays_trampoline_lowered:
0x8: {  	[smem:$0x3FA4] =	sst s0  }
0x9: {  	[smem:$0x3FA5] =	sst s1  }
0xa: {  	[smem:$0x3FA6] =	sst s2  }
0xb: {  	[smem:$0x3FA7] =	sst s3  }
0xc: {  	[smem:$0x3FA8] =	sst s4  }
0xd: {  	[smem:$0x3FA9] =	sst s5  }
0xe: {  	[smem:$0x3FAA] =	sst s6  }
0xf: {  	[smem:$0x3FAB] =	sst s7  }
0x10: {  	[smem:$0x3FAC] =	sst s8  }
0x11: {  	[smem:$0x3FAD] =	sst s9;
	s0 =	simm.s32 @!p0 $0x0  }
0x12: {  	s1 =	sld [smem:$0x3F93];
	s0 =	simm.s32 @p0 $0x1  }
0x13: {  	[smem:$0x3FAE] =	sst s0;
	s0 =	simm.s32 @!p1 $0x0  }
0x14: {  	s2 =	sld [smem:$0x3F92];
	s0 =	simm.s32 @p1 $0x1  }
0x15: {  	[smem:$0x3FAF] =	sst s0;
	s0 =	simm.s32 @!p2 $0x0  }
0x16: {  	s3 =	sld [smem:$0x3FDB];
	s0 =	simm.s32 @p2 $0x1  }
0x17: {  	s4 =	simm.s32 $0x1BF5;
	[smem:$0x3FB1] =	sst s0  }
0x18: {  	s0 =	sld [smem:$0x3F94];
	_ =	swait.ge [sflag:s4], $0x0  }
0x19: {  	s7 =	sld [smem:$0x3F95]  }
0x1a: {  	s8 =	sadd.s32 $0xFFFFE003, lr  }
0x1b: {  	s9 =	sadd.s32 $0xFFFFFEF7, lr;
	s5 =	simm.s32 $0xFFFFFFFF;
	p2 =	slt.u32 s8, $0xFFFFF086  }
0x1c: {  	p1 =	slt.u32 s9, $0xF7A;
	s5 =	simm.s32 @!p2 $0x0  }
0x1d: {  	s5 =	simm.s32 @p1 $0x1;
	p0 =	seq.s32 s7, s2  }
0x1e: {  	s7 =	smul.u32 @!p0 $0xF7A, s2;
	p2 =	seq.s32 @!p0 s5, $0x0  }
0x1f: {  	s9 =	smul.u32 $0xF7A, s1;
	s8 =	simm.s32 @!p0 $0x1BF5;
	p2 =	por !p2, p0  }
0x20: {  	[sflag:s8] =	ssyncset.s32 @!p0 $0xFFFFF086;
	s6 =	sadd.s32 @!p0 s3, s7;
	s7 =	simm.s32 @!p0 $0x108  }
0x21: {  	s3 =	sadd.s32 s3, s9;
	s6 =	sadd.s32 @!p0 $0x88, s6;
	s7 =	simm.s32 @p2 $0x1082  }
0x22: {  	[simem:s7], [sflag:s8] =	dma.local @!p0 [hbm:s6], $0xF7A  }
0x23: {  	s9 =	sor.u32 $0xD0000000, s2;
	s6 =	simm.s32 $0x108;
	_ =	swait.ge @!p0 [sflag:s8], $0x0  }
0x24: {  	s3 =	sadd.s32 $0x88, s3;
	s6 =	simm.s32 @!p1 $0x1082;
	[sflag:s4] =	ssyncset.s32 $0xFFFFF086  }
0x25: {  	[simem:s6], [sflag:s4] =	dma.local [hbm:s3], $0xF7A  }
0x26: {  	[smem:$0x3F95] =	sst s1;
	(tag) =	ssettag s2;
	_ =	strace s9  }
0x27: {  	s1 =	sld [smem:$0x3FA5]  }
0x28: {  	s2 =	sld [smem:$0x3FA6]  }
0x29: {  	s4 =	sld [smem:$0x3FA8]  }
0x2a: {  	p0 =	seq.s32 s5, $0x0;
	s5 =	sld [smem:$0x3FA9]  }
0x2b: {  	s6 =	sld [smem:$0x3FAA]  }
0x2c: {  	s7 =	sld [smem:$0x3FAB]  }
0x2d: {  	s3 =	simm.s32 $0x108;
	s8 =	sld [smem:$0x3FAC]  }
0x2e: {  	s3 =	simm.s32 @!p0 $0x1082;
	s9 =	sld [smem:$0x3FAD]  }
0x2f: {  	lr =	sadd.s32 s0, s3;
	s0 =	sld [smem:$0x3FA4]  }
0x30: {  	s3 =	sld [smem:$0x3FA7]  }
0x31: {  	[smem:$0x3FB0] =	sst s10  }
0x32: {  	s10 =	sld [smem:$0x3FAE];
	_ =	sdelay $0x3  }
0x33: {  	p0 =	seq.s32 s10, $0x1;
	s10 =	sld [smem:$0x3FB0];
	_ =	sdelay $0x3  }
0x34: {  	[smem:$0x3FB0] =	sst s10  }
0x35: {  	s10 =	sld [smem:$0x3FAF];
	_ =	sdelay $0x3  }
0x36: {  	p1 =	seq.s32 s10, $0x1;
	s10 =	sld [smem:$0x3FB0];
	_ =	sdelay $0x3  }
0x37: {  	[smem:$0x3FB0] =	sst s10  }
0x38: {  	s10 =	sld [smem:$0x3FB1]  }
0x39: {  	_ = 	snop;
	(pc) =	sbr.ind lr, $3  }
0x3a: {  	_ = 	snop  }
0x3b: {  	_ = 	snop  }
0x3c: {  	p2 =	seq.s32 s10, $0x1;
	s10 =	sld [smem:$0x3FB0]  }
0x3d: {  	_ =	shalt  }
0x3e: {  	_ =	shalt  }
0x3f: {  	_ =	shalt  }
0x40: {  	_ =	shalt  }
0x41: {  	_ =	shalt  }
0x42: {  	_ =	shalt  }
0x43: {  	_ =	shalt  }
0x44: {  	_ =	shalt  }
0x45: {  	_ =	shalt  }
0x46: {  	_ =	shalt  }
0x47: {  	_ =	shalt  }
0x48: {  	_ =	shalt  }
0x49: {  	_ =	shalt  }
0x4a: {  	_ =	shalt  }
0x4b: {  	_ =	shalt  }
0x4c: {  	_ =	shalt  }
0x4d: {  	_ =	shalt  }
0x4e: {  	_ =	shalt  }
0x4f: {  	_ =	shalt  }
0x50: {  	_ =	shalt  }
0x51: {  	_ =	shalt  }
0x52: {  	_ =	shalt  }
0x53: {  	_ =	shalt  }
0x54: {  	_ =	shalt  }
0x55: {  	_ =	shalt  }
0x56: {  	_ =	shalt  }
0x57: {  	_ =	shalt  }
0x58: {  	_ =	shalt  }
0x59: {  	_ =	shalt  }
0x5a: {  	_ =	shalt  }
0x5b: {  	_ =	shalt  }
0x5c: {  	_ =	shalt  }
0x5d: {  	_ =	shalt  }
0x5e: {  	_ =	shalt  }
0x5f: {  	_ =	shalt  }
0x60: {  	_ =	shalt  }
0x61: {  	_ =	shalt  }
0x62: {  	_ =	shalt  }
0x63: {  	_ =	shalt  }
0x64: {  	_ =	shalt  }
0x65: {  	_ =	shalt  }
0x66: {  	_ =	shalt  }
0x67: {  	_ =	shalt  }
0x68: {  	_ =	shalt  }
0x69: {  	_ =	shalt  }
0x6a: {  	_ =	shalt  }
0x6b: {  	_ =	shalt  }
0x6c: {  	_ =	shalt  }
0x6d: {  	_ =	shalt  }
0x6e: {  	_ =	shalt  }
0x6f: {  	_ =	shalt  }
0x70: {  	_ =	shalt  }
0x71: {  	_ =	shalt  }
0x72: {  	_ =	shalt  }
0x73: {  	_ =	shalt  }
0x74: {  	_ =	shalt  }
0x75: {  	_ =	shalt  }
0x76: {  	_ =	shalt  }
0x77: {  	_ =	shalt  }
0x78: {  	_ =	shalt  }
0x79: {  	_ =	shalt  }
0x7a: {  	_ =	shalt  }
0x7b: {  	_ =	shalt  }
0x7c: {  	_ =	shalt  }
0x7d: {  	_ =	shalt  }
0x7e: {  	_ =	shalt  }
0x7f: {  	_ =	shalt  }
0x80: {  	_ =	shalt  }
0x81: {  	_ =	shalt  }
0x82: {  	_ =	shalt  }
0x83: {  	_ =	shalt  }
0x84: {  	_ =	shalt  }
0x85: {  	_ =	shalt  }
0x86: {  	_ =	shalt  }
0x87: {  	_ =	shalt  }
.Lfunc_end0:
.L_simem_size_0:
called_computation_lowered:
.L_overlay_start_0:
0x88: {  	s2 =	sld [smem:$0x3FD9]  }
0x89: {  	s3 =	sld [smem:$0x3FFE];
	_ =	sdelay $0x1  }
0x8a: {  	s1 =	srdreg.scid  }
0x8b: {  	s0 =	sand.u32 $0x1, s1  }
0x8c: {  	s17 =	sshll.u32 s0, $0xA;
	s2 =	sadd.s32 s3, s2  }
0x8d: {  	s2 =	sadd.s32 s2, s17  }
0x8e: {  	[smem:$0x3FBC] =	sst s2  }
0x8f: {  	_ = 	snop  }
0x90: {  	s2 =	sld [smem:$0x3FC8];
	(tm) =	ssettm $0x1  }
0x91: {  	s18 =	sld [smem:$0x3FFB];
	_ =	sdelay $0x3  }
0x92: {  	_ =	strace s18  }
0x93: {  	s3 =	sld [smem:$0x3FFC];
	_ =	sdelay $0x3  }
0x94: {  	_ =	strace s3  }
0x95: {  	s3 =	sld [smem:$0x3FFD];
	_ =	sdelay $0x3  }
0x96: {  	_ =	strace s3  }
0x97: {  	_ =	strace $0x8FFFFFFF  }
0x98: {  	s19 =	sld [smem:$0x3FDB];
	_ =	sdelay $0x1  }
0x99: {  	s4 =	simm.s32 $_scs_section_size  }
0x9a: {  	s5 =	simm.s32 $_size__tile_overlayer_lowered;
	s6 =	simm.s32 $_tile_overlayer_lowered  }
0x9b: {  	s22 =	simm.s32 $0x1BFF;
	s21 =	sshll.u32 s6, $0x1;
	s3 =	sadd.s32 s4, s19  }
0x9c: {  	s7 =	simm.s32 $0x0;
	s20 =	sshll.u32 s5, $0x1;
	s5 =	sadd.s32 s21, s3  }
0x9d: {  	[timem:s7], [sflag:s22] =	dma.local [hbm:s5], s20  }
0x9e: {  	_ =	swait.ge [sflag:s22], s20  }
0x9f: {  	s4 =	ssub.s32 $0x0, s20;
	[sflag:s22] =	ssyncset.done $0x0  }
0xa0: {  	[sflag:s22] =	ssyncadd.s32 s4;
	_ =	sdelay $0x1  }
0xa1: {  	s23 =	simm.s32 $0x1B8B  }
0xa2: {  	_ =	swait.ge [sflag:s23], $0x1  }
0xa3: {  	[sflag:s23] =	ssyncset.done $0x0  }
0xa4: {  	s25 =	simm.s32 $0x1B8E;
	s24 =	sld [smem:$0x3FFE];
	[sflag:s23] =	ssyncadd.s32 $0xFFFFFFFF  }
0xa5: {  	s26 =	simm.s32 $execute0_lowered;
	[smem:$0x3FD2] =	sst s25  }
0xa6: {  	s5 =	sshll.u32 s26, $0x1;
	_ =	strace $0x80000046;
	[dreg:$0x1] =	wrdreg $0xFFFFFFFF  }
0xa7: {  	s28 =	simm.s32 $_size_execute0_lowered;
	s3 =	sadd.s32 s3, s5;
	[dreg:$0x0] =	wrdreg $0x0  }
0xa8: {  	s5 =	sshll.u32 s28, $0x1;
	[dreg:$0x2] =	wrdreg s3  }
0xa9: {  	[dreg:$0x3] =	wrdreg s5  }
0xaa: {  	[dreg:$0x4] =	wrdreg $0xC0  }
0xab: {  	_ =	task [dreg:s7], $0x5FFFF  }
0xac: {  	[dreg:$0x1] =	wrdreg $0xFFFFFFFF  }
0xad: {  	[dreg:$0x0] =	wrdreg $0x60  }
0xae: {  	[dreg:$0x2] =	wrdreg s2  }
0xaf: {  	[dreg:$0x3] =	wrdreg s24  }
0xb0: {  	[dreg:$0x4] =	wrdreg $0x9  }
0xb1: {  	_ =	task.clear_ibuf [dreg:s7], $0x5FFFF;
	_ =	strace $0x90000046  }
0xb2: {  	s29 =	simm.s32 $0x9;
	_ =	strace $0x80000048  }
0xb3: {  	_ =	swait.ge [sflag:s29], $0x1  }
0xb4: {  	[sflag:s29] =	ssyncadd.s32 $0xFFFFFFFF  }
0xb5: {  	_ =	strace $0x90000048  }
0xb6: {  	_ =	sfence  }
0xb7: {  	s30 =	sld [smem:$0x0];
	_ =	sdelay $0x2  }
0xb8: {  	s31 =	sshll.u32 s1, $0xD;
	s1 =	sshrl.u32 s1, $0x2  }
0xb9: {  	s3 =	sand.u32 $0x4000, s31;
	s1 =	sadd.s32 s1, s30  }
0xba: {  	s0 =	sor.u32 s3, s0;
	s1 =	sshll.u32 s1, $0x11  }
0xbb: {  	s0 =	sor.u32 s1, s0  }
0xbc: {  	s0 =	sadd.s32 $0x8F2B, s0  }
0xbd: {  	[sflag:s0] =	ssyncadd.remote.s32 $0x1  }
0xbe: {  	_ =	sfence.sel $0xFFFF  }
0xbf: {  	[dreg:$0x0] =	wrdreg $0xFFFFFFFF;
	(pc) =	sbr.abs _section_cstart, $3  }
0xc0: {  	[dreg:$0x1] =	wrdreg $0xFFFFFFFF  }
0xc1: {  	_ =	task.clear_ibuf [dreg:s7], $0x2FFFF;
	_ =	strace $0x9FFFFFFF  }
0xc2: {  	(tm) =	ssettm $0x7FFFFFFF  }
0xc3: {  	_ =	shalt  }
tec
execute0_lowered:
.L_overlay_start_1:
0x0: {  	(tag) =	ssettag $0x1  }
0x1: {  	s1 =	srdreg.scid  }
0x2: {  	s0 =	stileid.u32;
	s2 =	rddreg [dreg:$0x0]  }
0x3: {  	s5 =	rddreg [dreg:$0x1];
	s3 =	simm.s32 $0x0;
	s10 =	simm.s32 $0x8200  }
0x4: {  	s11 =	simm.s32 $0xAA00;
	s12 =	simm.s32 $0x1;
	s13 =	simm.s32 $0xD200  }
0x5: {  	s14 =	simm.s32 $0xFA00;
	s15 =	simm.s32 $0x12200;
	s16 =	simm.s32 $0x14A00  }
0x6: {  	s17 =	simm.s32 $0x2;
	s18 =	simm.s32 $0x3;
	s19 =	simm.s32 $0x0  }
0x7: {  	s4 =	sand.u32 $0x1, s1;
	s29 =	sshll.u32 s0, $0x1;
	s1 =	rddreg [dreg:$0x2]  }
0x8: {  	[smem:$0x7FF] =	sst s3;
	s7 =	smul.u32 $0x64000, s0;
	s6 =	sor.u32 s4, s29  }
0x9: {  	_ =	strace $0x80000047;
	s8 =	ssub.s32 $0x2, s4;
	s4 =	smul.u32 $0x32000, s4  }
0xa: {  	s6 =	smul.u32 $0x3200, s6;
	s7 =	sadd.s32 s7, s5;
	s9 =	sshrl.u32 s8, $0x1  }
0xb: {  	s30 =	ssub.s32 s8, s9;
	s7 =	sadd.s32 s4, s7;
	s8 =	simm.s32 $0x3200  }
0xc: {  	s9 =	simm.s32 $0x5A00;
	s6 =	sshrl.u32 s6, $0x3;
	s31 =	sadd.s32 $0xEA00, s7  }
0xd: {  	s7 =	simm.s32 $0x50;
	s5 =	sadd.s32 s6, s5;
	[dreg:$0x3] =	wrdreg s31  }
0xe: {  	s6 =	simm.s32 $0x4;
	s4 =	sadd.s32 $0x2200, s5;
	s5 =	smax.u32 s30, $0x1  }
.LBB2_1:
0xf: {  	[tilespmem:s3], [sflag:$0x4] =	stream.linear.gather [hbm4b:s4+s3], $0x3200, $0x38;
	[tilespmem:$0x17200] =	vst v63  }
0x10: {  	_ =	swait.ge [sflag:s6], $0x3200  }
0x11: {  	p0 =	por $0x1, $0x1;
	[sflag:s6] =	ssyncset.done $0x0  }
0x12: {  	s20 =	simm.s32 @!p0 $0x2;
	[sflag:s6] =	ssyncadd.s32 $0xFFFFCE00  }
0x13: {  	_ =	swait.ge @!p0 [sflag:s20], $0x2800  }
0x14: {  	[sflag:s20] =	ssyncset.done @!p0 $0x0  }
0x15: {  	[sflag:s20] =	ssyncadd.s32 @!p0 $0xFFFFD800  }
0x16: {  	_ =	swait.ge @!p0 [sflag:s20], $0x2800  }
0x17: {  	[sflag:s20] =	ssyncset.done @!p0 $0x0  }
0x18: {  	[sflag:s20] =	ssyncadd.s32 @!p0 $0xFFFFD800  }
0x19: {  	_ =	swait.ge @!p0 [sflag:s20], $0x2800  }
0x1a: {  	[sflag:s20] =	ssyncset.done @!p0 $0x0  }
0x1b: {  	[sflag:s20] =	ssyncadd.s32 @!p0 $0xFFFFD800  }
0x1c: {  	_ =	swait.ge @!p0 [sflag:s20], $0x2800  }
0x1d: {  	[sflag:s20] =	ssyncset.done @!p0 $0x0  }
0x1e: {  	s26 =	simm.s32 $0x0;
	[sflag:s20] =	ssyncadd.s32 @!p0 $0xFFFFD800  }
0x1f: {  	[tilespmem:s8], [sflag:$0x1] =	stream.indirect.gather [hbm4b:s2+s7], $0x80, s26, s7, $0xb8;
	[tilespmem:$0x17200] =	vst v63  }
0x20: {  	s28 =	simm.s32 $0x50  }
0x21: {  	[tilespmem:s9], [sflag:$0x1] =	stream.indirect.gather [hbm4b:s2+s7], $0x80, s28, s7, $0xb8;
	[tilespmem:$0x17200] =	vst v63  }
0x22: {  	s29 =	simm.s32 $0xA0  }
0x23: {  	[tilespmem:s10], [sflag:$0x1] =	stream.indirect.gather [hbm4b:s2+s7], $0x80, s29, s7, $0xb8;
	[tilespmem:$0x17200] =	vst v63  }
0x24: {  	s30 =	simm.s32 $0xF0  }
0x25: {  	[tilespmem:s11], [sflag:$0x1] =	stream.indirect.gather [hbm4b:s2+s7], $0x80, s30, s7, $0xb8;
	[tilespmem:$0x17200] =	vst v63  }
0x26: {  	_ =	swait.ge [sflag:s12], $0x2800  }
0x27: {  	s31 =	rddreg [dreg:$0x3];
	[sflag:s12] =	ssyncset.done $0x0  }
0x28: {  	[sflag:s12] =	ssyncadd.s32 $0xFFFFD800;
	s23 =	sadd.s32 $0x0, s31  }
0x29: {  	[hbm4b:s23+s3] =	stream.linear.scatter [tilespmem:s8], [sflag:$0x2], $0x2800, $0x38;
	[tilespmem:$0x17200] =	vst v63  }
0x2a: {  	_ =	swait.ge [sflag:s12], $0x2800  }
0x2b: {  	[sflag:s12] =	ssyncset.done $0x0  }
0x2c: {  	s20 =	sadd.s32 $0x500, s23;
	[sflag:s12] =	ssyncadd.s32 $0xFFFFD800  }
0x2d: {  	[hbm4b:s20+s3] =	stream.linear.scatter [tilespmem:s9], [sflag:$0x2], $0x2800, $0x38;
	[tilespmem:$0x17200] =	vst v63  }
0x2e: {  	_ =	swait.ge [sflag:s12], $0x2800  }
0x2f: {  	[sflag:s12] =	ssyncset.done $0x0  }
0x30: {  	s21 =	sadd.s32 $0xA00, s23;
	[sflag:s12] =	ssyncadd.s32 $0xFFFFD800  }
0x31: {  	[hbm4b:s21+s3] =	stream.linear.scatter [tilespmem:s10], [sflag:$0x2], $0x2800, $0x38;
	[tilespmem:$0x17200] =	vst v63  }
0x32: {  	_ =	swait.ge [sflag:s12], $0x2800  }
0x33: {  	[sflag:s12] =	ssyncset.done $0x0  }
0x34: {  	s22 =	sadd.s32 $0xF00, s23;
	s21 =	simm.s32 @!p0 $0x3;
	[sflag:s12] =	ssyncadd.s32 $0xFFFFD800  }
0x35: {  	[hbm4b:s22+s3] =	stream.linear.scatter [tilespmem:s11], [sflag:$0x2], $0x2800, $0x38;
	[tilespmem:$0x17200] =	vst v63  }
0x36: {  	_ =	swait.ge @!p0 [sflag:s21], $0x2800  }
0x37: {  	[sflag:s21] =	ssyncset.done @!p0 $0x0  }
0x38: {  	[sflag:s21] =	ssyncadd.s32 @!p0 $0xFFFFD800  }
0x39: {  	_ =	swait.ge @!p0 [sflag:s21], $0x2800  }
0x3a: {  	[sflag:s21] =	ssyncset.done @!p0 $0x0  }
0x3b: {  	[sflag:s21] =	ssyncadd.s32 @!p0 $0xFFFFD800  }
0x3c: {  	_ =	swait.ge @!p0 [sflag:s21], $0x2800  }
0x3d: {  	[sflag:s21] =	ssyncset.done @!p0 $0x0  }
0x3e: {  	[sflag:s21] =	ssyncadd.s32 @!p0 $0xFFFFD800  }
0x3f: {  	_ =	swait.ge @!p0 [sflag:s21], $0x2800  }
0x40: {  	[sflag:s21] =	ssyncset.done @!p0 $0x0  }
0x41: {  	s24 =	simm.s32 $0x140;
	[sflag:s21] =	ssyncadd.s32 @!p0 $0xFFFFD800  }
0x42: {  	[tilespmem:s13], [sflag:$0x1] =	stream.indirect.gather [hbm4b:s2+s7], $0x80, s24, s7, $0xb8;
	[tilespmem:$0x17200] =	vst v63  }
0x43: {  	s25 =	simm.s32 $0x190  }
0x44: {  	[tilespmem:s14], [sflag:$0x1] =	stream.indirect.gather [hbm4b:s2+s7], $0x80, s25, s7, $0xb8;
	[tilespmem:$0x17200] =	vst v63  }
0x45: {  	s26 =	simm.s32 $0x1E0  }
0x46: {  	[tilespmem:s15], [sflag:$0x1] =	stream.indirect.gather [hbm4b:s2+s7], $0x80, s26, s7, $0xb8;
	[tilespmem:$0x17200] =	vst v63  }
0x47: {  	s28 =	simm.s32 $0x230  }
0x48: {  	[tilespmem:s16], [sflag:$0x1] =	stream.indirect.gather [hbm4b:s2+s7], $0x80, s28, s7, $0xb8;
	[tilespmem:$0x17200] =	vst v63  }
0x49: {  	_ =	swait.ge [sflag:s12], $0x2800  }
0x4a: {  	[sflag:s12] =	ssyncset.done $0x0  }
0x4b: {  	s29 =	sadd.s32 $0x1400, s23;
	[sflag:s12] =	ssyncadd.s32 $0xFFFFD800  }
0x4c: {  	[hbm4b:s29+s3] =	stream.linear.scatter [tilespmem:s13], [sflag:$0x3], $0x2800, $0x38;
	[tilespmem:$0x17200] =	vst v63  }
0x4d: {  	_ =	swait.ge [sflag:s12], $0x2800  }
0x4e: {  	[sflag:s12] =	ssyncset.done $0x0  }
0x4f: {  	s30 =	sadd.s32 $0x1900, s23;
	[sflag:s12] =	ssyncadd.s32 $0xFFFFD800  }
0x50: {  	[hbm4b:s30+s3] =	stream.linear.scatter [tilespmem:s14], [sflag:$0x3], $0x2800, $0x38;
	[tilespmem:$0x17200] =	vst v63  }
0x51: {  	_ =	swait.ge [sflag:s12], $0x2800  }
0x52: {  	[sflag:s12] =	ssyncset.done $0x0  }
0x53: {  	s31 =	sadd.s32 $0x1E00, s23;
	s23 =	sadd.s32 $0x2300, s23;
	[sflag:s12] =	ssyncadd.s32 $0xFFFFD800  }
0x54: {  	[hbm4b:s31+s3] =	stream.linear.scatter [tilespmem:s15], [sflag:$0x3], $0x2800, $0x38;
	[tilespmem:$0x17200] =	vst v63  }
0x55: {  	s20 =	simm.s32 $0x4B0;
	s22 =	simm.s32 $0x5000;
	_ =	swait.ge [sflag:s12], $0x2800  }
0x56: {  	s21 =	simm.s32 $0x2800;
	p0 =	por $0x0, $0x0;
	[sflag:s12] =	ssyncset.done $0x0  }
.LBB2_2:
0x57: {  	s24 =	simm.s32 @!p0 $0x2;
	[sflag:s12] =	ssyncadd.s32 $0xFFFFD800  }
0x58: {  	[hbm4b:s23+s3] =	stream.linear.scatter [tilespmem:s16], [sflag:$0x3], $0x2800, $0x38;
	[tilespmem:$0x17200] =	vst v63  }
0x59: {  	_ =	swait.ge @!p0 [sflag:s24], $0x2800  }
0x5a: {  	[sflag:s24] =	ssyncset.done @!p0 $0x0  }
0x5b: {  	[sflag:s24] =	ssyncadd.s32 @!p0 $0xFFFFD800  }
0x5c: {  	_ =	swait.ge @!p0 [sflag:s24], $0x2800  }
0x5d: {  	[sflag:s24] =	ssyncset.done @!p0 $0x0  }
0x5e: {  	[sflag:s24] =	ssyncadd.s32 @!p0 $0xFFFFD800  }
0x5f: {  	_ =	swait.ge @!p0 [sflag:s24], $0x2800  }
0x60: {  	[sflag:s24] =	ssyncset.done @!p0 $0x0  }
0x61: {  	[sflag:s24] =	ssyncadd.s32 @!p0 $0xFFFFD800  }
0x62: {  	_ =	swait.ge @!p0 [sflag:s24], $0x2800  }
0x63: {  	[sflag:s24] =	ssyncset.done @!p0 $0x0  }
0x64: {  	s30 =	sadd.s32 $0xFFFFFDD0, s20;
	[sflag:s24] =	ssyncadd.s32 @!p0 $0xFFFFD800  }
0x65: {  	[tilespmem:s8], [sflag:$0x1] =	stream.indirect.gather [hbm4b:s2+s7], $0x80, s30, s7, $0xb8;
	[tilespmem:$0x17200] =	vst v63  }
0x66: {  	s31 =	sadd.s32 $0xFFFFFE20, s20  }
0x67: {  	[tilespmem:s9], [sflag:$0x1] =	stream.indirect.gather [hbm4b:s2+s7], $0x80, s31, s7, $0xb8;
	[tilespmem:$0x17200] =	vst v63  }
0x68: {  	s24 =	sadd.s32 $0xFFFFFE70, s20  }
0x69: {  	[tilespmem:s10], [sflag:$0x1] =	stream.indirect.gather [hbm4b:s2+s7], $0x80, s24, s7, $0xb8;
	[tilespmem:$0x17200] =	vst v63  }
0x6a: {  	s26 =	sadd.s32 $0xFFFFFEC0, s20  }
0x6b: {  	[tilespmem:s11], [sflag:$0x1] =	stream.indirect.gather [hbm4b:s2+s7], $0x80, s26, s7, $0xb8;
	[tilespmem:$0x17200] =	vst v63  }
0x6c: {  	_ =	swait.ge [sflag:s12], $0x2800  }
0x6d: {  	s28 =	rddreg [dreg:$0x3];
	[sflag:s12] =	ssyncset.done $0x0  }
0x6e: {  	[sflag:s12] =	ssyncadd.s32 $0xFFFFD800;
	s23 =	sadd.s32 s21, s28  }
0x6f: {  	[hbm4b:s23+s3] =	stream.linear.scatter [tilespmem:s8], [sflag:$0x2], $0x2800, $0x38;
	[tilespmem:$0x17200] =	vst v63  }
0x70: {  	_ =	swait.ge [sflag:s12], $0x2800  }
0x71: {  	[sflag:s12] =	ssyncset.done $0x0  }
0x72: {  	s29 =	sadd.s32 $0x500, s23;
	[sflag:s12] =	ssyncadd.s32 $0xFFFFD800  }
0x73: {  	[hbm4b:s29+s3] =	stream.linear.scatter [tilespmem:s9], [sflag:$0x2], $0x2800, $0x38;
	[tilespmem:$0x17200] =	vst v63  }
0x74: {  	_ =	swait.ge [sflag:s12], $0x2800  }
0x75: {  	[sflag:s12] =	ssyncset.done $0x0  }
0x76: {  	s30 =	sadd.s32 $0xA00, s23;
	[sflag:s12] =	ssyncadd.s32 $0xFFFFD800  }
0x77: {  	[hbm4b:s30+s3] =	stream.linear.scatter [tilespmem:s10], [sflag:$0x2], $0x2800, $0x38;
	[tilespmem:$0x17200] =	vst v63  }
0x78: {  	s25 =	smov.u32 s22;
	_ =	swait.ge [sflag:s12], $0x2800  }
0x79: {  	s21 =	smov.u32 s25;
	[sflag:s12] =	ssyncset.done $0x0  }
0x7a: {  	s25 =	simm.s32 @!p0 $0x3;
	s31 =	sadd.s32 $0xF00, s23;
	[sflag:s12] =	ssyncadd.s32 $0xFFFFD800  }
0x7b: {  	[hbm4b:s31+s3] =	stream.linear.scatter [tilespmem:s11], [sflag:$0x2], $0x2800, $0x38;
	[tilespmem:$0x17200] =	vst v63  }
0x7c: {  	_ =	swait.ge @!p0 [sflag:s25], $0x2800  }
0x7d: {  	[sflag:s25] =	ssyncset.done @!p0 $0x0  }
0x7e: {  	[sflag:s25] =	ssyncadd.s32 @!p0 $0xFFFFD800  }
0x7f: {  	_ =	swait.ge @!p0 [sflag:s25], $0x2800  }
0x80: {  	[sflag:s25] =	ssyncset.done @!p0 $0x0  }
0x81: {  	[sflag:s25] =	ssyncadd.s32 @!p0 $0xFFFFD800  }
0x82: {  	_ =	swait.ge @!p0 [sflag:s25], $0x2800  }
0x83: {  	[sflag:s25] =	ssyncset.done @!p0 $0x0  }
0x84: {  	[sflag:s25] =	ssyncadd.s32 @!p0 $0xFFFFD800  }
0x85: {  	_ =	swait.ge @!p0 [sflag:s25], $0x2800  }
0x86: {  	[sflag:s25] =	ssyncset.done @!p0 $0x0  }
0x87: {  	[sflag:s25] =	ssyncadd.s32 @!p0 $0xFFFFD800;
	s25 =	sadd.s32 $0xFFFFFF10, s20  }
0x88: {  	[tilespmem:s13], [sflag:$0x1] =	stream.indirect.gather [hbm4b:s2+s7], $0x80, s25, s7, $0xb8;
	[tilespmem:$0x17200] =	vst v63  }
0x89: {  	s26 =	sadd.s32 $0xFFFFFF60, s20  }
0x8a: {  	[tilespmem:s14], [sflag:$0x1] =	stream.indirect.gather [hbm4b:s2+s7], $0x80, s26, s7, $0xb8;
	[tilespmem:$0x17200] =	vst v63  }
0x8b: {  	s28 =	sadd.s32 $0xFFFFFFB0, s20  }
0x8c: {  	[tilespmem:s15], [sflag:$0x1] =	stream.indirect.gather [hbm4b:s2+s7], $0x80, s28, s7, $0xb8;
	[tilespmem:$0x17200] =	vst v63  }
0x8d: {  	_ = 	snop  }
0x8e: {  	[tilespmem:s16], [sflag:$0x1] =	stream.indirect.gather [hbm4b:s2+s7], $0x80, s20, s7, $0xb8;
	[tilespmem:$0x17200] =	vst v63  }
0x8f: {  	_ =	swait.ge [sflag:s12], $0x2800  }
0x90: {  	[sflag:s12] =	ssyncset.done $0x0  }
0x91: {  	s29 =	sadd.s32 $0x1400, s23;
	[sflag:s12] =	ssyncadd.s32 $0xFFFFD800  }
0x92: {  	[hbm4b:s29+s3] =	stream.linear.scatter [tilespmem:s13], [sflag:$0x3], $0x2800, $0x38;
	[tilespmem:$0x17200] =	vst v63  }
0x93: {  	_ =	swait.ge [sflag:s12], $0x2800  }
0x94: {  	[sflag:s12] =	ssyncset.done $0x0  }
0x95: {  	s22 =	sadd.s32 $0x2800, s22;
	s30 =	sadd.s32 $0x1900, s23;
	[sflag:s12] =	ssyncadd.s32 $0xFFFFD800  }
0x96: {  	[hbm4b:s30+s3] =	stream.linear.scatter [tilespmem:s14], [sflag:$0x3], $0x2800, $0x38;
	[tilespmem:$0x17200] =	vst v63  }
0x97: {  	p1 =	sne.s32 s22, $0x32000;
	_ =	swait.ge [sflag:s12], $0x2800  }
.Ltmp0:
0x98: {  	[sflag:s12] =	ssyncset.done $0x0;
	(pc) =	sbr.rel @p1 .LBB2_2-.Ltmp0, $4  }
0x99: {  	s31 =	sadd.s32 $0x1E00, s23;
	[sflag:s12] =	ssyncadd.s32 $0xFFFFD800  }
0x9a: {  	[hbm4b:s31+s3] =	stream.linear.scatter [tilespmem:s15], [sflag:$0x3], $0x2800, $0x38;
	[tilespmem:$0x17200] =	vst v63  }
0x9b: {  	s23 =	sadd.s32 $0x2300, s23;
	_ =	swait.ge [sflag:s12], $0x2800  }
0x9c: {  	p0 =	seq.s32 s21, $0x0;
	s20 =	sadd.s32 $0x280, s20;
	[sflag:s12] =	ssyncset.done $0x0  }
0x9d: {  	s22 =	simm.s32 @!p0 $0x2;
	[sflag:s12] =	ssyncadd.s32 $0xFFFFD800  }
0x9e: {  	[hbm4b:s23+s3] =	stream.linear.scatter [tilespmem:s16], [sflag:$0x3], $0x2800, $0x38;
	[tilespmem:$0x17200] =	vst v63  }
0x9f: {  	_ =	swait.ge @!p0 [sflag:s22], $0x2800  }
0xa0: {  	[sflag:s22] =	ssyncset.done @!p0 $0x0  }
0xa1: {  	[sflag:s22] =	ssyncadd.s32 @!p0 $0xFFFFD800  }
0xa2: {  	_ =	swait.ge @!p0 [sflag:s22], $0x2800  }
0xa3: {  	[sflag:s22] =	ssyncset.done @!p0 $0x0  }
0xa4: {  	[sflag:s22] =	ssyncadd.s32 @!p0 $0xFFFFD800  }
0xa5: {  	_ =	swait.ge @!p0 [sflag:s22], $0x2800  }
0xa6: {  	[sflag:s22] =	ssyncset.done @!p0 $0x0  }
0xa7: {  	[sflag:s22] =	ssyncadd.s32 @!p0 $0xFFFFD800  }
0xa8: {  	_ =	swait.ge @!p0 [sflag:s22], $0x2800  }
0xa9: {  	[sflag:s22] =	ssyncset.done @!p0 $0x0  }
0xaa: {  	s24 =	sadd.s32 $0xFFFFFDD0, s20;
	[sflag:s22] =	ssyncadd.s32 @!p0 $0xFFFFD800  }
0xab: {  	[tilespmem:s8], [sflag:$0x1] =	stream.indirect.gather [hbm4b:s2+s7], $0x80, s24, s7, $0xb8;
	[tilespmem:$0x17200] =	vst v63  }
0xac: {  	s25 =	sadd.s32 $0xFFFFFE20, s20  }
0xad: {  	[tilespmem:s9], [sflag:$0x1] =	stream.indirect.gather [hbm4b:s2+s7], $0x80, s25, s7, $0xb8;
	[tilespmem:$0x17200] =	vst v63  }
0xae: {  	s26 =	sadd.s32 $0xFFFFFE70, s20  }
0xaf: {  	[tilespmem:s10], [sflag:$0x1] =	stream.indirect.gather [hbm4b:s2+s7], $0x80, s26, s7, $0xb8;
	[tilespmem:$0x17200] =	vst v63  }
0xb0: {  	s28 =	sadd.s32 $0xFFFFFEC0, s20  }
0xb1: {  	[tilespmem:s11], [sflag:$0x1] =	stream.indirect.gather [hbm4b:s2+s7], $0x80, s28, s7, $0xb8;
	[tilespmem:$0x17200] =	vst v63  }
0xb2: {  	_ =	swait.ge [sflag:s12], $0x2800  }
0xb3: {  	s29 =	rddreg [dreg:$0x3];
	[sflag:s12] =	ssyncset.done $0x0  }
0xb4: {  	[sflag:s12] =	ssyncadd.s32 $0xFFFFD800;
	s21 =	sadd.s32 s21, s29  }
0xb5: {  	[hbm4b:s21+s3] =	stream.linear.scatter [tilespmem:s8], [sflag:$0x2], $0x2800, $0x38;
	[tilespmem:$0x17200] =	vst v63  }
0xb6: {  	_ =	swait.ge [sflag:s12], $0x2800  }
0xb7: {  	[sflag:s12] =	ssyncset.done $0x0  }
0xb8: {  	s22 =	sadd.s32 $0x500, s21;
	[sflag:s12] =	ssyncadd.s32 $0xFFFFD800  }
0xb9: {  	[hbm4b:s22+s3] =	stream.linear.scatter [tilespmem:s9], [sflag:$0x2], $0x2800, $0x38;
	[tilespmem:$0x17200] =	vst v63  }
0xba: {  	_ =	swait.ge [sflag:s12], $0x2800  }
0xbb: {  	[sflag:s12] =	ssyncset.done $0x0  }
0xbc: {  	s30 =	sadd.s32 $0xA00, s21;
	[sflag:s12] =	ssyncadd.s32 $0xFFFFD800  }
0xbd: {  	[hbm4b:s30+s3] =	stream.linear.scatter [tilespmem:s10], [sflag:$0x2], $0x2800, $0x38;
	[tilespmem:$0x17200] =	vst v63  }
0xbe: {  	_ =	swait.ge [sflag:s12], $0x2800  }
0xbf: {  	[sflag:s12] =	ssyncset.done $0x0  }
0xc0: {  	s23 =	simm.s32 @!p0 $0x3;
	s31 =	sadd.s32 $0xF00, s21;
	[sflag:s12] =	ssyncadd.s32 $0xFFFFD800  }
0xc1: {  	[hbm4b:s31+s3] =	stream.linear.scatter [tilespmem:s11], [sflag:$0x2], $0x2800, $0x38;
	[tilespmem:$0x17200] =	vst v63  }
0xc2: {  	_ =	swait.ge @!p0 [sflag:s23], $0x2800  }
0xc3: {  	[sflag:s23] =	ssyncset.done @!p0 $0x0  }
0xc4: {  	[sflag:s23] =	ssyncadd.s32 @!p0 $0xFFFFD800  }
0xc5: {  	_ =	swait.ge @!p0 [sflag:s23], $0x2800  }
0xc6: {  	[sflag:s23] =	ssyncset.done @!p0 $0x0  }
0xc7: {  	[sflag:s23] =	ssyncadd.s32 @!p0 $0xFFFFD800  }
0xc8: {  	_ =	swait.ge @!p0 [sflag:s23], $0x2800  }
0xc9: {  	[sflag:s23] =	ssyncset.done @!p0 $0x0  }
0xca: {  	[sflag:s23] =	ssyncadd.s32 @!p0 $0xFFFFD800  }
0xcb: {  	_ =	swait.ge @!p0 [sflag:s23], $0x2800  }
0xcc: {  	[sflag:s23] =	ssyncset.done @!p0 $0x0  }
0xcd: {  	s24 =	sadd.s32 $0xFFFFFF10, s20;
	[sflag:s23] =	ssyncadd.s32 @!p0 $0xFFFFD800  }
0xce: {  	[tilespmem:s13], [sflag:$0x1] =	stream.indirect.gather [hbm4b:s2+s7], $0x80, s24, s7, $0xb8;
	[tilespmem:$0x17200] =	vst v63  }
0xcf: {  	s25 =	sadd.s32 $0xFFFFFF60, s20  }
0xd0: {  	[tilespmem:s14], [sflag:$0x1] =	stream.indirect.gather [hbm4b:s2+s7], $0x80, s25, s7, $0xb8;
	[tilespmem:$0x17200] =	vst v63  }
0xd1: {  	s26 =	sadd.s32 $0xFFFFFFB0, s20  }
0xd2: {  	[tilespmem:s15], [sflag:$0x1] =	stream.indirect.gather [hbm4b:s2+s7], $0x80, s26, s7, $0xb8;
	[tilespmem:$0x17200] =	vst v63  }
0xd3: {  	_ = 	snop  }
0xd4: {  	[tilespmem:s16], [sflag:$0x1] =	stream.indirect.gather [hbm4b:s2+s7], $0x80, s20, s7, $0xb8;
	[tilespmem:$0x17200] =	vst v63  }
0xd5: {  	_ =	swait.ge [sflag:s12], $0x2800  }
0xd6: {  	[sflag:s12] =	ssyncset.done $0x0  }
0xd7: {  	s28 =	sadd.s32 $0x1400, s21;
	[sflag:s12] =	ssyncadd.s32 $0xFFFFD800  }
0xd8: {  	[hbm4b:s28+s3] =	stream.linear.scatter [tilespmem:s13], [sflag:$0x3], $0x2800, $0x38;
	[tilespmem:$0x17200] =	vst v63  }
0xd9: {  	_ =	swait.ge [sflag:s12], $0x2800  }
0xda: {  	[sflag:s12] =	ssyncset.done $0x0  }
0xdb: {  	s29 =	sadd.s32 $0x1900, s21;
	[sflag:s12] =	ssyncadd.s32 $0xFFFFD800  }
0xdc: {  	[hbm4b:s29+s3] =	stream.linear.scatter [tilespmem:s14], [sflag:$0x3], $0x2800, $0x38;
	[tilespmem:$0x17200] =	vst v63  }
0xdd: {  	_ =	swait.ge [sflag:s12], $0x2800  }
0xde: {  	[sflag:s12] =	ssyncset.done $0x0  }
0xdf: {  	s30 =	sadd.s32 $0x1E00, s21;
	[sflag:s12] =	ssyncadd.s32 $0xFFFFD800  }
0xe0: {  	[hbm4b:s30+s3] =	stream.linear.scatter [tilespmem:s15], [sflag:$0x3], $0x2800, $0x38;
	[tilespmem:$0x17200] =	vst v63  }
0xe1: {  	_ =	swait.ge [sflag:s12], $0x2800  }
0xe2: {  	[sflag:s12] =	ssyncset.done $0x0  }
0xe3: {  	s31 =	sadd.s32 $0x2300, s21;
	[sflag:s12] =	ssyncadd.s32 $0xFFFFD800  }
0xe4: {  	[hbm4b:s31+s3] =	stream.linear.scatter [tilespmem:s16], [sflag:$0x3], $0x2800, $0x38;
	[tilespmem:$0x17200] =	vst v63  }
0xe5: {  	_ =	swait.ge [sflag:s17], $0x2800  }
0xe6: {  	[sflag:s17] =	ssyncset.done $0x0  }
0xe7: {  	[sflag:s17] =	ssyncadd.s32 $0xFFFFD800  }
0xe8: {  	_ =	swait.ge [sflag:s17], $0x2800  }
0xe9: {  	[sflag:s17] =	ssyncset.done $0x0  }
0xea: {  	[sflag:s17] =	ssyncadd.s32 $0xFFFFD800  }
0xeb: {  	_ =	swait.ge [sflag:s17], $0x2800  }
0xec: {  	[sflag:s17] =	ssyncset.done $0x0  }
0xed: {  	[sflag:s17] =	ssyncadd.s32 $0xFFFFD800  }
0xee: {  	_ =	swait.ge [sflag:s17], $0x2800  }
0xef: {  	[sflag:s17] =	ssyncset.done $0x0  }
0xf0: {  	[sflag:s17] =	ssyncadd.s32 $0xFFFFD800  }
0xf1: {  	_ =	swait.ge [sflag:s18], $0x2800  }
0xf2: {  	[sflag:s18] =	ssyncset.done $0x0  }
0xf3: {  	[sflag:s18] =	ssyncadd.s32 $0xFFFFD800  }
0xf4: {  	_ =	swait.ge [sflag:s18], $0x2800  }
0xf5: {  	[sflag:s18] =	ssyncset.done $0x0  }
0xf6: {  	s19 =	sadd.s32 $0x1, s19;
	[sflag:s18] =	ssyncadd.s32 $0xFFFFD800  }
0xf7: {  	p0 =	sne.s32 s19, s5;
	_ =	swait.ge [sflag:s18], $0x2800  }
.Ltmp1:
0xf8: {  	[sflag:s18] =	ssyncset.done $0x0;
	(pc) =	sbr.rel @p0 .LBB2_1-.Ltmp1, $4  }
0xf9: {  	[sflag:s18] =	ssyncadd.s32 $0xFFFFD800  }
0xfa: {  	_ =	swait.ge [sflag:s18], $0x2800  }
0xfb: {  	[sflag:s18] =	ssyncset.done $0x0  }
0xfc: {  	[sflag:s18] =	ssyncadd.s32 $0xFFFFD800  }
0xfd: {  	_ =	sfence.sel $0x180000  }
0xfe: {  	[bflag:$0x0] =	sbarrier.arrive $0xFFFF  }
0xff: {  	p0 =	sne.s32 s0, $0x0;
	_ =	strace $0x90000047  }
0x100: {  	s0 =	sadd.s32 @!p0 $0x100000, s1;
	[bflag:$0x2] =	sbarrier.arrive $0xFFFF  }
0x101: {  	[sflag:s0] =	ssyncadd.tile.s32 @!p0 $0x1;
	_ =	shalt  }
.Lfunc_end2:
_tile_overlayer_lowered:
.L_overlay_start_2:
0x102: {  	(tag) =	ssettag $0x2  }
0x103: {  	s0 =	rddreg [dreg:$0x0];
	s2 =	stileid.u32  }
0x104: {  	s1 =	rddreg [dreg:$0x1];
	p0 =	sne.s32 s2, $0x0  }
0x105: {  	s3 =	rddreg [dreg:$0x2];
	[bflag:$0x3] =	sbarrier.arrive $0xFFFF;
	s2 =	simm.s32 @!p0 $0x1C04  }
0x106: {  	[timem:s3], [sflag:s2] =	dma.local @!p0 [hbm:s0], s1  }
0x107: {  	s0 =	simm.s32 @!p0 $0x4  }
0x108: {  	_ =	swait.ge @!p0 [sflag:s0], s1  }
0x109: {  	s1 =	ssub.s32 @!p0 $0x0, s1;
	[sflag:s0] =	ssyncset.done @!p0 $0x0  }
0x10a: {  	[sflag:s0] =	ssyncadd.s32 @!p0 s1  }
0x10b: {  	[bflag:$0x3] =	sbarrier.arrive $0xFFFF  }
0x10c: {  	_ =	shalt  }

// kernel: kernel.9.cloned.1.call-start
scs
__scs_entry_jumppad:
0x0: {  	(pc) =	sbr.rel $0x88, $3  }
0x1: {  	(tag) =	ssettag $0x0;
	lr =	simm.s32 $0x1  }
0x2: {  	[smem:$0x3F95] =	sst lr;
	_ =	strace $0xD0000000  }
0x3: {  	_ = 	snop  }
0x4: {  	_ = 	snop  }
0x5: {  	_ = 	snop  }
0x6: {  	_ = 	snop  }
0x7: {  	_ = 	snop  }
__scs_overlays_trampoline_lowered:
0x8: {  	[smem:$0x3FA4] =	sst s0  }
0x9: {  	[smem:$0x3FA5] =	sst s1  }
0xa: {  	[smem:$0x3FA6] =	sst s2  }
0xb: {  	[smem:$0x3FA7] =	sst s3  }
0xc: {  	[smem:$0x3FA8] =	sst s4  }
0xd: {  	[smem:$0x3FA9] =	sst s5  }
0xe: {  	[smem:$0x3FAA] =	sst s6  }
0xf: {  	[smem:$0x3FAB] =	sst s7  }
0x10: {  	[smem:$0x3FAC] =	sst s8  }
0x11: {  	[smem:$0x3FAD] =	sst s9;
	s0 =	simm.s32 @!p0 $0x0  }
0x12: {  	s1 =	sld [smem:$0x3F93];
	s0 =	simm.s32 @p0 $0x1  }
0x13: {  	[smem:$0x3FAE] =	sst s0;
	s0 =	simm.s32 @!p1 $0x0  }
0x14: {  	s2 =	sld [smem:$0x3F92];
	s0 =	simm.s32 @p1 $0x1  }
0x15: {  	[smem:$0x3FAF] =	sst s0;
	s0 =	simm.s32 @!p2 $0x0  }
0x16: {  	s3 =	sld [smem:$0x3FDB];
	s0 =	simm.s32 @p2 $0x1  }
0x17: {  	s4 =	simm.s32 $0x1BF5;
	[smem:$0x3FB1] =	sst s0  }
0x18: {  	s0 =	sld [smem:$0x3F94];
	_ =	swait.ge [sflag:s4], $0x0  }
0x19: {  	s7 =	sld [smem:$0x3F95]  }
0x1a: {  	s8 =	sadd.s32 $0xFFFFE003, lr  }
0x1b: {  	s9 =	sadd.s32 $0xFFFFFEF7, lr;
	s5 =	simm.s32 $0xFFFFFFFF;
	p2 =	slt.u32 s8, $0xFFFFF086  }
0x1c: {  	p1 =	slt.u32 s9, $0xF7A;
	s5 =	simm.s32 @!p2 $0x0  }
0x1d: {  	s5 =	simm.s32 @p1 $0x1;
	p0 =	seq.s32 s7, s2  }
0x1e: {  	s7 =	smul.u32 @!p0 $0xF7A, s2;
	p2 =	seq.s32 @!p0 s5, $0x0  }
0x1f: {  	s9 =	smul.u32 $0xF7A, s1;
	s8 =	simm.s32 @!p0 $0x1BF5;
	p2 =	por !p2, p0  }
0x20: {  	[sflag:s8] =	ssyncset.s32 @!p0 $0xFFFFF086;
	s6 =	sadd.s32 @!p0 s3, s7;
	s7 =	simm.s32 @!p0 $0x108  }
0x21: {  	s3 =	sadd.s32 s3, s9;
	s6 =	sadd.s32 @!p0 $0x88, s6;
	s7 =	simm.s32 @p2 $0x1082  }
0x22: {  	[simem:s7], [sflag:s8] =	dma.local @!p0 [hbm:s6], $0xF7A  }
0x23: {  	s9 =	sor.u32 $0xD0000000, s2;
	s6 =	simm.s32 $0x108;
	_ =	swait.ge @!p0 [sflag:s8], $0x0  }
0x24: {  	s3 =	sadd.s32 $0x88, s3;
	s6 =	simm.s32 @!p1 $0x1082;
	[sflag:s4] =	ssyncset.s32 $0xFFFFF086  }
0x25: {  	[simem:s6], [sflag:s4] =	dma.local [hbm:s3], $0xF7A  }
0x26: {  	[smem:$0x3F95] =	sst s1;
	(tag) =	ssettag s2;
	_ =	strace s9  }
0x27: {  	s1 =	sld [smem:$0x3FA5]  }
0x28: {  	s2 =	sld [smem:$0x3FA6]  }
0x29: {  	s4 =	sld [smem:$0x3FA8]  }
0x2a: {  	p0 =	seq.s32 s5, $0x0;
	s5 =	sld [smem:$0x3FA9]  }
0x2b: {  	s6 =	sld [smem:$0x3FAA]  }
0x2c: {  	s7 =	sld [smem:$0x3FAB]  }
0x2d: {  	s3 =	simm.s32 $0x108;
	s8 =	sld [smem:$0x3FAC]  }
0x2e: {  	s3 =	simm.s32 @!p0 $0x1082;
	s9 =	sld [smem:$0x3FAD]  }
0x2f: {  	lr =	sadd.s32 s0, s3;
	s0 =	sld [smem:$0x3FA4]  }
0x30: {  	s3 =	sld [smem:$0x3FA7]  }
0x31: {  	[smem:$0x3FB0] =	sst s10  }
0x32: {  	s10 =	sld [smem:$0x3FAE];
	_ =	sdelay $0x3  }
0x33: {  	p0 =	seq.s32 s10, $0x1;
	s10 =	sld [smem:$0x3FB0];
	_ =	sdelay $0x3  }
0x34: {  	[smem:$0x3FB0] =	sst s10  }
0x35: {  	s10 =	sld [smem:$0x3FAF];
	_ =	sdelay $0x3  }
0x36: {  	p1 =	seq.s32 s10, $0x1;
	s10 =	sld [smem:$0x3FB0];
	_ =	sdelay $0x3  }
0x37: {  	[smem:$0x3FB0] =	sst s10  }
0x38: {  	s10 =	sld [smem:$0x3FB1]  }
0x39: {  	_ = 	snop;
	(pc) =	sbr.ind lr, $3  }
0x3a: {  	_ = 	snop  }
0x3b: {  	_ = 	snop  }
0x3c: {  	p2 =	seq.s32 s10, $0x1;
	s10 =	sld [smem:$0x3FB0]  }
0x3d: {  	_ =	shalt  }
0x3e: {  	_ =	shalt  }
0x3f: {  	_ =	shalt  }
0x40: {  	_ =	shalt  }
0x41: {  	_ =	shalt  }
0x42: {  	_ =	shalt  }
0x43: {  	_ =	shalt  }
0x44: {  	_ =	shalt  }
0x45: {  	_ =	shalt  }
0x46: {  	_ =	shalt  }
0x47: {  	_ =	shalt  }
0x48: {  	_ =	shalt  }
0x49: {  	_ =	shalt  }
0x4a: {  	_ =	shalt  }
0x4b: {  	_ =	shalt  }
0x4c: {  	_ =	shalt  }
0x4d: {  	_ =	shalt  }
0x4e: {  	_ =	shalt  }
0x4f: {  	_ =	shalt  }
0x50: {  	_ =	shalt  }
0x51: {  	_ =	shalt  }
0x52: {  	_ =	shalt  }
0x53: {  	_ =	shalt  }
0x54: {  	_ =	shalt  }
0x55: {  	_ =	shalt  }
0x56: {  	_ =	shalt  }
0x57: {  	_ =	shalt  }
0x58: {  	_ =	shalt  }
0x59: {  	_ =	shalt  }
0x5a: {  	_ =	shalt  }
0x5b: {  	_ =	shalt  }
0x5c: {  	_ =	shalt  }
0x5d: {  	_ =	shalt  }
0x5e: {  	_ =	shalt  }
0x5f: {  	_ =	shalt  }
0x60: {  	_ =	shalt  }
0x61: {  	_ =	shalt  }
0x62: {  	_ =	shalt  }
0x63: {  	_ =	shalt  }
0x64: {  	_ =	shalt  }
0x65: {  	_ =	shalt  }
0x66: {  	_ =	shalt  }
0x67: {  	_ =	shalt  }
0x68: {  	_ =	shalt  }
0x69: {  	_ =	shalt  }
0x6a: {  	_ =	shalt  }
0x6b: {  	_ =	shalt  }
0x6c: {  	_ =	shalt  }
0x6d: {  	_ =	shalt  }
0x6e: {  	_ =	shalt  }
0x6f: {  	_ =	shalt  }
0x70: {  	_ =	shalt  }
0x71: {  	_ =	shalt  }
0x72: {  	_ =	shalt  }
0x73: {  	_ =	shalt  }
0x74: {  	_ =	shalt  }
0x75: {  	_ =	shalt  }
0x76: {  	_ =	shalt  }
0x77: {  	_ =	shalt  }
0x78: {  	_ =	shalt  }
0x79: {  	_ =	shalt  }
0x7a: {  	_ =	shalt  }
0x7b: {  	_ =	shalt  }
0x7c: {  	_ =	shalt  }
0x7d: {  	_ =	shalt  }
0x7e: {  	_ =	shalt  }
0x7f: {  	_ =	shalt  }
0x80: {  	_ =	shalt  }
0x81: {  	_ =	shalt  }
0x82: {  	_ =	shalt  }
0x83: {  	_ =	shalt  }
0x84: {  	_ =	shalt  }
0x85: {  	_ =	shalt  }
0x86: {  	_ =	shalt  }
0x87: {  	_ =	shalt  }
.Lfunc_end0:
.L_simem_size_0:
called_computation.1_lowered:
.L_overlay_start_0:
0x88: {  	s2 =	sld [smem:$0x3FD9]  }
0x89: {  	s3 =	sld [smem:$0x3FFE];
	_ =	sdelay $0x1  }
0x8a: {  	s1 =	srdreg.scid  }
0x8b: {  	s0 =	sand.u32 $0x1, s1  }
0x8c: {  	s17 =	sshll.u32 s0, $0xA;
	s2 =	sadd.s32 s3, s2  }
0x8d: {  	s2 =	sadd.s32 s2, s17  }
0x8e: {  	[smem:$0x3FBC] =	sst s2  }
0x8f: {  	_ = 	snop  }
0x90: {  	s2 =	sld [smem:$0x3FC8];
	(tm) =	ssettm $0x1  }
0x91: {  	s18 =	sld [smem:$0x3FFB];
	_ =	sdelay $0x3  }
0x92: {  	_ =	strace s18  }
0x93: {  	s3 =	sld [smem:$0x3FFC];
	_ =	sdelay $0x3  }
0x94: {  	_ =	strace s3  }
0x95: {  	s3 =	sld [smem:$0x3FFD];
	_ =	sdelay $0x3  }
0x96: {  	_ =	strace s3  }
0x97: {  	_ =	strace $0x8FFFFFFF  }
0x98: {  	s19 =	sld [smem:$0x3FDB];
	_ =	sdelay $0x1  }
0x99: {  	s4 =	simm.s32 $_scs_section_size  }
0x9a: {  	s5 =	simm.s32 $_size__tile_overlayer_lowered;
	s6 =	simm.s32 $_tile_overlayer_lowered  }
0x9b: {  	s22 =	simm.s32 $0x1BFF;
	s21 =	sshll.u32 s6, $0x1;
	s3 =	sadd.s32 s4, s19  }
0x9c: {  	s7 =	simm.s32 $0x0;
	s20 =	sshll.u32 s5, $0x1;
	s5 =	sadd.s32 s21, s3  }
0x9d: {  	[timem:s7], [sflag:s22] =	dma.local [hbm:s5], s20  }
0x9e: {  	_ =	swait.ge [sflag:s22], s20  }
0x9f: {  	s4 =	ssub.s32 $0x0, s20;
	[sflag:s22] =	ssyncset.done $0x0  }
0xa0: {  	[sflag:s22] =	ssyncadd.s32 s4;
	_ =	sdelay $0x1  }
0xa1: {  	s23 =	simm.s32 $0x1B8B  }
0xa2: {  	_ =	swait.ge [sflag:s23], $0x1  }
0xa3: {  	[sflag:s23] =	ssyncset.done $0x0  }
0xa4: {  	s25 =	simm.s32 $0x1B8E;
	s24 =	sld [smem:$0x3FFE];
	[sflag:s23] =	ssyncadd.s32 $0xFFFFFFFF  }
0xa5: {  	s26 =	simm.s32 $execute0_lowered;
	[smem:$0x3FD2] =	sst s25  }
0xa6: {  	s5 =	sshll.u32 s26, $0x1;
	_ =	strace $0x80000049;
	[dreg:$0x1] =	wrdreg $0xFFFFFFFF  }
0xa7: {  	s28 =	simm.s32 $_size_execute0_lowered;
	s3 =	sadd.s32 s3, s5;
	[dreg:$0x0] =	wrdreg $0x0  }
0xa8: {  	s5 =	sshll.u32 s28, $0x1;
	[dreg:$0x2] =	wrdreg s3  }
0xa9: {  	[dreg:$0x3] =	wrdreg s5  }
0xaa: {  	[dreg:$0x4] =	wrdreg $0xC0  }
0xab: {  	_ =	task [dreg:s7], $0x5FFFF  }
0xac: {  	[dreg:$0x1] =	wrdreg $0xFFFFFFFF  }
0xad: {  	[dreg:$0x0] =	wrdreg $0x60  }
0xae: {  	[dreg:$0x2] =	wrdreg s2  }
0xaf: {  	[dreg:$0x3] =	wrdreg s24  }
0xb0: {  	[dreg:$0x4] =	wrdreg $0x9  }
0xb1: {  	_ =	task.clear_ibuf [dreg:s7], $0x5FFFF;
	_ =	strace $0x90000049  }
0xb2: {  	s29 =	simm.s32 $0x9;
	_ =	strace $0x8000004B  }
0xb3: {  	_ =	swait.ge [sflag:s29], $0x1  }
0xb4: {  	[sflag:s29] =	ssyncadd.s32 $0xFFFFFFFF  }
0xb5: {  	_ =	strace $0x9000004B  }
0xb6: {  	_ =	sfence  }
0xb7: {  	s30 =	sld [smem:$0x0];
	_ =	sdelay $0x2  }
0xb8: {  	s31 =	sshll.u32 s1, $0xD;
	s1 =	sshrl.u32 s1, $0x2  }
0xb9: {  	s3 =	sand.u32 $0x4000, s31;
	s1 =	sadd.s32 s1, s30  }
0xba: {  	s0 =	sor.u32 s3, s0;
	s1 =	sshll.u32 s1, $0x11  }
0xbb: {  	s0 =	sor.u32 s1, s0  }
0xbc: {  	s0 =	sadd.s32 $0x8F2B, s0  }
0xbd: {  	[sflag:s0] =	ssyncadd.remote.s32 $0x1  }
0xbe: {  	_ =	sfence.sel $0xFFFF  }
0xbf: {  	[dreg:$0x0] =	wrdreg $0xFFFFFFFF;
	(pc) =	sbr.abs _section_cstart, $3  }
0xc0: {  	[dreg:$0x1] =	wrdreg $0xFFFFFFFF  }
0xc1: {  	_ =	task.clear_ibuf [dreg:s7], $0x2FFFF;
	_ =	strace $0x9FFFFFFF  }
0xc2: {  	(tm) =	ssettm $0x7FFFFFFF  }
0xc3: {  	_ =	shalt  }
tec
execute0_lowered:
.L_overlay_start_1:
0x0: {  	(tag) =	ssettag $0x1  }
0x1: {  	s1 =	srdreg.scid  }
0x2: {  	s0 =	stileid.u32;
	s2 =	rddreg [dreg:$0x0]  }
0x3: {  	s5 =	rddreg [dreg:$0x1];
	s3 =	simm.s32 $0x0;
	s10 =	simm.s32 $0x8200  }
0x4: {  	s11 =	simm.s32 $0xAA00;
	s12 =	simm.s32 $0x1;
	s13 =	simm.s32 $0xD200  }
0x5: {  	s14 =	simm.s32 $0xFA00;
	s15 =	simm.s32 $0x12200;
	s16 =	simm.s32 $0x14A00  }
0x6: {  	s17 =	simm.s32 $0x2;
	s18 =	simm.s32 $0x3;
	s19 =	simm.s32 $0x0  }
0x7: {  	s4 =	sand.u32 $0x1, s1;
	s29 =	sshll.u32 s0, $0x1;
	s1 =	rddreg [dreg:$0x2]  }
0x8: {  	[smem:$0x7FF] =	sst s3;
	s7 =	smul.u32 $0x64000, s0;
	s6 =	sor.u32 s4, s29  }
0x9: {  	_ =	strace $0x8000004A;
	s8 =	ssub.s32 $0x2, s4;
	s4 =	smul.u32 $0x32000, s4  }
0xa: {  	s6 =	smul.u32 $0x3200, s6;
	s7 =	sadd.s32 s7, s5;
	s9 =	sshrl.u32 s8, $0x1  }
0xb: {  	s30 =	ssub.s32 s8, s9;
	s7 =	sadd.s32 s4, s7;
	s8 =	simm.s32 $0x3200  }
0xc: {  	s9 =	simm.s32 $0x5A00;
	s6 =	sshrl.u32 s6, $0x3;
	s31 =	sadd.s32 $0x65B200, s7  }
0xd: {  	s7 =	simm.s32 $0x50;
	s5 =	sadd.s32 s6, s5;
	[dreg:$0x3] =	wrdreg s31  }
0xe: {  	s6 =	simm.s32 $0x4;
	s4 =	sadd.s32 $0x64EA00, s5;
	s5 =	smax.u32 s30, $0x1  }
.LBB2_1:
0xf: {  	[tilespmem:s3], [sflag:$0x4] =	stream.linear.gather [hbm4b:s4+s3], $0x3200, $0x38;
	[tilespmem:$0x17200] =	vst v63  }
0x10: {  	_ =	swait.ge [sflag:s6], $0x3200  }
0x11: {  	p0 =	por $0x1, $0x1;
	[sflag:s6] =	ssyncset.done $0x0  }
0x12: {  	s20 =	simm.s32 @!p0 $0x2;
	[sflag:s6] =	ssyncadd.s32 $0xFFFFCE00  }
0x13: {  	_ =	swait.ge @!p0 [sflag:s20], $0x2800  }
0x14: {  	[sflag:s20] =	ssyncset.done @!p0 $0x0  }
0x15: {  	[sflag:s20] =	ssyncadd.s32 @!p0 $0xFFFFD800  }
0x16: {  	_ =	swait.ge @!p0 [sflag:s20], $0x2800  }
0x17: {  	[sflag:s20] =	ssyncset.done @!p0 $0x0  }
0x18: {  	[sflag:s20] =	ssyncadd.s32 @!p0 $0xFFFFD800  }
0x19: {  	_ =	swait.ge @!p0 [sflag:s20], $0x2800  }
0x1a: {  	[sflag:s20] =	ssyncset.done @!p0 $0x0  }
0x1b: {  	[sflag:s20] =	ssyncadd.s32 @!p0 $0xFFFFD800  }
0x1c: {  	_ =	swait.ge @!p0 [sflag:s20], $0x2800  }
0x1d: {  	[sflag:s20] =	ssyncset.done @!p0 $0x0  }
0x1e: {  	s26 =	simm.s32 $0x0;
	[sflag:s20] =	ssyncadd.s32 @!p0 $0xFFFFD800  }
0x1f: {  	[tilespmem:s8], [sflag:$0x1] =	stream.indirect.gather [hbm4b:s2+s7], $0x80, s26, s7, $0xb8;
	[tilespmem:$0x17200] =	vst v63  }
0x20: {  	s28 =	simm.s32 $0x50  }
0x21: {  	[tilespmem:s9], [sflag:$0x1] =	stream.indirect.gather [hbm4b:s2+s7], $0x80, s28, s7, $0xb8;
	[tilespmem:$0x17200] =	vst v63  }
0x22: {  	s29 =	simm.s32 $0xA0  }
0x23: {  	[tilespmem:s10], [sflag:$0x1] =	stream.indirect.gather [hbm4b:s2+s7], $0x80, s29, s7, $0xb8;
	[tilespmem:$0x17200] =	vst v63  }
0x24: {  	s30 =	simm.s32 $0xF0  }
0x25: {  	[tilespmem:s11], [sflag:$0x1] =	stream.indirect.gather [hbm4b:s2+s7], $0x80, s30, s7, $0xb8;
	[tilespmem:$0x17200] =	vst v63  }
0x26: {  	_ =	swait.ge [sflag:s12], $0x2800  }
0x27: {  	s31 =	rddreg [dreg:$0x3];
	[sflag:s12] =	ssyncset.done $0x0  }
0x28: {  	[sflag:s12] =	ssyncadd.s32 $0xFFFFD800;
	s23 =	sadd.s32 $0x0, s31  }
0x29: {  	[hbm4b:s23+s3] =	stream.linear.scatter [tilespmem:s8], [sflag:$0x2], $0x2800, $0x38;
	[tilespmem:$0x17200] =	vst v63  }
0x2a: {  	_ =	swait.ge [sflag:s12], $0x2800  }
0x2b: {  	[sflag:s12] =	ssyncset.done $0x0  }
0x2c: {  	s20 =	sadd.s32 $0x500, s23;
	[sflag:s12] =	ssyncadd.s32 $0xFFFFD800  }
0x2d: {  	[hbm4b:s20+s3] =	stream.linear.scatter [tilespmem:s9], [sflag:$0x2], $0x2800, $0x38;
	[tilespmem:$0x17200] =	vst v63  }
0x2e: {  	_ =	swait.ge [sflag:s12], $0x2800  }
0x2f: {  	[sflag:s12] =	ssyncset.done $0x0  }
0x30: {  	s21 =	sadd.s32 $0xA00, s23;
	[sflag:s12] =	ssyncadd.s32 $0xFFFFD800  }
0x31: {  	[hbm4b:s21+s3] =	stream.linear.scatter [tilespmem:s10], [sflag:$0x2], $0x2800, $0x38;
	[tilespmem:$0x17200] =	vst v63  }
0x32: {  	_ =	swait.ge [sflag:s12], $0x2800  }
0x33: {  	[sflag:s12] =	ssyncset.done $0x0  }
0x34: {  	s22 =	sadd.s32 $0xF00, s23;
	s21 =	simm.s32 @!p0 $0x3;
	[sflag:s12] =	ssyncadd.s32 $0xFFFFD800  }
0x35: {  	[hbm4b:s22+s3] =	stream.linear.scatter [tilespmem:s11], [sflag:$0x2], $0x2800, $0x38;
	[tilespmem:$0x17200] =	vst v63  }
0x36: {  	_ =	swait.ge @!p0 [sflag:s21], $0x2800  }
0x37: {  	[sflag:s21] =	ssyncset.done @!p0 $0x0  }
0x38: {  	[sflag:s21] =	ssyncadd.s32 @!p0 $0xFFFFD800  }
0x39: {  	_ =	swait.ge @!p0 [sflag:s21], $0x2800  }
0x3a: {  	[sflag:s21] =	ssyncset.done @!p0 $0x0  }
0x3b: {  	[sflag:s21] =	ssyncadd.s32 @!p0 $0xFFFFD800  }
0x3c: {  	_ =	swait.ge @!p0 [sflag:s21], $0x2800  }
0x3d: {  	[sflag:s21] =	ssyncset.done @!p0 $0x0  }
0x3e: {  	[sflag:s21] =	ssyncadd.s32 @!p0 $0xFFFFD800  }
0x3f: {  	_ =	swait.ge @!p0 [sflag:s21], $0x2800  }
0x40: {  	[sflag:s21] =	ssyncset.done @!p0 $0x0  }
0x41: {  	s24 =	simm.s32 $0x140;
	[sflag:s21] =	ssyncadd.s32 @!p0 $0xFFFFD800  }
0x42: {  	[tilespmem:s13], [sflag:$0x1] =	stream.indirect.gather [hbm4b:s2+s7], $0x80, s24, s7, $0xb8;
	[tilespmem:$0x17200] =	vst v63  }
0x43: {  	s25 =	simm.s32 $0x190  }
0x44: {  	[tilespmem:s14], [sflag:$0x1] =	stream.indirect.gather [hbm4b:s2+s7], $0x80, s25, s7, $0xb8;
	[tilespmem:$0x17200] =	vst v63  }
0x45: {  	s26 =	simm.s32 $0x1E0  }
0x46: {  	[tilespmem:s15], [sflag:$0x1] =	stream.indirect.gather [hbm4b:s2+s7], $0x80, s26, s7, $0xb8;
	[tilespmem:$0x17200] =	vst v63  }
0x47: {  	s28 =	simm.s32 $0x230  }
0x48: {  	[tilespmem:s16], [sflag:$0x1] =	stream.indirect.gather [hbm4b:s2+s7], $0x80, s28, s7, $0xb8;
	[tilespmem:$0x17200] =	vst v63  }
0x49: {  	_ =	swait.ge [sflag:s12], $0x2800  }
0x4a: {  	[sflag:s12] =	ssyncset.done $0x0  }
0x4b: {  	s29 =	sadd.s32 $0x1400, s23;
	[sflag:s12] =	ssyncadd.s32 $0xFFFFD800  }
0x4c: {  	[hbm4b:s29+s3] =	stream.linear.scatter [tilespmem:s13], [sflag:$0x3], $0x2800, $0x38;
	[tilespmem:$0x17200] =	vst v63  }
0x4d: {  	_ =	swait.ge [sflag:s12], $0x2800  }
0x4e: {  	[sflag:s12] =	ssyncset.done $0x0  }
0x4f: {  	s30 =	sadd.s32 $0x1900, s23;
	[sflag:s12] =	ssyncadd.s32 $0xFFFFD800  }
0x50: {  	[hbm4b:s30+s3] =	stream.linear.scatter [tilespmem:s14], [sflag:$0x3], $0x2800, $0x38;
	[tilespmem:$0x17200] =	vst v63  }
0x51: {  	_ =	swait.ge [sflag:s12], $0x2800  }
0x52: {  	[sflag:s12] =	ssyncset.done $0x0  }
0x53: {  	s31 =	sadd.s32 $0x1E00, s23;
	s23 =	sadd.s32 $0x2300, s23;
	[sflag:s12] =	ssyncadd.s32 $0xFFFFD800  }
0x54: {  	[hbm4b:s31+s3] =	stream.linear.scatter [tilespmem:s15], [sflag:$0x3], $0x2800, $0x38;
	[tilespmem:$0x17200] =	vst v63  }
0x55: {  	s20 =	simm.s32 $0x4B0;
	s22 =	simm.s32 $0x5000;
	_ =	swait.ge [sflag:s12], $0x2800  }
0x56: {  	s21 =	simm.s32 $0x2800;
	p0 =	por $0x0, $0x0;
	[sflag:s12] =	ssyncset.done $0x0  }
.LBB2_2:
0x57: {  	s24 =	simm.s32 @!p0 $0x2;
	[sflag:s12] =	ssyncadd.s32 $0xFFFFD800  }
0x58: {  	[hbm4b:s23+s3] =	stream.linear.scatter [tilespmem:s16], [sflag:$0x3], $0x2800, $0x38;
	[tilespmem:$0x17200] =	vst v63  }
0x59: {  	_ =	swait.ge @!p0 [sflag:s24], $0x2800  }
0x5a: {  	[sflag:s24] =	ssyncset.done @!p0 $0x0  }
0x5b: {  	[sflag:s24] =	ssyncadd.s32 @!p0 $0xFFFFD800  }
0x5c: {  	_ =	swait.ge @!p0 [sflag:s24], $0x2800  }
0x5d: {  	[sflag:s24] =	ssyncset.done @!p0 $0x0  }
0x5e: {  	[sflag:s24] =	ssyncadd.s32 @!p0 $0xFFFFD800  }
0x5f: {  	_ =	swait.ge @!p0 [sflag:s24], $0x2800  }
0x60: {  	[sflag:s24] =	ssyncset.done @!p0 $0x0  }
0x61: {  	[sflag:s24] =	ssyncadd.s32 @!p0 $0xFFFFD800  }
0x62: {  	_ =	swait.ge @!p0 [sflag:s24], $0x2800  }
0x63: {  	[sflag:s24] =	ssyncset.done @!p0 $0x0  }
0x64: {  	s30 =	sadd.s32 $0xFFFFFDD0, s20;
	[sflag:s24] =	ssyncadd.s32 @!p0 $0xFFFFD800  }
0x65: {  	[tilespmem:s8], [sflag:$0x1] =	stream.indirect.gather [hbm4b:s2+s7], $0x80, s30, s7, $0xb8;
	[tilespmem:$0x17200] =	vst v63  }
0x66: {  	s31 =	sadd.s32 $0xFFFFFE20, s20  }
0x67: {  	[tilespmem:s9], [sflag:$0x1] =	stream.indirect.gather [hbm4b:s2+s7], $0x80, s31, s7, $0xb8;
	[tilespmem:$0x17200] =	vst v63  }
0x68: {  	s24 =	sadd.s32 $0xFFFFFE70, s20  }
0x69: {  	[tilespmem:s10], [sflag:$0x1] =	stream.indirect.gather [hbm4b:s2+s7], $0x80, s24, s7, $0xb8;
	[tilespmem:$0x17200] =	vst v63  }
0x6a: {  	s26 =	sadd.s32 $0xFFFFFEC0, s20  }
0x6b: {  	[tilespmem:s11], [sflag:$0x1] =	stream.indirect.gather [hbm4b:s2+s7], $0x80, s26, s7, $0xb8;
	[tilespmem:$0x17200] =	vst v63  }
0x6c: {  	_ =	swait.ge [sflag:s12], $0x2800  }
0x6d: {  	s28 =	rddreg [dreg:$0x3];
	[sflag:s12] =	ssyncset.done $0x0  }
0x6e: {  	[sflag:s12] =	ssyncadd.s32 $0xFFFFD800;
	s23 =	sadd.s32 s21, s28  }
0x6f: {  	[hbm4b:s23+s3] =	stream.linear.scatter [tilespmem:s8], [sflag:$0x2], $0x2800, $0x38;
	[tilespmem:$0x17200] =	vst v63  }
0x70: {  	_ =	swait.ge [sflag:s12], $0x2800  }
0x71: {  	[sflag:s12] =	ssyncset.done $0x0  }
0x72: {  	s29 =	sadd.s32 $0x500, s23;
	[sflag:s12] =	ssyncadd.s32 $0xFFFFD800  }
0x73: {  	[hbm4b:s29+s3] =	stream.linear.scatter [tilespmem:s9], [sflag:$0x2], $0x2800, $0x38;
	[tilespmem:$0x17200] =	vst v63  }
0x74: {  	_ =	swait.ge [sflag:s12], $0x2800  }
0x75: {  	[sflag:s12] =	ssyncset.done $0x0  }
0x76: {  	s30 =	sadd.s32 $0xA00, s23;
	[sflag:s12] =	ssyncadd.s32 $0xFFFFD800  }
0x77: {  	[hbm4b:s30+s3] =	stream.linear.scatter [tilespmem:s10], [sflag:$0x2], $0x2800, $0x38;
	[tilespmem:$0x17200] =	vst v63  }
0x78: {  	s25 =	smov.u32 s22;
	_ =	swait.ge [sflag:s12], $0x2800  }
0x79: {  	s21 =	smov.u32 s25;
	[sflag:s12] =	ssyncset.done $0x0  }
0x7a: {  	s25 =	simm.s32 @!p0 $0x3;
	s31 =	sadd.s32 $0xF00, s23;
	[sflag:s12] =	ssyncadd.s32 $0xFFFFD800  }
0x7b: {  	[hbm4b:s31+s3] =	stream.linear.scatter [tilespmem:s11], [sflag:$0x2], $0x2800, $0x38;
	[tilespmem:$0x17200] =	vst v63  }
0x7c: {  	_ =	swait.ge @!p0 [sflag:s25], $0x2800  }
0x7d: {  	[sflag:s25] =	ssyncset.done @!p0 $0x0  }
0x7e: {  	[sflag:s25] =	ssyncadd.s32 @!p0 $0xFFFFD800  }
0x7f: {  	_ =	swait.ge @!p0 [sflag:s25], $0x2800  }
0x80: {  	[sflag:s25] =	ssyncset.done @!p0 $0x0  }
0x81: {  	[sflag:s25] =	ssyncadd.s32 @!p0 $0xFFFFD800  }
0x82: {  	_ =	swait.ge @!p0 [sflag:s25], $0x2800  }
0x83: {  	[sflag:s25] =	ssyncset.done @!p0 $0x0  }
0x84: {  	[sflag:s25] =	ssyncadd.s32 @!p0 $0xFFFFD800  }
0x85: {  	_ =	swait.ge @!p0 [sflag:s25], $0x2800  }
0x86: {  	[sflag:s25] =	ssyncset.done @!p0 $0x0  }
0x87: {  	[sflag:s25] =	ssyncadd.s32 @!p0 $0xFFFFD800;
	s25 =	sadd.s32 $0xFFFFFF10, s20  }
0x88: {  	[tilespmem:s13], [sflag:$0x1] =	stream.indirect.gather [hbm4b:s2+s7], $0x80, s25, s7, $0xb8;
	[tilespmem:$0x17200] =	vst v63  }
0x89: {  	s26 =	sadd.s32 $0xFFFFFF60, s20  }
0x8a: {  	[tilespmem:s14], [sflag:$0x1] =	stream.indirect.gather [hbm4b:s2+s7], $0x80, s26, s7, $0xb8;
	[tilespmem:$0x17200] =	vst v63  }
0x8b: {  	s28 =	sadd.s32 $0xFFFFFFB0, s20  }
0x8c: {  	[tilespmem:s15], [sflag:$0x1] =	stream.indirect.gather [hbm4b:s2+s7], $0x80, s28, s7, $0xb8;
	[tilespmem:$0x17200] =	vst v63  }
0x8d: {  	_ = 	snop  }
0x8e: {  	[tilespmem:s16], [sflag:$0x1] =	stream.indirect.gather [hbm4b:s2+s7], $0x80, s20, s7, $0xb8;
	[tilespmem:$0x17200] =	vst v63  }
0x8f: {  	_ =	swait.ge [sflag:s12], $0x2800  }
0x90: {  	[sflag:s12] =	ssyncset.done $0x0  }
0x91: {  	s29 =	sadd.s32 $0x1400, s23;
	[sflag:s12] =	ssyncadd.s32 $0xFFFFD800  }
0x92: {  	[hbm4b:s29+s3] =	stream.linear.scatter [tilespmem:s13], [sflag:$0x3], $0x2800, $0x38;
	[tilespmem:$0x17200] =	vst v63  }
0x93: {  	_ =	swait.ge [sflag:s12], $0x2800  }
0x94: {  	[sflag:s12] =	ssyncset.done $0x0  }
0x95: {  	s22 =	sadd.s32 $0x2800, s22;
	s30 =	sadd.s32 $0x1900, s23;
	[sflag:s12] =	ssyncadd.s32 $0xFFFFD800  }
0x96: {  	[hbm4b:s30+s3] =	stream.linear.scatter [tilespmem:s14], [sflag:$0x3], $0x2800, $0x38;
	[tilespmem:$0x17200] =	vst v63  }
0x97: {  	p1 =	sne.s32 s22, $0x32000;
	_ =	swait.ge [sflag:s12], $0x2800  }
.Ltmp0:
0x98: {  	[sflag:s12] =	ssyncset.done $0x0;
	(pc) =	sbr.rel @p1 .LBB2_2-.Ltmp0, $4  }
0x99: {  	s31 =	sadd.s32 $0x1E00, s23;
	[sflag:s12] =	ssyncadd.s32 $0xFFFFD800  }
0x9a: {  	[hbm4b:s31+s3] =	stream.linear.scatter [tilespmem:s15], [sflag:$0x3], $0x2800, $0x38;
	[tilespmem:$0x17200] =	vst v63  }
0x9b: {  	s23 =	sadd.s32 $0x2300, s23;
	_ =	swait.ge [sflag:s12], $0x2800  }
0x9c: {  	p0 =	seq.s32 s21, $0x0;
	s20 =	sadd.s32 $0x280, s20;
	[sflag:s12] =	ssyncset.done $0x0  }
0x9d: {  	s22 =	simm.s32 @!p0 $0x2;
	[sflag:s12] =	ssyncadd.s32 $0xFFFFD800  }
0x9e: {  	[hbm4b:s23+s3] =	stream.linear.scatter [tilespmem:s16], [sflag:$0x3], $0x2800, $0x38;
	[tilespmem:$0x17200] =	vst v63  }
0x9f: {  	_ =	swait.ge @!p0 [sflag:s22], $0x2800  }
0xa0: {  	[sflag:s22] =	ssyncset.done @!p0 $0x0  }
0xa1: {  	[sflag:s22] =	ssyncadd.s32 @!p0 $0xFFFFD800  }
0xa2: {  	_ =	swait.ge @!p0 [sflag:s22], $0x2800  }
0xa3: {  	[sflag:s22] =	ssyncset.done @!p0 $0x0  }
0xa4: {  	[sflag:s22] =	ssyncadd.s32 @!p0 $0xFFFFD800  }
0xa5: {  	_ =	swait.ge @!p0 [sflag:s22], $0x2800  }
0xa6: {  	[sflag:s22] =	ssyncset.done @!p0 $0x0  }
0xa7: {  	[sflag:s22] =	ssyncadd.s32 @!p0 $0xFFFFD800  }
0xa8: {  	_ =	swait.ge @!p0 [sflag:s22], $0x2800  }
0xa9: {  	[sflag:s22] =	ssyncset.done @!p0 $0x0  }
0xaa: {  	s24 =	sadd.s32 $0xFFFFFDD0, s20;
	[sflag:s22] =	ssyncadd.s32 @!p0 $0xFFFFD800  }
0xab: {  	[tilespmem:s8], [sflag:$0x1] =	stream.indirect.gather [hbm4b:s2+s7], $0x80, s24, s7, $0xb8;
	[tilespmem:$0x17200] =	vst v63  }
0xac: {  	s25 =	sadd.s32 $0xFFFFFE20, s20  }
0xad: {  	[tilespmem:s9], [sflag:$0x1] =	stream.indirect.gather [hbm4b:s2+s7], $0x80, s25, s7, $0xb8;
	[tilespmem:$0x17200] =	vst v63  }
0xae: {  	s26 =	sadd.s32 $0xFFFFFE70, s20  }
0xaf: {  	[tilespmem:s10], [sflag:$0x1] =	stream.indirect.gather [hbm4b:s2+s7], $0x80, s26, s7, $0xb8;
	[tilespmem:$0x17200] =	vst v63  }
0xb0: {  	s28 =	sadd.s32 $0xFFFFFEC0, s20  }
0xb1: {  	[tilespmem:s11], [sflag:$0x1] =	stream.indirect.gather [hbm4b:s2+s7], $0x80, s28, s7, $0xb8;
	[tilespmem:$0x17200] =	vst v63  }
0xb2: {  	_ =	swait.ge [sflag:s12], $0x2800  }
0xb3: {  	s29 =	rddreg [dreg:$0x3];
	[sflag:s12] =	ssyncset.done $0x0  }
0xb4: {  	[sflag:s12] =	ssyncadd.s32 $0xFFFFD800;
	s21 =	sadd.s32 s21, s29  }
0xb5: {  	[hbm4b:s21+s3] =	stream.linear.scatter [tilespmem:s8], [sflag:$0x2], $0x2800, $0x38;
	[tilespmem:$0x17200] =	vst v63  }
0xb6: {  	_ =	swait.ge [sflag:s12], $0x2800  }
0xb7: {  	[sflag:s12] =	ssyncset.done $0x0  }
0xb8: {  	s22 =	sadd.s32 $0x500, s21;
	[sflag:s12] =	ssyncadd.s32 $0xFFFFD800  }
0xb9: {  	[hbm4b:s22+s3] =	stream.linear.scatter [tilespmem:s9], [sflag:$0x2], $0x2800, $0x38;
	[tilespmem:$0x17200] =	vst v63  }
0xba: {  	_ =	swait.ge [sflag:s12], $0x2800  }
0xbb: {  	[sflag:s12] =	ssyncset.done $0x0  }
0xbc: {  	s30 =	sadd.s32 $0xA00, s21;
	[sflag:s12] =	ssyncadd.s32 $0xFFFFD800  }
0xbd: {  	[hbm4b:s30+s3] =	stream.linear.scatter [tilespmem:s10], [sflag:$0x2], $0x2800, $0x38;
	[tilespmem:$0x17200] =	vst v63  }
0xbe: {  	_ =	swait.ge [sflag:s12], $0x2800  }
0xbf: {  	[sflag:s12] =	ssyncset.done $0x0  }
0xc0: {  	s23 =	simm.s32 @!p0 $0x3;
	s31 =	sadd.s32 $0xF00, s21;
	[sflag:s12] =	ssyncadd.s32 $0xFFFFD800  }
0xc1: {  	[hbm4b:s31+s3] =	stream.linear.scatter [tilespmem:s11], [sflag:$0x2], $0x2800, $0x38;
	[tilespmem:$0x17200] =	vst v63  }
0xc2: {  	_ =	swait.ge @!p0 [sflag:s23], $0x2800  }
0xc3: {  	[sflag:s23] =	ssyncset.done @!p0 $0x0  }
0xc4: {  	[sflag:s23] =	ssyncadd.s32 @!p0 $0xFFFFD800  }
0xc5: {  	_ =	swait.ge @!p0 [sflag:s23], $0x2800  }
0xc6: {  	[sflag:s23] =	ssyncset.done @!p0 $0x0  }
0xc7: {  	[sflag:s23] =	ssyncadd.s32 @!p0 $0xFFFFD800  }
0xc8: {  	_ =	swait.ge @!p0 [sflag:s23], $0x2800  }
0xc9: {  	[sflag:s23] =	ssyncset.done @!p0 $0x0  }
0xca: {  	[sflag:s23] =	ssyncadd.s32 @!p0 $0xFFFFD800  }
0xcb: {  	_ =	swait.ge @!p0 [sflag:s23], $0x2800  }
0xcc: {  	[sflag:s23] =	ssyncset.done @!p0 $0x0  }
0xcd: {  	s24 =	sadd.s32 $0xFFFFFF10, s20;
	[sflag:s23] =	ssyncadd.s32 @!p0 $0xFFFFD800  }
0xce: {  	[tilespmem:s13], [sflag:$0x1] =	stream.indirect.gather [hbm4b:s2+s7], $0x80, s24, s7, $0xb8;
	[tilespmem:$0x17200] =	vst v63  }
0xcf: {  	s25 =	sadd.s32 $0xFFFFFF60, s20  }
0xd0: {  	[tilespmem:s14], [sflag:$0x1] =	stream.indirect.gather [hbm4b:s2+s7], $0x80, s25, s7, $0xb8;
	[tilespmem:$0x17200] =	vst v63  }
0xd1: {  	s26 =	sadd.s32 $0xFFFFFFB0, s20  }
0xd2: {  	[tilespmem:s15], [sflag:$0x1] =	stream.indirect.gather [hbm4b:s2+s7], $0x80, s26, s7, $0xb8;
	[tilespmem:$0x17200] =	vst v63  }
0xd3: {  	_ = 	snop  }
0xd4: {  	[tilespmem:s16], [sflag:$0x1] =	stream.indirect.gather [hbm4b:s2+s7], $0x80, s20, s7, $0xb8;
	[tilespmem:$0x17200] =	vst v63  }
0xd5: {  	_ =	swait.ge [sflag:s12], $0x2800  }
0xd6: {  	[sflag:s12] =	ssyncset.done $0x0  }
0xd7: {  	s28 =	sadd.s32 $0x1400, s21;
	[sflag:s12] =	ssyncadd.s32 $0xFFFFD800  }
0xd8: {  	[hbm4b:s28+s3] =	stream.linear.scatter [tilespmem:s13], [sflag:$0x3], $0x2800, $0x38;
	[tilespmem:$0x17200] =	vst v63  }
0xd9: {  	_ =	swait.ge [sflag:s12], $0x2800  }
0xda: {  	[sflag:s12] =	ssyncset.done $0x0  }
0xdb: {  	s29 =	sadd.s32 $0x1900, s21;
	[sflag:s12] =	ssyncadd.s32 $0xFFFFD800  }
0xdc: {  	[hbm4b:s29+s3] =	stream.linear.scatter [tilespmem:s14], [sflag:$0x3], $0x2800, $0x38;
	[tilespmem:$0x17200] =	vst v63  }
0xdd: {  	_ =	swait.ge [sflag:s12], $0x2800  }
0xde: {  	[sflag:s12] =	ssyncset.done $0x0  }
0xdf: {  	s30 =	sadd.s32 $0x1E00, s21;
	[sflag:s12] =	ssyncadd.s32 $0xFFFFD800  }
0xe0: {  	[hbm4b:s30+s3] =	stream.linear.scatter [tilespmem:s15], [sflag:$0x3], $0x2800, $0x38;
	[tilespmem:$0x17200] =	vst v63  }
0xe1: {  	_ =	swait.ge [sflag:s12], $0x2800  }
0xe2: {  	[sflag:s12] =	ssyncset.done $0x0  }
0xe3: {  	s31 =	sadd.s32 $0x2300, s21;
	[sflag:s12] =	ssyncadd.s32 $0xFFFFD800  }
0xe4: {  	[hbm4b:s31+s3] =	stream.linear.scatter [tilespmem:s16], [sflag:$0x3], $0x2800, $0x38;
	[tilespmem:$0x17200] =	vst v63  }
0xe5: {  	_ =	swait.ge [sflag:s17], $0x2800  }
0xe6: {  	[sflag:s17] =	ssyncset.done $0x0  }
0xe7: {  	[sflag:s17] =	ssyncadd.s32 $0xFFFFD800  }
0xe8: {  	_ =	swait.ge [sflag:s17], $0x2800  }
0xe9: {  	[sflag:s17] =	ssyncset.done $0x0  }
0xea: {  	[sflag:s17] =	ssyncadd.s32 $0xFFFFD800  }
0xeb: {  	_ =	swait.ge [sflag:s17], $0x2800  }
0xec: {  	[sflag:s17] =	ssyncset.done $0x0  }
0xed: {  	[sflag:s17] =	ssyncadd.s32 $0xFFFFD800  }
0xee: {  	_ =	swait.ge [sflag:s17], $0x2800  }
0xef: {  	[sflag:s17] =	ssyncset.done $0x0  }
0xf0: {  	[sflag:s17] =	ssyncadd.s32 $0xFFFFD800  }
0xf1: {  	_ =	swait.ge [sflag:s18], $0x2800  }
0xf2: {  	[sflag:s18] =	ssyncset.done $0x0  }
0xf3: {  	[sflag:s18] =	ssyncadd.s32 $0xFFFFD800  }
0xf4: {  	_ =	swait.ge [sflag:s18], $0x2800  }
0xf5: {  	[sflag:s18] =	ssyncset.done $0x0  }
0xf6: {  	s19 =	sadd.s32 $0x1, s19;
	[sflag:s18] =	ssyncadd.s32 $0xFFFFD800  }
0xf7: {  	p0 =	sne.s32 s19, s5;
	_ =	swait.ge [sflag:s18], $0x2800  }
.Ltmp1:
0xf8: {  	[sflag:s18] =	ssyncset.done $0x0;
	(pc) =	sbr.rel @p0 .LBB2_1-.Ltmp1, $4  }
0xf9: {  	[sflag:s18] =	ssyncadd.s32 $0xFFFFD800  }
0xfa: {  	_ =	swait.ge [sflag:s18], $0x2800  }
0xfb: {  	[sflag:s18] =	ssyncset.done $0x0  }
0xfc: {  	[sflag:s18] =	ssyncadd.s32 $0xFFFFD800  }
0xfd: {  	_ =	sfence.sel $0x180000  }
0xfe: {  	[bflag:$0x0] =	sbarrier.arrive $0xFFFF  }
0xff: {  	p0 =	sne.s32 s0, $0x0;
	_ =	strace $0x9000004A  }
0x100: {  	s0 =	sadd.s32 @!p0 $0x100000, s1;
	[bflag:$0x2] =	sbarrier.arrive $0xFFFF  }
0x101: {  	[sflag:s0] =	ssyncadd.tile.s32 @!p0 $0x1;
	_ =	shalt  }
.Lfunc_end2:
_tile_overlayer_lowered:
.L_overlay_start_2:
0x102: {  	(tag) =	ssettag $0x2  }
0x103: {  	s0 =	rddreg [dreg:$0x0];
	s2 =	stileid.u32  }
0x104: {  	s1 =	rddreg [dreg:$0x1];
	p0 =	sne.s32 s2, $0x0  }
0x105: {  	s3 =	rddreg [dreg:$0x2];
	[bflag:$0x3] =	sbarrier.arrive $0xFFFF;
	s2 =	simm.s32 @!p0 $0x1C04  }
0x106: {  	[timem:s3], [sflag:s2] =	dma.local @!p0 [hbm:s0], s1  }
0x107: {  	s0 =	simm.s32 @!p0 $0x4  }
0x108: {  	_ =	swait.ge @!p0 [sflag:s0], s1  }
0x109: {  	s1 =	ssub.s32 @!p0 $0x0, s1;
	[sflag:s0] =	ssyncset.done @!p0 $0x0  }
0x10a: {  	[sflag:s0] =	ssyncadd.s32 @!p0 s1  }
0x10b: {  	[bflag:$0x3] =	sbarrier.arrive $0xFFFF  }
0x10c: {  	_ =	shalt  }

</sc_bundles>
